<compile_context>
chip_gen: v7x
topology: tpu7x:2x2x1
jax: 0.10.2.dev20260603
libtpu: 0.0.44.dev20260713+nightly
codegen_flags: <defaults>
</compile_context>

<pallas_src>
import functools

import jax
import jax.numpy as jnp
from jax import lax
from jax.experimental import pallas as pl
from jax.experimental.pallas import tpu as pltpu
from jax.experimental.pallas import tpu_sc as plsc

_HID = 4096
_NE = 64
_K = 8
_BT = 1024

_NCORE = 2
_NSUB = 16
_NW = _NCORE * _NSUB
_CH = 64


def _matmul_block(x_ref, wt_ref, l_ref):
    l_ref[...] = jnp.dot(x_ref[...], wt_ref[...],
                         preferred_element_type=jnp.float32)


def _tc_logits(flat, wt, block0, n_blocks):
    return pl.pallas_call(
        _matmul_block,
        grid=(n_blocks,),
        in_specs=[
            pl.BlockSpec((_BT, _HID), lambda i: (block0 + i, 0)),
            pl.BlockSpec((_HID, _NE), lambda i: (0, 0)),
        ],
        out_specs=pl.BlockSpec((_BT, _NE), lambda i: (i, 0)),
        out_shape=jax.ShapeDtypeStruct((n_blocks * _BT, _NE), jnp.float32),
    )(flat, wt)


def _sc_body(n_tok, logits_hbm, rw_hbm, se_hbm, chunk_v, outw_v, outi_v):
    tpw = n_tok // _NW
    nch = tpw // _CH
    wid = lax.axis_index("s") * _NCORE + lax.axis_index("c")
    base = wid * tpw
    lane = lax.iota(jnp.int32, 16)
    low = lane < _K

    def merge(ka, ia, kb, ib):
        krb = lax.rev(kb, (0,))
        irb = lax.rev(ib, (0,))
        gt = ka >= krb
        kk = jnp.where(gt, ka, krb)
        ii = jnp.where(gt, ia, irb)
        return plsc.sort_key_val(kk, ii, descending=True)

    for ch in range(nch):
        tok0 = base + ch * _CH
        pltpu.sync_copy(logits_hbm.at[pl.ds(tok0 * _NE, _CH * _NE)], chunk_v)

        def body(t, carry):
            off = t * _NE
            ks = []
            vs = []
            for j in range(4):
                kj = chunk_v[pl.ds(off + 16 * j, 16)]
                ij = lane + 16 * j
                kjs, ijs = plsc.sort_key_val(kj, ij, descending=True)
                ks.append(kjs)
                vs.append(ijs)
            k01, i01 = merge(ks[0], vs[0], ks[1], vs[1])
            k23, i23 = merge(ks[2], vs[2], ks[3], vs[3])
            kf, idf = merge(k01, i01, k23, i23)
            m = jnp.max(kf)
            e = jnp.exp(kf - m)
            e = jnp.where(low, e, 0.0)
            w = e / jnp.sum(e)
            plsc.store_compressed(outw_v.at[pl.ds(t * _K, 16)], w, mask=low)
            plsc.store_compressed(outi_v.at[pl.ds(t * _K, 16)], idf, mask=low)
            return carry

        lax.fori_loop(0, _CH, body, 0)
        pltpu.sync_copy(outw_v.at[pl.ds(0, _CH * _K)],
                        rw_hbm.at[pl.ds(tok0 * _K, _CH * _K)])
        pltpu.sync_copy(outi_v.at[pl.ds(0, _CH * _K)],
                        se_hbm.at[pl.ds(tok0 * _K, _CH * _K)])


def _sc_topk(logits):
    n_tok = logits.shape[0]
    mesh = plsc.VectorSubcoreMesh(core_axis_name="c", subcore_axis_name="s")
    fn = pl.kernel(
        functools.partial(_sc_body, n_tok),
        out_type=[
            jax.ShapeDtypeStruct((n_tok * _K,), jnp.float32),
            jax.ShapeDtypeStruct((n_tok * _K,), jnp.int32),
        ],
        mesh=mesh,
        scratch_types=[
            pltpu.VMEM((_CH * _NE,), jnp.float32),
            pltpu.VMEM((_CH * _K + _K,), jnp.float32),
            pltpu.VMEM((_CH * _K + _K,), jnp.int32),
        ],
        compiler_params=pltpu.CompilerParams(needs_layout_passes=False),
    )
    rw, se = fn(logits.reshape(n_tok * _NE))
    return rw.reshape(n_tok, _K), se.reshape(n_tok, _K)


def kernel(hidden_states, gate_w):
    flat = hidden_states.reshape(-1, _HID)
    n_tok = flat.shape[0]
    wt = gate_w.T
    n_chunks = 4
    ct = n_tok // n_chunks
    rws = []
    ses = []
    for c in range(n_chunks):
        logits = _tc_logits(flat, wt, c * (ct // _BT), ct // _BT)
        rw, se = _sc_topk(logits)
        rws.append(rw)
        ses.append(se)
    return (jnp.concatenate(rws, axis=0), jnp.concatenate(ses, axis=0))

# --- scband reference (transcript-rebuilt; emitter-appended) ---
"""Pipeline reference for scband-mo-erouter-36764920054143 (READ-ONLY COPY).

The authoritative reference and input builder live on the scoring server;
editing this copy changes nothing except your own understanding.
"""

import jax, jax.numpy as jnp
import numpy as np

HIDDEN_DIM = 4096
NUM_EXPERTS = 64
TOP_K = 8

def setup_inputs(seed: int = 0) -> dict:
    key = jax.random.key(seed)
    k1, k2 = jax.random.split(key)
    hidden_states = jax.random.normal(k1, (4, 4096, HIDDEN_DIM), dtype=jnp.float32)
    # nn.Linear(hidden_dim, num_experts, bias=False) weight: [num_experts, hidden_dim]
    bound = 1.0 / np.sqrt(HIDDEN_DIM)
    gate_w = jax.random.uniform(k2, (NUM_EXPERTS, HIDDEN_DIM), dtype=jnp.float32, minval=-bound, maxval=bound)
    return {"hidden_states": hidden_states, "gate_w": gate_w}

def reference(hidden_states, gate_w):
    flat = hidden_states.reshape(-1, HIDDEN_DIM)
    logits = flat @ gate_w.T
    routing_probs = jax.nn.softmax(logits, axis=-1)
    routing_weights, selected_experts = jax.lax.top_k(routing_probs, TOP_K)
    routing_weights = routing_weights / jnp.sum(routing_weights, axis=-1, keepdims=True)
    return (routing_weights, selected_experts)

if __name__ == "__main__":
    import jax
    _d = setup_inputs()
    print(jax.jit(kernel)(*tuple(_d.values())))

</pallas_src>

<mosaic_0001>
#map = affine_map<(d0, d1) -> (0)>
module attributes {stable_mosaic.version = 14 : i64} {
  func.func @_sc_body(%arg0: i32, %arg1: i32, %arg2: memref<262144xf32, #tpu.memory_space<hbm>>, %arg3: memref<32768xf32, #tpu.memory_space<hbm>>, %arg4: memref<32768xi32, #tpu.memory_space<hbm>>, %arg5: memref<4096xf32, #tpu.memory_space<vmem>>, %arg6: memref<520xf32, #tpu.memory_space<vmem>>, %arg7: memref<520xi32, #tpu.memory_space<vmem>>) attributes {dimension_semantics = [#tpu.dimension_semantics<core_parallel>, #tpu.dimension_semantics<subcore_parallel>], iteration_bounds = array<i64: 2, 16>, scalar_prefetch = 0 : i64, scratch_operands = 3 : i64, tpu.core_type = #tpu.core_type<sc_vector_subcore>, window_params = [{transform_indices = #map}, {transform_indices = #map}, {transform_indices = #map}]} {
    %mul3A = arith.constant 2 : i32
    %mul3A_0 = arith.muli %arg1, %mul3A : i32
    %add3A = arith.addi %mul3A_0, %arg0 : i32
    %mul3A_1 = arith.constant 128 : i32
    %mul3A_2 = arith.muli %add3A, %mul3A_1 : i32
    %iota3A = tpu.iota {dimensions = array<i32: 0>} : vector<16xi32>
    %lt3A = arith.constant 8 : i32
    %lt3A_3 = vector.broadcast %lt3A : i32 to vector<16xi32>
    %lt3A_4 = arith.cmpi slt, %iota3A, %lt3A_3 : vector<16xi32>
    %add3A_5 = arith.constant 0 : i32
    %add3A_6 = arith.addi %mul3A_2, %add3A_5 : i32
    %mul3A_7 = arith.constant 64 : i32
    %mul3A_8 = arith.muli %add3A_6, %mul3A_7 : i32
    "tpu.region"() ({
      %run_scoped3A = tpu.sem_alloc : memref<!tpu.dma_semaphore, #tpu.memory_space<semaphore_mem>>
      %dma_start3A = tpu.memref_slice %arg2[%mul3A_8] : memref<262144xf32, #tpu.memory_space<hbm>> -> memref<4096xf32, #tpu.memory_space<hbm>>
      %dma_start3A_32 = tpu.memref_slice %arg2[%mul3A_8] : memref<262144xf32, #tpu.memory_space<hbm>> -> memref<4096xf32, #tpu.memory_space<hbm>>
      tpu.enqueue_dma source(%dma_start3A_32 : memref<4096xf32, #tpu.memory_space<hbm>>) target(%arg5 : memref<4096xf32, #tpu.memory_space<vmem>>) target_semaphore(%run_scoped3A : memref<!tpu.dma_semaphore, #tpu.memory_space<semaphore_mem>>)
      %dma_wait3A = tpu.memref_slice %arg2[%mul3A_8] : memref<262144xf32, #tpu.memory_space<hbm>> -> memref<4096xf32, #tpu.memory_space<hbm>>
      %dma_wait3A_33 = tpu.memref_slice %arg2[%mul3A_8] : memref<262144xf32, #tpu.memory_space<hbm>> -> memref<4096xf32, #tpu.memory_space<hbm>>
      tpu.wait_dma2 semaphore(%run_scoped3A : memref<!tpu.dma_semaphore, #tpu.memory_space<semaphore_mem>>) src(%dma_wait3A_33 : memref<4096xf32, #tpu.memory_space<hbm>>) dst(%arg5 : memref<4096xf32, #tpu.memory_space<vmem>>)
      tpu.yield
    }) : () -> ()
    %scan3A = arith.constant 0 : i32
    %scan3A_9 = arith.constant 0 : i32
    %scan3A_10 = arith.constant 64 : i32
    %scan3A_11 = arith.addi %scan3A_9, %scan3A_10 : i32
    %scan3A_12 = arith.constant 1 : i32
    scf.for %scan3A_32 = %scan3A_9 to %scan3A_11 step %scan3A_12  : i32 {
      %mul3A_33 = arith.constant 64 : i32
      %mul3A_34 = arith.muli %scan3A_32, %mul3A_33 : i32
      %add3A_35 = arith.constant 0 : i32
      %add3A_36 = arith.addi %mul3A_34, %add3A_35 : i32
      %get3A = arith.index_cast %add3A_36 : i32 to index
      %get3A_37 = tpu.vector_load %arg5[%get3A] {strides = array<i32>} : memref<4096xf32, #tpu.memory_space<vmem>>, vector<16xf32>,
      %add3A_38 = arith.constant 0 : i32
      %add3A_39 = vector.broadcast %add3A_38 : i32 to vector<16xi32>
      %add3A_40 = arith.addi %iota3A, %add3A_39 : vector<16xi32>
      %masked_sort3A = arith.constant dense<true> : vector<16xi1>
      %masked_sort3A_41, %masked_sort3A_42, %masked_sort3A_43 = tpu.sort %get3A_37, %add3A_40 masked %masked_sort3A {descending = true} : (vector<16xf32>, vector<16xi32>, vector<16xi1>) -> (vector<16xi1>, vector<16xf32>, vector<16xi32>)
      %add3A_44 = arith.constant 16 : i32
      %add3A_45 = arith.addi %mul3A_34, %add3A_44 : i32
      %get3A_46 = arith.index_cast %add3A_45 : i32 to index
      %get3A_47 = tpu.vector_load %arg5[%get3A_46] {strides = array<i32>} : memref<4096xf32, #tpu.memory_space<vmem>>, vector<16xf32>,
      %add3A_48 = arith.constant 16 : i32
      %add3A_49 = vector.broadcast %add3A_48 : i32 to vector<16xi32>
      %add3A_50 = arith.addi %iota3A, %add3A_49 : vector<16xi32>
      %masked_sort3A_51 = arith.constant dense<true> : vector<16xi1>
      %masked_sort3A_52, %masked_sort3A_53, %masked_sort3A_54 = tpu.sort %get3A_47, %add3A_50 masked %masked_sort3A_51 {descending = true} : (vector<16xf32>, vector<16xi32>, vector<16xi1>) -> (vector<16xi1>, vector<16xf32>, vector<16xi32>)
      %add3A_55 = arith.constant 32 : i32
      %add3A_56 = arith.addi %mul3A_34, %add3A_55 : i32
      %get3A_57 = arith.index_cast %add3A_56 : i32 to index
      %get3A_58 = tpu.vector_load %arg5[%get3A_57] {strides = array<i32>} : memref<4096xf32, #tpu.memory_space<vmem>>, vector<16xf32>,
      %add3A_59 = arith.constant 32 : i32
      %add3A_60 = vector.broadcast %add3A_59 : i32 to vector<16xi32>
      %add3A_61 = arith.addi %iota3A, %add3A_60 : vector<16xi32>
      %masked_sort3A_62 = arith.constant dense<true> : vector<16xi1>
      %masked_sort3A_63, %masked_sort3A_64, %masked_sort3A_65 = tpu.sort %get3A_58, %add3A_61 masked %masked_sort3A_62 {descending = true} : (vector<16xf32>, vector<16xi32>, vector<16xi1>) -> (vector<16xi1>, vector<16xf32>, vector<16xi32>)
      %add3A_66 = arith.constant 48 : i32
      %add3A_67 = arith.addi %mul3A_34, %add3A_66 : i32
      %get3A_68 = arith.index_cast %add3A_67 : i32 to index
      %get3A_69 = tpu.vector_load %arg5[%get3A_68] {strides = array<i32>} : memref<4096xf32, #tpu.memory_space<vmem>>, vector<16xf32>,
      %add3A_70 = arith.constant 48 : i32
      %add3A_71 = vector.broadcast %add3A_70 : i32 to vector<16xi32>
      %add3A_72 = arith.addi %iota3A, %add3A_71 : vector<16xi32>
      %masked_sort3A_73 = arith.constant dense<true> : vector<16xi1>
      %masked_sort3A_74, %masked_sort3A_75, %masked_sort3A_76 = tpu.sort %get3A_69, %add3A_72 masked %masked_sort3A_73 {descending = true} : (vector<16xf32>, vector<16xi32>, vector<16xi1>) -> (vector<16xi1>, vector<16xf32>, vector<16xi32>)
      %rev3A = arith.constant 15 : i32
      %rev3A_77 = vector.broadcast %rev3A : i32 to vector<16xi32>
      %rev3A_78 = tpu.iota {dimensions = array<i32: 0>} : vector<16xi32>
      %rev3A_79 = arith.subi %rev3A_77, %rev3A_78 : vector<16xi32>
      %rev3A_80 = tpu.dynamic_gather %masked_sort3A_53[%rev3A_79] in [0] : vector<16xf32>, vector<16xi32> -> vector<16xf32>
      %rev3A_81 = arith.constant 15 : i32
      %rev3A_82 = vector.broadcast %rev3A_81 : i32 to vector<16xi32>
      %rev3A_83 = tpu.iota {dimensions = array<i32: 0>} : vector<16xi32>
      %rev3A_84 = arith.subi %rev3A_82, %rev3A_83 : vector<16xi32>
      %rev3A_85 = tpu.dynamic_gather %masked_sort3A_54[%rev3A_84] in [0] : vector<16xi32>, vector<16xi32> -> vector<16xi32>
      %ge3A = arith.cmpf oge, %masked_sort3A_42, %rev3A_80 : vector<16xf32>
      %select_n3A = arith.select %ge3A, %masked_sort3A_42, %rev3A_80 : vector<16xi1>, vector<16xf32>
      %select_n3A_86 = arith.select %ge3A, %masked_sort3A_43, %rev3A_85 : vector<16xi1>, vector<16xi32>
      %masked_sort3A_87 = arith.constant dense<true> : vector<16xi1>
      %masked_sort3A_88, %masked_sort3A_89, %masked_sort3A_90 = tpu.sort %select_n3A, %select_n3A_86 masked %masked_sort3A_87 {descending = true} : (vector<16xf32>, vector<16xi32>, vector<16xi1>) -> (vector<16xi1>, vector<16xf32>, vector<16xi32>)
      %rev3A_91 = arith.constant 15 : i32
      %rev3A_92 = vector.broadcast %rev3A_91 : i32 to vector<16xi32>
      %rev3A_93 = tpu.iota {dimensions = array<i32: 0>} : vector<16xi32>
      %rev3A_94 = arith.subi %rev3A_92, %rev3A_93 : vector<16xi32>
      %rev3A_95 = tpu.dynamic_gather %masked_sort3A_75[%rev3A_94] in [0] : vector<16xf32>, vector<16xi32> -> vector<16xf32>
      %rev3A_96 = arith.constant 15 : i32
      %rev3A_97 = vector.broadcast %rev3A_96 : i32 to vector<16xi32>
      %rev3A_98 = tpu.iota {dimensions = array<i32: 0>} : vector<16xi32>
      %rev3A_99 = arith.subi %rev3A_97, %rev3A_98 : vector<16xi32>
      %rev3A_100 = tpu.dynamic_gather %masked_sort3A_76[%rev3A_99] in [0] : vector<16xi32>, vector<16xi32> -> vector<16xi32>
      %ge3A_101 = arith.cmpf oge, %masked_sort3A_64, %rev3A_95 : vector<16xf32>
      %select_n3A_102 = arith.select %ge3A_101, %masked_sort3A_64, %rev3A_95 : vector<16xi1>, vector<16xf32>
      %select_n3A_103 = arith.select %ge3A_101, %masked_sort3A_65, %rev3A_100 : vector<16xi1>, vector<16xi32>
      %masked_sort3A_104 = arith.constant dense<true> : vector<16xi1>
      %masked_sort3A_105, %masked_sort3A_106, %masked_sort3A_107 = tpu.sort %select_n3A_102, %select_n3A_103 masked %masked_sort3A_104 {descending = true} : (vector<16xf32>, vector<16xi32>, vector<16xi1>) -> (vector<16xi1>, vector<16xf32>, vector<16xi32>)
      %rev3A_108 = arith.constant 15 : i32
      %rev3A_109 = vector.broadcast %rev3A_108 : i32 to vector<16xi32>
      %rev3A_110 = tpu.iota {dimensions = array<i32: 0>} : vector<16xi32>
      %rev3A_111 = arith.subi %rev3A_109, %rev3A_110 : vector<16xi32>
      %rev3A_112 = tpu.dynamic_gather %masked_sort3A_106[%rev3A_111] in [0] : vector<16xf32>, vector<16xi32> -> vector<16xf32>
      %rev3A_113 = arith.constant 15 : i32
      %rev3A_114 = vector.broadcast %rev3A_113 : i32 to vector<16xi32>
      %rev3A_115 = tpu.iota {dimensions = array<i32: 0>} : vector<16xi32>
      %rev3A_116 = arith.subi %rev3A_114, %rev3A_115 : vector<16xi32>
      %rev3A_117 = tpu.dynamic_gather %masked_sort3A_107[%rev3A_116] in [0] : vector<16xi32>, vector<16xi32> -> vector<16xi32>
      %ge3A_118 = arith.cmpf oge, %masked_sort3A_89, %rev3A_112 : vector<16xf32>
      %select_n3A_119 = arith.select %ge3A_118, %masked_sort3A_89, %rev3A_112 : vector<16xi1>, vector<16xf32>
      %select_n3A_120 = arith.select %ge3A_118, %masked_sort3A_90, %rev3A_117 : vector<16xi1>, vector<16xi32>
      %masked_sort3A_121 = arith.constant dense<true> : vector<16xi1>
      %masked_sort3A_122, %masked_sort3A_123, %masked_sort3A_124 = tpu.sort %select_n3A_119, %select_n3A_120 masked %masked_sort3A_121 {descending = true} : (vector<16xf32>, vector<16xi32>, vector<16xi1>) -> (vector<16xi1>, vector<16xf32>, vector<16xi32>)
      %reduce_max3A = arith.constant true
      %reduce_max3A_125 = vector.broadcast %reduce_max3A : i1 to vector<16xi1>
      %reduce_max3A_126 = tpu.scan <max>, %masked_sort3A_123 masked %reduce_max3A_125 : vector<16xf32>, vector<16xi1> -> vector<16xf32>
      %reduce_max3A_127 = vector.extract %reduce_max3A_126[15] : f32 from vector<16xf32>
      %sub3A = vector.broadcast %reduce_max3A_127 : f32 to vector<16xf32>
      %sub3A_128 = arith.subf %masked_sort3A_123, %sub3A : vector<16xf32>
      %exp3A = math.exp %sub3A_128 : vector<16xf32>
      %jit3A = arith.constant 0.000000e+00 : f32
      %broadcast_in_dim3A = vector.broadcast %jit3A : f32 to vector<16xf32>
      %select_n3A_129 = arith.select %lt3A_4, %exp3A, %broadcast_in_dim3A : vector<16xi1>, vector<16xf32>
      %reduce_sum3A = arith.constant true
      %reduce_sum3A_130 = vector.broadcast %reduce_sum3A : i1 to vector<16xi1>
      %reduce_sum3A_131 = tpu.scan <sum>, %select_n3A_129 masked %reduce_sum3A_130 : vector<16xf32>, vector<16xi1> -> vector<16xf32>
      %reduce_sum3A_132 = vector.extract %reduce_sum3A_131[15] : f32 from vector<16xf32>
      %div3A = vector.broadcast %reduce_sum3A_132 : f32 to vector<16xf32>
      %div3A_133 = arith.divf %select_n3A_129, %div3A : vector<16xf32>
      %mul3A_134 = arith.constant 8 : i32
      %mul3A_135 = arith.muli %scan3A_32, %mul3A_134 : i32
      %swap3A = arith.index_cast %mul3A_135 : i32 to index
      %swap3A_136 = tpu.vector_load %arg6[%swap3A] masked %lt3A_4 {strides = array<i32>} : memref<520xf32, #tpu.memory_space<vmem>>, vector<16xf32>, vector<16xi1>
      tpu.vector_store %arg6[%swap3A], %div3A_133 masked %lt3A_4 {strides = array<i32>} : memref<520xf32, #tpu.memory_space<vmem>>, vector<16xf32>, vector<16xi1>
      %mul3A_137 = arith.constant 8 : i32
      %mul3A_138 = arith.muli %scan3A_32, %mul3A_137 : i32
      %swap3A_139 = arith.index_cast %mul3A_138 : i32 to index
      %swap3A_140 = tpu.vector_load %arg7[%swap3A_139] masked %lt3A_4 {strides = array<i32>} : memref<520xi32, #tpu.memory_space<vmem>>, vector<16xi32>, vector<16xi1>
      tpu.vector_store %arg7[%swap3A_139], %masked_sort3A_124 masked %lt3A_4 {strides = array<i32>} : memref<520xi32, #tpu.memory_space<vmem>>, vector<16xi32>, vector<16xi1>
    }
    %scan3A_13 = arith.constant 64 : i32
    %mul3A_14 = arith.constant 8 : i32
    %mul3A_15 = arith.muli %add3A_6, %mul3A_14 : i32
    "tpu.region"() ({
      %run_scoped3A = tpu.sem_alloc : memref<!tpu.dma_semaphore, #tpu.memory_space<semaphore_mem>>
      %dma_start3A = arith.constant 0 : i32
      %dma_start3A_32 = tpu.memref_slice %arg6[%dma_start3A] : memref<520xf32, #tpu.memory_space<vmem>> -> memref<512xf32, #tpu.memory_space<vmem>>
      %dma_start3A_33 = tpu.memref_slice %arg3[%mul3A_15] : memref<32768xf32, #tpu.memory_space<hbm>> -> memref<512xf32, #tpu.memory_space<hbm>>
      %dma_start3A_34 = tpu.memref_slice %arg3[%mul3A_15] : memref<32768xf32, #tpu.memory_space<hbm>> -> memref<512xf32, #tpu.memory_space<hbm>>
      %dma_start3A_35 = arith.constant 0 : i32
      %dma_start3A_36 = tpu.memref_slice %arg6[%dma_start3A_35] : memref<520xf32, #tpu.memory_space<vmem>> -> memref<512xf32, #tpu.memory_space<vmem>>
      tpu.enqueue_dma source(%dma_start3A_36 : memref<512xf32, #tpu.memory_space<vmem>>) target(%dma_start3A_34 : memref<512xf32, #tpu.memory_space<hbm>>) target_semaphore(%run_scoped3A : memref<!tpu.dma_semaphore, #tpu.memory_space<semaphore_mem>>)
      %dma_wait3A = arith.constant 0 : i32
      %dma_wait3A_37 = tpu.memref_slice %arg6[%dma_wait3A] : memref<520xf32, #tpu.memory_space<vmem>> -> memref<512xf32, #tpu.memory_space<vmem>>
      %dma_wait3A_38 = tpu.memref_slice %arg3[%mul3A_15] : memref<32768xf32, #tpu.memory_space<hbm>> -> memref<512xf32, #tpu.memory_space<hbm>>
      %dma_wait3A_39 = tpu.memref_slice %arg3[%mul3A_15] : memref<32768xf32, #tpu.memory_space<hbm>> -> memref<512xf32, #tpu.memory_space<hbm>>
      %dma_wait3A_40 = arith.constant 0 : i32
      %dma_wait3A_41 = tpu.memref_slice %arg6[%dma_wait3A_40] : memref<520xf32, #tpu.memory_space<vmem>> -> memref<512xf32, #tpu.memory_space<vmem>>
      tpu.wait_dma2 semaphore(%run_scoped3A : memref<!tpu.dma_semaphore, #tpu.memory_space<semaphore_mem>>) src(%dma_wait3A_41 : memref<512xf32, #tpu.memory_space<vmem>>) dst(%dma_wait3A_39 : memref<512xf32, #tpu.memory_space<hbm>>)
      tpu.yield
    }) : () -> ()
    %mul3A_16 = arith.constant 8 : i32
    %mul3A_17 = arith.muli %add3A_6, %mul3A_16 : i32
    "tpu.region"() ({
      %run_scoped3A = tpu.sem_alloc : memref<!tpu.dma_semaphore, #tpu.memory_space<semaphore_mem>>
      %dma_start3A = arith.constant 0 : i32
      %dma_start3A_32 = tpu.memref_slice %arg7[%dma_start3A] : memref<520xi32, #tpu.memory_space<vmem>> -> memref<512xi32, #tpu.memory_space<vmem>>
      %dma_start3A_33 = tpu.memref_slice %arg4[%mul3A_17] : memref<32768xi32, #tpu.memory_space<hbm>> -> memref<512xi32, #tpu.memory_space<hbm>>
      %dma_start3A_34 = tpu.memref_slice %arg4[%mul3A_17] : memref<32768xi32, #tpu.memory_space<hbm>> -> memref<512xi32, #tpu.memory_space<hbm>>
      %dma_start3A_35 = arith.constant 0 : i32
      %dma_start3A_36 = tpu.memref_slice %arg7[%dma_start3A_35] : memref<520xi32, #tpu.memory_space<vmem>> -> memref<512xi32, #tpu.memory_space<vmem>>
      tpu.enqueue_dma source(%dma_start3A_36 : memref<512xi32, #tpu.memory_space<vmem>>) target(%dma_start3A_34 : memref<512xi32, #tpu.memory_space<hbm>>) target_semaphore(%run_scoped3A : memref<!tpu.dma_semaphore, #tpu.memory_space<semaphore_mem>>)
      %dma_wait3A = arith.constant 0 : i32
      %dma_wait3A_37 = tpu.memref_slice %arg7[%dma_wait3A] : memref<520xi32, #tpu.memory_space<vmem>> -> memref<512xi32, #tpu.memory_space<vmem>>
      %dma_wait3A_38 = tpu.memref_slice %arg4[%mul3A_17] : memref<32768xi32, #tpu.memory_space<hbm>> -> memref<512xi32, #tpu.memory_space<hbm>>
      %dma_wait3A_39 = tpu.memref_slice %arg4[%mul3A_17] : memref<32768xi32, #tpu.memory_space<hbm>> -> memref<512xi32, #tpu.memory_space<hbm>>
      %dma_wait3A_40 = arith.constant 0 : i32
      %dma_wait3A_41 = tpu.memref_slice %arg7[%dma_wait3A_40] : memref<520xi32, #tpu.memory_space<vmem>> -> memref<512xi32, #tpu.memory_space<vmem>>
      tpu.wait_dma2 semaphore(%run_scoped3A : memref<!tpu.dma_semaphore, #tpu.memory_space<semaphore_mem>>) src(%dma_wait3A_41 : memref<512xi32, #tpu.memory_space<vmem>>) dst(%dma_wait3A_39 : memref<512xi32, #tpu.memory_space<hbm>>)
      tpu.yield
    }) : () -> ()
    %add3A_18 = arith.constant 64 : i32
    %add3A_19 = arith.addi %mul3A_2, %add3A_18 : i32
    %mul3A_20 = arith.constant 64 : i32
    %mul3A_21 = arith.muli %add3A_19, %mul3A_20 : i32
    "tpu.region"() ({
      %run_scoped3A = tpu.sem_alloc : memref<!tpu.dma_semaphore, #tpu.memory_space<semaphore_mem>>
      %dma_start3A = tpu.memref_slice %arg2[%mul3A_21] : memref<262144xf32, #tpu.memory_space<hbm>> -> memref<4096xf32, #tpu.memory_space<hbm>>
      %dma_start3A_32 = tpu.memref_slice %arg2[%mul3A_21] : memref<262144xf32, #tpu.memory_space<hbm>> -> memref<4096xf32, #tpu.memory_space<hbm>>
      tpu.enqueue_dma source(%dma_start3A_32 : memref<4096xf32, #tpu.memory_space<hbm>>) target(%arg5 : memref<4096xf32, #tpu.memory_space<vmem>>) target_semaphore(%run_scoped3A : memref<!tpu.dma_semaphore, #tpu.memory_space<semaphore_mem>>)
      %dma_wait3A = tpu.memref_slice %arg2[%mul3A_21] : memref<262144xf32, #tpu.memory_space<hbm>> -> memref<4096xf32, #tpu.memory_space<hbm>>
      %dma_wait3A_33 = tpu.memref_slice %arg2[%mul3A_21] : memref<262144xf32, #tpu.memory_space<hbm>> -> memref<4096xf32, #tpu.memory_space<hbm>>
      tpu.wait_dma2 semaphore(%run_scoped3A : memref<!tpu.dma_semaphore, #tpu.memory_space<semaphore_mem>>) src(%dma_wait3A_33 : memref<4096xf32, #tpu.memory_space<hbm>>) dst(%arg5 : memref<4096xf32, #tpu.memory_space<vmem>>)
      tpu.yield
    }) : () -> ()
    %scan3A_22 = arith.constant 0 : i32
    %scan3A_23 = arith.constant 0 : i32
    %scan3A_24 = arith.constant 64 : i32
    %scan3A_25 = arith.addi %scan3A_23, %scan3A_24 : i32
    %scan3A_26 = arith.constant 1 : i32
    scf.for %scan3A_32 = %scan3A_23 to %scan3A_25 step %scan3A_26  : i32 {
      %mul3A_33 = arith.constant 64 : i32
      %mul3A_34 = arith.muli %scan3A_32, %mul3A_33 : i32
      %add3A_35 = arith.constant 0 : i32
      %add3A_36 = arith.addi %mul3A_34, %add3A_35 : i32
      %get3A = arith.index_cast %add3A_36 : i32 to index
      %get3A_37 = tpu.vector_load %arg5[%get3A] {strides = array<i32>} : memref<4096xf32, #tpu.memory_space<vmem>>, vector<16xf32>,
      %add3A_38 = arith.constant 0 : i32
      %add3A_39 = vector.broadcast %add3A_38 : i32 to vector<16xi32>
      %add3A_40 = arith.addi %iota3A, %add3A_39 : vector<16xi32>
      %masked_sort3A = arith.constant dense<true> : vector<16xi1>
      %masked_sort3A_41, %masked_sort3A_42, %masked_sort3A_43 = tpu.sort %get3A_37, %add3A_40 masked %masked_sort3A {descending = true} : (vector<16xf32>, vector<16xi32>, vector<16xi1>) -> (vector<16xi1>, vector<16xf32>, vector<16xi32>)
      %add3A_44 = arith.constant 16 : i32
      %add3A_45 = arith.addi %mul3A_34, %add3A_44 : i32
      %get3A_46 = arith.index_cast %add3A_45 : i32 to index
      %get3A_47 = tpu.vector_load %arg5[%get3A_46] {strides = array<i32>} : memref<4096xf32, #tpu.memory_space<vmem>>, vector<16xf32>,
      %add3A_48 = arith.constant 16 : i32
      %add3A_49 = vector.broadcast %add3A_48 : i32 to vector<16xi32>
      %add3A_50 = arith.addi %iota3A, %add3A_49 : vector<16xi32>
      %masked_sort3A_51 = arith.constant dense<true> : vector<16xi1>
      %masked_sort3A_52, %masked_sort3A_53, %masked_sort3A_54 = tpu.sort %get3A_47, %add3A_50 masked %masked_sort3A_51 {descending = true} : (vector<16xf32>, vector<16xi32>, vector<16xi1>) -> (vector<16xi1>, vector<16xf32>, vector<16xi32>)
      %add3A_55 = arith.constant 32 : i32
      %add3A_56 = arith.addi %mul3A_34, %add3A_55 : i32
      %get3A_57 = arith.index_cast %add3A_56 : i32 to index
      %get3A_58 = tpu.vector_load %arg5[%get3A_57] {strides = array<i32>} : memref<4096xf32, #tpu.memory_space<vmem>>, vector<16xf32>,
      %add3A_59 = arith.constant 32 : i32
      %add3A_60 = vector.broadcast %add3A_59 : i32 to vector<16xi32>
      %add3A_61 = arith.addi %iota3A, %add3A_60 : vector<16xi32>
      %masked_sort3A_62 = arith.constant dense<true> : vector<16xi1>
      %masked_sort3A_63, %masked_sort3A_64, %masked_sort3A_65 = tpu.sort %get3A_58, %add3A_61 masked %masked_sort3A_62 {descending = true} : (vector<16xf32>, vector<16xi32>, vector<16xi1>) -> (vector<16xi1>, vector<16xf32>, vector<16xi32>)
      %add3A_66 = arith.constant 48 : i32
      %add3A_67 = arith.addi %mul3A_34, %add3A_66 : i32
      %get3A_68 = arith.index_cast %add3A_67 : i32 to index
      %get3A_69 = tpu.vector_load %arg5[%get3A_68] {strides = array<i32>} : memref<4096xf32, #tpu.memory_space<vmem>>, vector<16xf32>,
      %add3A_70 = arith.constant 48 : i32
      %add3A_71 = vector.broadcast %add3A_70 : i32 to vector<16xi32>
      %add3A_72 = arith.addi %iota3A, %add3A_71 : vector<16xi32>
      %masked_sort3A_73 = arith.constant dense<true> : vector<16xi1>
      %masked_sort3A_74, %masked_sort3A_75, %masked_sort3A_76 = tpu.sort %get3A_69, %add3A_72 masked %masked_sort3A_73 {descending = true} : (vector<16xf32>, vector<16xi32>, vector<16xi1>) -> (vector<16xi1>, vector<16xf32>, vector<16xi32>)
      %rev3A = arith.constant 15 : i32
      %rev3A_77 = vector.broadcast %rev3A : i32 to vector<16xi32>
      %rev3A_78 = tpu.iota {dimensions = array<i32: 0>} : vector<16xi32>
      %rev3A_79 = arith.subi %rev3A_77, %rev3A_78 : vector<16xi32>
      %rev3A_80 = tpu.dynamic_gather %masked_sort3A_53[%rev3A_79] in [0] : vector<16xf32>, vector<16xi32> -> vector<16xf32>
      %rev3A_81 = arith.constant 15 : i32
      %rev3A_82 = vector.broadcast %rev3A_81 : i32 to vector<16xi32>
      %rev3A_83 = tpu.iota {dimensions = array<i32: 0>} : vector<16xi32>
      %rev3A_84 = arith.subi %rev3A_82, %rev3A_83 : vector<16xi32>
      %rev3A_85 = tpu.dynamic_gather %masked_sort3A_54[%rev3A_84] in [0] : vector<16xi32>, vector<16xi32> -> vector<16xi32>
      %ge3A = arith.cmpf oge, %masked_sort3A_42, %rev3A_80 : vector<16xf32>
      %select_n3A = arith.select %ge3A, %masked_sort3A_42, %rev3A_80 : vector<16xi1>, vector<16xf32>
      %select_n3A_86 = arith.select %ge3A, %masked_sort3A_43, %rev3A_85 : vector<16xi1>, vector<16xi32>
      %masked_sort3A_87 = arith.constant dense<true> : vector<16xi1>
      %masked_sort3A_88, %masked_sort3A_89, %masked_sort3A_90 = tpu.sort %select_n3A, %select_n3A_86 masked %masked_sort3A_87 {descending = true} : (vector<16xf32>, vector<16xi32>, vector<16xi1>) -> (vector<16xi1>, vector<16xf32>, vector<16xi32>)
      %rev3A_91 = arith.constant 15 : i32
      %rev3A_92 = vector.broadcast %rev3A_91 : i32 to vector<16xi32>
      %rev3A_93 = tpu.iota {dimensions = array<i32: 0>} : vector<16xi32>
      %rev3A_94 = arith.subi %rev3A_92, %rev3A_93 : vector<16xi32>
      %rev3A_95 = tpu.dynamic_gather %masked_sort3A_75[%rev3A_94] in [0] : vector<16xf32>, vector<16xi32> -> vector<16xf32>
      %rev3A_96 = arith.constant 15 : i32
      %rev3A_97 = vector.broadcast %rev3A_96 : i32 to vector<16xi32>
      %rev3A_98 = tpu.iota {dimensions = array<i32: 0>} : vector<16xi32>
      %rev3A_99 = arith.subi %rev3A_97, %rev3A_98 : vector<16xi32>
      %rev3A_100 = tpu.dynamic_gather %masked_sort3A_76[%rev3A_99] in [0] : vector<16xi32>, vector<16xi32> -> vector<16xi32>
      %ge3A_101 = arith.cmpf oge, %masked_sort3A_64, %rev3A_95 : vector<16xf32>
      %select_n3A_102 = arith.select %ge3A_101, %masked_sort3A_64, %rev3A_95 : vector<16xi1>, vector<16xf32>
      %select_n3A_103 = arith.select %ge3A_101, %masked_sort3A_65, %rev3A_100 : vector<16xi1>, vector<16xi32>
      %masked_sort3A_104 = arith.constant dense<true> : vector<16xi1>
      %masked_sort3A_105, %masked_sort3A_106, %masked_sort3A_107 = tpu.sort %select_n3A_102, %select_n3A_103 masked %masked_sort3A_104 {descending = true} : (vector<16xf32>, vector<16xi32>, vector<16xi1>) -> (vector<16xi1>, vector<16xf32>, vector<16xi32>)
      %rev3A_108 = arith.constant 15 : i32
      %rev3A_109 = vector.broadcast %rev3A_108 : i32 to vector<16xi32>
      %rev3A_110 = tpu.iota {dimensions = array<i32: 0>} : vector<16xi32>
      %rev3A_111 = arith.subi %rev3A_109, %rev3A_110 : vector<16xi32>
      %rev3A_112 = tpu.dynamic_gather %masked_sort3A_106[%rev3A_111] in [0] : vector<16xf32>, vector<16xi32> -> vector<16xf32>
      %rev3A_113 = arith.constant 15 : i32
      %rev3A_114 = vector.broadcast %rev3A_113 : i32 to vector<16xi32>
      %rev3A_115 = tpu.iota {dimensions = array<i32: 0>} : vector<16xi32>
      %rev3A_116 = arith.subi %rev3A_114, %rev3A_115 : vector<16xi32>
      %rev3A_117 = tpu.dynamic_gather %masked_sort3A_107[%rev3A_116] in [0] : vector<16xi32>, vector<16xi32> -> vector<16xi32>
      %ge3A_118 = arith.cmpf oge, %masked_sort3A_89, %rev3A_112 : vector<16xf32>
      %select_n3A_119 = arith.select %ge3A_118, %masked_sort3A_89, %rev3A_112 : vector<16xi1>, vector<16xf32>
      %select_n3A_120 = arith.select %ge3A_118, %masked_sort3A_90, %rev3A_117 : vector<16xi1>, vector<16xi32>
      %masked_sort3A_121 = arith.constant dense<true> : vector<16xi1>
      %masked_sort3A_122, %masked_sort3A_123, %masked_sort3A_124 = tpu.sort %select_n3A_119, %select_n3A_120 masked %masked_sort3A_121 {descending = true} : (vector<16xf32>, vector<16xi32>, vector<16xi1>) -> (vector<16xi1>, vector<16xf32>, vector<16xi32>)
      %reduce_max3A = arith.constant true
      %reduce_max3A_125 = vector.broadcast %reduce_max3A : i1 to vector<16xi1>
      %reduce_max3A_126 = tpu.scan <max>, %masked_sort3A_123 masked %reduce_max3A_125 : vector<16xf32>, vector<16xi1> -> vector<16xf32>
      %reduce_max3A_127 = vector.extract %reduce_max3A_126[15] : f32 from vector<16xf32>
      %sub3A = vector.broadcast %reduce_max3A_127 : f32 to vector<16xf32>
      %sub3A_128 = arith.subf %masked_sort3A_123, %sub3A : vector<16xf32>
      %exp3A = math.exp %sub3A_128 : vector<16xf32>
      %jit3A = arith.constant 0.000000e+00 : f32
      %broadcast_in_dim3A = vector.broadcast %jit3A : f32 to vector<16xf32>
      %select_n3A_129 = arith.select %lt3A_4, %exp3A, %broadcast_in_dim3A : vector<16xi1>, vector<16xf32>
      %reduce_sum3A = arith.constant true
      %reduce_sum3A_130 = vector.broadcast %reduce_sum3A : i1 to vector<16xi1>
      %reduce_sum3A_131 = tpu.scan <sum>, %select_n3A_129 masked %reduce_sum3A_130 : vector<16xf32>, vector<16xi1> -> vector<16xf32>
      %reduce_sum3A_132 = vector.extract %reduce_sum3A_131[15] : f32 from vector<16xf32>
      %div3A = vector.broadcast %reduce_sum3A_132 : f32 to vector<16xf32>
      %div3A_133 = arith.divf %select_n3A_129, %div3A : vector<16xf32>
      %mul3A_134 = arith.constant 8 : i32
      %mul3A_135 = arith.muli %scan3A_32, %mul3A_134 : i32
      %swap3A = arith.index_cast %mul3A_135 : i32 to index
      %swap3A_136 = tpu.vector_load %arg6[%swap3A] masked %lt3A_4 {strides = array<i32>} : memref<520xf32, #tpu.memory_space<vmem>>, vector<16xf32>, vector<16xi1>
      tpu.vector_store %arg6[%swap3A], %div3A_133 masked %lt3A_4 {strides = array<i32>} : memref<520xf32, #tpu.memory_space<vmem>>, vector<16xf32>, vector<16xi1>
      %mul3A_137 = arith.constant 8 : i32
      %mul3A_138 = arith.muli %scan3A_32, %mul3A_137 : i32
      %swap3A_139 = arith.index_cast %mul3A_138 : i32 to index
      %swap3A_140 = tpu.vector_load %arg7[%swap3A_139] masked %lt3A_4 {strides = array<i32>} : memref<520xi32, #tpu.memory_space<vmem>>, vector<16xi32>, vector<16xi1>
      tpu.vector_store %arg7[%swap3A_139], %masked_sort3A_124 masked %lt3A_4 {strides = array<i32>} : memref<520xi32, #tpu.memory_space<vmem>>, vector<16xi32>, vector<16xi1>
    }
    %scan3A_27 = arith.constant 64 : i32
    %mul3A_28 = arith.constant 8 : i32
    %mul3A_29 = arith.muli %add3A_19, %mul3A_28 : i32
    "tpu.region"() ({
      %run_scoped3A = tpu.sem_alloc : memref<!tpu.dma_semaphore, #tpu.memory_space<semaphore_mem>>
      %dma_start3A = arith.constant 0 : i32
      %dma_start3A_32 = tpu.memref_slice %arg6[%dma_start3A] : memref<520xf32, #tpu.memory_space<vmem>> -> memref<512xf32, #tpu.memory_space<vmem>>
      %dma_start3A_33 = tpu.memref_slice %arg3[%mul3A_29] : memref<32768xf32, #tpu.memory_space<hbm>> -> memref<512xf32, #tpu.memory_space<hbm>>
      %dma_start3A_34 = tpu.memref_slice %arg3[%mul3A_29] : memref<32768xf32, #tpu.memory_space<hbm>> -> memref<512xf32, #tpu.memory_space<hbm>>
      %dma_start3A_35 = arith.constant 0 : i32
      %dma_start3A_36 = tpu.memref_slice %arg6[%dma_start3A_35] : memref<520xf32, #tpu.memory_space<vmem>> -> memref<512xf32, #tpu.memory_space<vmem>>
      tpu.enqueue_dma source(%dma_start3A_36 : memref<512xf32, #tpu.memory_space<vmem>>) target(%dma_start3A_34 : memref<512xf32, #tpu.memory_space<hbm>>) target_semaphore(%run_scoped3A : memref<!tpu.dma_semaphore, #tpu.memory_space<semaphore_mem>>)
      %dma_wait3A = arith.constant 0 : i32
      %dma_wait3A_37 = tpu.memref_slice %arg6[%dma_wait3A] : memref<520xf32, #tpu.memory_space<vmem>> -> memref<512xf32, #tpu.memory_space<vmem>>
      %dma_wait3A_38 = tpu.memref_slice %arg3[%mul3A_29] : memref<32768xf32, #tpu.memory_space<hbm>> -> memref<512xf32, #tpu.memory_space<hbm>>
      %dma_wait3A_39 = tpu.memref_slice %arg3[%mul3A_29] : memref<32768xf32, #tpu.memory_space<hbm>> -> memref<512xf32, #tpu.memory_space<hbm>>
      %dma_wait3A_40 = arith.constant 0 : i32
      %dma_wait3A_41 = tpu.memref_slice %arg6[%dma_wait3A_40] : memref<520xf32, #tpu.memory_space<vmem>> -> memref<512xf32, #tpu.memory_space<vmem>>
      tpu.wait_dma2 semaphore(%run_scoped3A : memref<!tpu.dma_semaphore, #tpu.memory_space<semaphore_mem>>) src(%dma_wait3A_41 : memref<512xf32, #tpu.memory_space<vmem>>) dst(%dma_wait3A_39 : memref<512xf32, #tpu.memory_space<hbm>>)
      tpu.yield
    }) : () -> ()
    %mul3A_30 = arith.constant 8 : i32
    %mul3A_31 = arith.muli %add3A_19, %mul3A_30 : i32
    "tpu.region"() ({
      %run_scoped3A = tpu.sem_alloc : memref<!tpu.dma_semaphore, #tpu.memory_space<semaphore_mem>>
      %dma_start3A = arith.constant 0 : i32
      %dma_start3A_32 = tpu.memref_slice %arg7[%dma_start3A] : memref<520xi32, #tpu.memory_space<vmem>> -> memref<512xi32, #tpu.memory_space<vmem>>
      %dma_start3A_33 = tpu.memref_slice %arg4[%mul3A_31] : memref<32768xi32, #tpu.memory_space<hbm>> -> memref<512xi32, #tpu.memory_space<hbm>>
      %dma_start3A_34 = tpu.memref_slice %arg4[%mul3A_31] : memref<32768xi32, #tpu.memory_space<hbm>> -> memref<512xi32, #tpu.memory_space<hbm>>
      %dma_start3A_35 = arith.constant 0 : i32
      %dma_start3A_36 = tpu.memref_slice %arg7[%dma_start3A_35] : memref<520xi32, #tpu.memory_space<vmem>> -> memref<512xi32, #tpu.memory_space<vmem>>
      tpu.enqueue_dma source(%dma_start3A_36 : memref<512xi32, #tpu.memory_space<vmem>>) target(%dma_start3A_34 : memref<512xi32, #tpu.memory_space<hbm>>) target_semaphore(%run_scoped3A : memref<!tpu.dma_semaphore, #tpu.memory_space<semaphore_mem>>)
      %dma_wait3A = arith.constant 0 : i32
      %dma_wait3A_37 = tpu.memref_slice %arg7[%dma_wait3A] : memref<520xi32, #tpu.memory_space<vmem>> -> memref<512xi32, #tpu.memory_space<vmem>>
      %dma_wait3A_38 = tpu.memref_slice %arg4[%mul3A_31] : memref<32768xi32, #tpu.memory_space<hbm>> -> memref<512xi32, #tpu.memory_space<hbm>>
      %dma_wait3A_39 = tpu.memref_slice %arg4[%mul3A_31] : memref<32768xi32, #tpu.memory_space<hbm>> -> memref<512xi32, #tpu.memory_space<hbm>>
      %dma_wait3A_40 = arith.constant 0 : i32
      %dma_wait3A_41 = tpu.memref_slice %arg7[%dma_wait3A_40] : memref<520xi32, #tpu.memory_space<vmem>> -> memref<512xi32, #tpu.memory_space<vmem>>
      tpu.wait_dma2 semaphore(%run_scoped3A : memref<!tpu.dma_semaphore, #tpu.memory_space<semaphore_mem>>) src(%dma_wait3A_41 : memref<512xi32, #tpu.memory_space<vmem>>) dst(%dma_wait3A_39 : memref<512xi32, #tpu.memory_space<hbm>>)
      tpu.yield
    }) : () -> ()
    return
  }
}

#map = affine_map<(d0, d1) -> (0)>
module attributes {stable_mosaic.version = 14 : i64} {
  func.func @_sc_body(%arg0: i32, %arg1: i32, %arg2: memref<262144xf32, #tpu.memory_space<hbm>>, %arg3: memref<32768xf32, #tpu.memory_space<hbm>>, %arg4: memref<32768xi32, #tpu.memory_space<hbm>>, %arg5: memref<4096xf32, #tpu.memory_space<vmem>>, %arg6: memref<520xf32, #tpu.memory_space<vmem>>, %arg7: memref<520xi32, #tpu.memory_space<vmem>>) attributes {dimension_semantics = [#tpu.dimension_semantics<core_parallel>, #tpu.dimension_semantics<subcore_parallel>], iteration_bounds = array<i64: 2, 16>, scalar_prefetch = 0 : i64, scratch_operands = 3 : i64, tpu.core_type = #tpu.core_type<sc_vector_subcore>, window_params = [{transform_indices = #map}, {transform_indices = #map}, {transform_indices = #map}]} {
    %mul3A = arith.constant 2 : i32
    %mul3A_0 = arith.muli %arg1, %mul3A : i32
    %add3A = arith.addi %mul3A_0, %arg0 : i32
    %mul3A_1 = arith.constant 128 : i32
    %mul3A_2 = arith.muli %add3A, %mul3A_1 : i32
    %iota3A = tpu.iota {dimensions = array<i32: 0>} : vector<16xi32>
    %lt3A = arith.constant 8 : i32
    %lt3A_3 = vector.broadcast %lt3A : i32 to vector<16xi32>
    %lt3A_4 = arith.cmpi slt, %iota3A, %lt3A_3 : vector<16xi32>
    %add3A_5 = arith.constant 0 : i32
    %add3A_6 = arith.addi %mul3A_2, %add3A_5 : i32
    %mul3A_7 = arith.constant 64 : i32
    %mul3A_8 = arith.muli %add3A_6, %mul3A_7 : i32
    "tpu.region"() ({
      %run_scoped3A = tpu.sem_alloc : memref<!tpu.dma_semaphore, #tpu.memory_space<semaphore_mem>>
      %dma_start3A = tpu.memref_slice %arg2[%mul3A_8] : memref<262144xf32, #tpu.memory_space<hbm>> -> memref<4096xf32, #tpu.memory_space<hbm>>
      %dma_start3A_32 = tpu.memref_slice %arg2[%mul3A_8] : memref<262144xf32, #tpu.memory_space<hbm>> -> memref<4096xf32, #tpu.memory_space<hbm>>
      tpu.enqueue_dma source(%dma_start3A_32 : memref<4096xf32, #tpu.memory_space<hbm>>) target(%arg5 : memref<4096xf32, #tpu.memory_space<vmem>>) target_semaphore(%run_scoped3A : memref<!tpu.dma_semaphore, #tpu.memory_space<semaphore_mem>>)
      %dma_wait3A = tpu.memref_slice %arg2[%mul3A_8] : memref<262144xf32, #tpu.memory_space<hbm>> -> memref<4096xf32, #tpu.memory_space<hbm>>
      %dma_wait3A_33 = tpu.memref_slice %arg2[%mul3A_8] : memref<262144xf32, #tpu.memory_space<hbm>> -> memref<4096xf32, #tpu.memory_space<hbm>>
      tpu.wait_dma2 semaphore(%run_scoped3A : memref<!tpu.dma_semaphore, #tpu.memory_space<semaphore_mem>>) src(%dma_wait3A_33 : memref<4096xf32, #tpu.memory_space<hbm>>) dst(%arg5 : memref<4096xf32, #tpu.memory_space<vmem>>)
      tpu.yield
    }) : () -> ()
    %scan3A = arith.constant 0 : i32
    %scan3A_9 = arith.constant 0 : i32
    %scan3A_10 = arith.constant 64 : i32
    %scan3A_11 = arith.addi %scan3A_9, %scan3A_10 : i32
    %scan3A_12 = arith.constant 1 : i32
    scf.for %scan3A_32 = %scan3A_9 to %scan3A_11 step %scan3A_12  : i32 {
      %mul3A_33 = arith.constant 64 : i32
      %mul3A_34 = arith.muli %scan3A_32, %mul3A_33 : i32
      %add3A_35 = arith.constant 0 : i32
      %add3A_36 = arith.addi %mul3A_34, %add3A_35 : i32
      %get3A = arith.index_cast %add3A_36 : i32 to index
      %get3A_37 = tpu.vector_load %arg5[%get3A] {strides = array<i32>} : memref<4096xf32, #tpu.memory_space<vmem>>, vector<16xf32>,
      %add3A_38 = arith.constant 0 : i32
      %add3A_39 = vector.broadcast %add3A_38 : i32 to vector<16xi32>
      %add3A_40 = arith.addi %iota3A, %add3A_39 : vector<16xi32>
      %masked_sort3A = arith.constant dense<true> : vector<16xi1>
      %masked_sort3A_41, %masked_sort3A_42, %masked_sort3A_43 = tpu.sort %get3A_37, %add3A_40 masked %masked_sort3A {descending = true} : (vector<16xf32>, vector<16xi32>, vector<16xi1>) -> (vector<16xi1>, vector<16xf32>, vector<16xi32>)
      %add3A_44 = arith.constant 16 : i32
      %add3A_45 = arith.addi %mul3A_34, %add3A_44 : i32
      %get3A_46 = arith.index_cast %add3A_45 : i32 to index
      %get3A_47 = tpu.vector_load %arg5[%get3A_46] {strides = array<i32>} : memref<4096xf32, #tpu.memory_space<vmem>>, vector<16xf32>,
      %add3A_48 = arith.constant 16 : i32
      %add3A_49 = vector.broadcast %add3A_48 : i32 to vector<16xi32>
      %add3A_50 = arith.addi %iota3A, %add3A_49 : vector<16xi32>
      %masked_sort3A_51 = arith.constant dense<true> : vector<16xi1>
      %masked_sort3A_52, %masked_sort3A_53, %masked_sort3A_54 = tpu.sort %get3A_47, %add3A_50 masked %masked_sort3A_51 {descending = true} : (vector<16xf32>, vector<16xi32>, vector<16xi1>) -> (vector<16xi1>, vector<16xf32>, vector<16xi32>)
      %add3A_55 = arith.constant 32 : i32
      %add3A_56 = arith.addi %mul3A_34, %add3A_55 : i32
      %get3A_57 = arith.index_cast %add3A_56 : i32 to index
      %get3A_58 = tpu.vector_load %arg5[%get3A_57] {strides = array<i32>} : memref<4096xf32, #tpu.memory_space<vmem>>, vector<16xf32>,
      %add3A_59 = arith.constant 32 : i32
      %add3A_60 = vector.broadcast %add3A_59 : i32 to vector<16xi32>
      %add3A_61 = arith.addi %iota3A, %add3A_60 : vector<16xi32>
      %masked_sort3A_62 = arith.constant dense<true> : vector<16xi1>
      %masked_sort3A_63, %masked_sort3A_64, %masked_sort3A_65 = tpu.sort %get3A_58, %add3A_61 masked %masked_sort3A_62 {descending = true} : (vector<16xf32>, vector<16xi32>, vector<16xi1>) -> (vector<16xi1>, vector<16xf32>, vector<16xi32>)
      %add3A_66 = arith.constant 48 : i32
      %add3A_67 = arith.addi %mul3A_34, %add3A_66 : i32
      %get3A_68 = arith.index_cast %add3A_67 : i32 to index
      %get3A_69 = tpu.vector_load %arg5[%get3A_68] {strides = array<i32>} : memref<4096xf32, #tpu.memory_space<vmem>>, vector<16xf32>,
      %add3A_70 = arith.constant 48 : i32
      %add3A_71 = vector.broadcast %add3A_70 : i32 to vector<16xi32>
      %add3A_72 = arith.addi %iota3A, %add3A_71 : vector<16xi32>
      %masked_sort3A_73 = arith.constant dense<true> : vector<16xi1>
      %masked_sort3A_74, %masked_sort3A_75, %masked_sort3A_76 = tpu.sort %get3A_69, %add3A_72 masked %masked_sort3A_73 {descending = true} : (vector<16xf32>, vector<16xi32>, vector<16xi1>) -> (vector<16xi1>, vector<16xf32>, vector<16xi32>)
      %rev3A = arith.constant 15 : i32
      %rev3A_77 = vector.broadcast %rev3A : i32 to vector<16xi32>
      %rev3A_78 = tpu.iota {dimensions = array<i32: 0>} : vector<16xi32>
      %rev3A_79 = arith.subi %rev3A_77, %rev3A_78 : vector<16xi32>
      %rev3A_80 = tpu.dynamic_gather %masked_sort3A_53[%rev3A_79] in [0] : vector<16xf32>, vector<16xi32> -> vector<16xf32>
      %rev3A_81 = arith.constant 15 : i32
      %rev3A_82 = vector.broadcast %rev3A_81 : i32 to vector<16xi32>
      %rev3A_83 = tpu.iota {dimensions = array<i32: 0>} : vector<16xi32>
      %rev3A_84 = arith.subi %rev3A_82, %rev3A_83 : vector<16xi32>
      %rev3A_85 = tpu.dynamic_gather %masked_sort3A_54[%rev3A_84] in [0] : vector<16xi32>, vector<16xi32> -> vector<16xi32>
      %ge3A = arith.cmpf oge, %masked_sort3A_42, %rev3A_80 : vector<16xf32>
      %select_n3A = arith.select %ge3A, %masked_sort3A_42, %rev3A_80 : vector<16xi1>, vector<16xf32>
      %select_n3A_86 = arith.select %ge3A, %masked_sort3A_43, %rev3A_85 : vector<16xi1>, vector<16xi32>
      %masked_sort3A_87 = arith.constant dense<true> : vector<16xi1>
      %masked_sort3A_88, %masked_sort3A_89, %masked_sort3A_90 = tpu.sort %select_n3A, %select_n3A_86 masked %masked_sort3A_87 {descending = true} : (vector<16xf32>, vector<16xi32>, vector<16xi1>) -> (vector<16xi1>, vector<16xf32>, vector<16xi32>)
      %rev3A_91 = arith.constant 15 : i32
      %rev3A_92 = vector.broadcast %rev3A_91 : i32 to vector<16xi32>
      %rev3A_93 = tpu.iota {dimensions = array<i32: 0>} : vector<16xi32>
      %rev3A_94 = arith.subi %rev3A_92, %rev3A_93 : vector<16xi32>
      %rev3A_95 = tpu.dynamic_gather %masked_sort3A_75[%rev3A_94] in [0] : vector<16xf32>, vector<16xi32> -> vector<16xf32>
      %rev3A_96 = arith.constant 15 : i32
      %rev3A_97 = vector.broadcast %rev3A_96 : i32 to vector<16xi32>
      %rev3A_98 = tpu.iota {dimensions = array<i32: 0>} : vector<16xi32>
      %rev3A_99 = arith.subi %rev3A_97, %rev3A_98 : vector<16xi32>
      %rev3A_100 = tpu.dynamic_gather %masked_sort3A_76[%rev3A_99] in [0] : vector<16xi32>, vector<16xi32> -> vector<16xi32>
      %ge3A_101 = arith.cmpf oge, %masked_sort3A_64, %rev3A_95 : vector<16xf32>
      %select_n3A_102 = arith.select %ge3A_101, %masked_sort3A_64, %rev3A_95 : vector<16xi1>, vector<16xf32>
      %select_n3A_103 = arith.select %ge3A_101, %masked_sort3A_65, %rev3A_100 : vector<16xi1>, vector<16xi32>
      %masked_sort3A_104 = arith.constant dense<true> : vector<16xi1>
      %masked_sort3A_105, %masked_sort3A_106, %masked_sort3A_107 = tpu.sort %select_n3A_102, %select_n3A_103 masked %masked_sort3A_104 {descending = true} : (vector<16xf32>, vector<16xi32>, vector<16xi1>) -> (vector<16xi1>, vector<16xf32>, vector<16xi32>)
      %rev3A_108 = arith.constant 15 : i32
      %rev3A_109 = vector.broadcast %rev3A_108 : i32 to vector<16xi32>
      %rev3A_110 = tpu.iota {dimensions = array<i32: 0>} : vector<16xi32>
      %rev3A_111 = arith.subi %rev3A_109, %rev3A_110 : vector<16xi32>
      %rev3A_112 = tpu.dynamic_gather %masked_sort3A_106[%rev3A_111] in [0] : vector<16xf32>, vector<16xi32> -> vector<16xf32>
      %rev3A_113 = arith.constant 15 : i32
      %rev3A_114 = vector.broadcast %rev3A_113 : i32 to vector<16xi32>
      %rev3A_115 = tpu.iota {dimensions = array<i32: 0>} : vector<16xi32>
      %rev3A_116 = arith.subi %rev3A_114, %rev3A_115 : vector<16xi32>
      %rev3A_117 = tpu.dynamic_gather %masked_sort3A_107[%rev3A_116] in [0] : vector<16xi32>, vector<16xi32> -> vector<16xi32>
      %ge3A_118 = arith.cmpf oge, %masked_sort3A_89, %rev3A_112 : vector<16xf32>
      %select_n3A_119 = arith.select %ge3A_118, %masked_sort3A_89, %rev3A_112 : vector<16xi1>, vector<16xf32>
      %select_n3A_120 = arith.select %ge3A_118, %masked_sort3A_90, %rev3A_117 : vector<16xi1>, vector<16xi32>
      %masked_sort3A_121 = arith.constant dense<true> : vector<16xi1>
      %masked_sort3A_122, %masked_sort3A_123, %masked_sort3A_124 = tpu.sort %select_n3A_119, %select_n3A_120 masked %masked_sort3A_121 {descending = true} : (vector<16xf32>, vector<16xi32>, vector<16xi1>) -> (vector<16xi1>, vector<16xf32>, vector<16xi32>)
      %reduce_max3A = arith.constant true
      %reduce_max3A_125 = vector.broadcast %reduce_max3A : i1 to vector<16xi1>
      %reduce_max3A_126 = tpu.scan <max>, %masked_sort3A_123 masked %reduce_max3A_125 : vector<16xf32>, vector<16xi1> -> vector<16xf32>
      %reduce_max3A_127 = vector.extract %reduce_max3A_126[15] : f32 from vector<16xf32>
      %sub3A = vector.broadcast %reduce_max3A_127 : f32 to vector<16xf32>
      %sub3A_128 = arith.subf %masked_sort3A_123, %sub3A : vector<16xf32>
      %exp3A = math.exp %sub3A_128 : vector<16xf32>
      %jit3A = arith.constant 0.000000e+00 : f32
      %broadcast_in_dim3A = vector.broadcast %jit3A : f32 to vector<16xf32>
      %select_n3A_129 = arith.select %lt3A_4, %exp3A, %broadcast_in_dim3A : vector<16xi1>, vector<16xf32>
      %reduce_sum3A = arith.constant true
      %reduce_sum3A_130 = vector.broadcast %reduce_sum3A : i1 to vector<16xi1>
      %reduce_sum3A_131 = tpu.scan <sum>, %select_n3A_129 masked %reduce_sum3A_130 : vector<16xf32>, vector<16xi1> -> vector<16xf32>
      %reduce_sum3A_132 = vector.extract %reduce_sum3A_131[15] : f32 from vector<16xf32>
      %div3A = vector.broadcast %reduce_sum3A_132 : f32 to vector<16xf32>
      %div3A_133 = arith.divf %select_n3A_129, %div3A : vector<16xf32>
      %mul3A_134 = arith.constant 8 : i32
      %mul3A_135 = arith.muli %scan3A_32, %mul3A_134 : i32
      %swap3A = arith.index_cast %mul3A_135 : i32 to index
      %swap3A_136 = tpu.vector_load %arg6[%swap3A] masked %lt3A_4 {strides = array<i32>} : memref<520xf32, #tpu.memory_space<vmem>>, vector<16xf32>, vector<16xi1>
      tpu.vector_store %arg6[%swap3A], %div3A_133 masked %lt3A_4 {strides = array<i32>} : memref<520xf32, #tpu.memory_space<vmem>>, vector<16xf32>, vector<16xi1>
      %mul3A_137 = arith.constant 8 : i32
      %mul3A_138 = arith.muli %scan3A_32, %mul3A_137 : i32
      %swap3A_139 = arith.index_cast %mul3A_138 : i32 to index
      %swap3A_140 = tpu.vector_load %arg7[%swap3A_139] masked %lt3A_4 {strides = array<i32>} : memref<520xi32, #tpu.memory_space<vmem>>, vector<16xi32>, vector<16xi1>
      tpu.vector_store %arg7[%swap3A_139], %masked_sort3A_124 masked %lt3A_4 {strides = array<i32>} : memref<520xi32, #tpu.memory_space<vmem>>, vector<16xi32>, vector<16xi1>
    }
    %scan3A_13 = arith.constant 64 : i32
    %mul3A_14 = arith.constant 8 : i32
    %mul3A_15 = arith.muli %add3A_6, %mul3A_14 : i32
    "tpu.region"() ({
      %run_scoped3A = tpu.sem_alloc : memref<!tpu.dma_semaphore, #tpu.memory_space<semaphore_mem>>
      %dma_start3A = arith.constant 0 : i32
      %dma_start3A_32 = tpu.memref_slice %arg6[%dma_start3A] : memref<520xf32, #tpu.memory_space<vmem>> -> memref<512xf32, #tpu.memory_space<vmem>>
      %dma_start3A_33 = tpu.memref_slice %arg3[%mul3A_15] : memref<32768xf32, #tpu.memory_space<hbm>> -> memref<512xf32, #tpu.memory_space<hbm>>
      %dma_start3A_34 = tpu.memref_slice %arg3[%mul3A_15] : memref<32768xf32, #tpu.memory_space<hbm>> -> memref<512xf32, #tpu.memory_space<hbm>>
      %dma_start3A_35 = arith.constant 0 : i32
      %dma_start3A_36 = tpu.memref_slice %arg6[%dma_start3A_35] : memref<520xf32, #tpu.memory_space<vmem>> -> memref<512xf32, #tpu.memory_space<vmem>>
      tpu.enqueue_dma source(%dma_start3A_36 : memref<512xf32, #tpu.memory_space<vmem>>) target(%dma_start3A_34 : memref<512xf32, #tpu.memory_space<hbm>>) target_semaphore(%run_scoped3A : memref<!tpu.dma_semaphore, #tpu.memory_space<semaphore_mem>>)
      %dma_wait3A = arith.constant 0 : i32
      %dma_wait3A_37 = tpu.memref_slice %arg6[%dma_wait3A] : memref<520xf32, #tpu.memory_space<vmem>> -> memref<512xf32, #tpu.memory_space<vmem>>
      %dma_wait3A_38 = tpu.memref_slice %arg3[%mul3A_15] : memref<32768xf32, #tpu.memory_space<hbm>> -> memref<512xf32, #tpu.memory_space<hbm>>
      %dma_wait3A_39 = tpu.memref_slice %arg3[%mul3A_15] : memref<32768xf32, #tpu.memory_space<hbm>> -> memref<512xf32, #tpu.memory_space<hbm>>
      %dma_wait3A_40 = arith.constant 0 : i32
      %dma_wait3A_41 = tpu.memref_slice %arg6[%dma_wait3A_40] : memref<520xf32, #tpu.memory_space<vmem>> -> memref<512xf32, #tpu.memory_space<vmem>>
      tpu.wait_dma2 semaphore(%run_scoped3A : memref<!tpu.dma_semaphore, #tpu.memory_space<semaphore_mem>>) src(%dma_wait3A_41 : memref<512xf32, #tpu.memory_space<vmem>>) dst(%dma_wait3A_39 : memref<512xf32, #tpu.memory_space<hbm>>)
      tpu.yield
    }) : () -> ()
    %mul3A_16 = arith.constant 8 : i32
    %mul3A_17 = arith.muli %add3A_6, %mul3A_16 : i32
    "tpu.region"() ({
      %run_scoped3A = tpu.sem_alloc : memref<!tpu.dma_semaphore, #tpu.memory_space<semaphore_mem>>
      %dma_start3A = arith.constant 0 : i32
      %dma_start3A_32 = tpu.memref_slice %arg7[%dma_start3A] : memref<520xi32, #tpu.memory_space<vmem>> -> memref<512xi32, #tpu.memory_space<vmem>>
      %dma_start3A_33 = tpu.memref_slice %arg4[%mul3A_17] : memref<32768xi32, #tpu.memory_space<hbm>> -> memref<512xi32, #tpu.memory_space<hbm>>
      %dma_start3A_34 = tpu.memref_slice %arg4[%mul3A_17] : memref<32768xi32, #tpu.memory_space<hbm>> -> memref<512xi32, #tpu.memory_space<hbm>>
      %dma_start3A_35 = arith.constant 0 : i32
      %dma_start3A_36 = tpu.memref_slice %arg7[%dma_start3A_35] : memref<520xi32, #tpu.memory_space<vmem>> -> memref<512xi32, #tpu.memory_space<vmem>>
      tpu.enqueue_dma source(%dma_start3A_36 : memref<512xi32, #tpu.memory_space<vmem>>) target(%dma_start3A_34 : memref<512xi32, #tpu.memory_space<hbm>>) target_semaphore(%run_scoped3A : memref<!tpu.dma_semaphore, #tpu.memory_space<semaphore_mem>>)
      %dma_wait3A = arith.constant 0 : i32
      %dma_wait3A_37 = tpu.memref_slice %arg7[%dma_wait3A] : memref<520xi32, #tpu.memory_space<vmem>> -> memref<512xi32, #tpu.memory_space<vmem>>
      %dma_wait3A_38 = tpu.memref_slice %arg4[%mul3A_17] : memref<32768xi32, #tpu.memory_space<hbm>> -> memref<512xi32, #tpu.memory_space<hbm>>
      %dma_wait3A_39 = tpu.memref_slice %arg4[%mul3A_17] : memref<32768xi32, #tpu.memory_space<hbm>> -> memref<512xi32, #tpu.memory_space<hbm>>
      %dma_wait3A_40 = arith.constant 0 : i32
      %dma_wait3A_41 = tpu.memref_slice %arg7[%dma_wait3A_40] : memref<520xi32, #tpu.memory_space<vmem>> -> memref<512xi32, #tpu.memory_space<vmem>>
      tpu.wait_dma2 semaphore(%run_scoped3A : memref<!tpu.dma_semaphore, #tpu.memory_space<semaphore_mem>>) src(%dma_wait3A_41 : memref<512xi32, #tpu.memory_space<vmem>>) dst(%dma_wait3A_39 : memref<512xi32, #tpu.memory_space<hbm>>)
      tpu.yield
    }) : () -> ()
    %add3A_18 = arith.constant 64 : i32
    %add3A_19 = arith.addi %mul3A_2, %add3A_18 : i32
    %mul3A_20 = arith.constant 64 : i32
    %mul3A_21 = arith.muli %add3A_19, %mul3A_20 : i32
    "tpu.region"() ({
      %run_scoped3A = tpu.sem_alloc : memref<!tpu.dma_semaphore, #tpu.memory_space<semaphore_mem>>
      %dma_start3A = tpu.memref_slice %arg2[%mul3A_21] : memref<262144xf32, #tpu.memory_space<hbm>> -> memref<4096xf32, #tpu.memory_space<hbm>>
      %dma_start3A_32 = tpu.memref_slice %arg2[%mul3A_21] : memref<262144xf32, #tpu.memory_space<hbm>> -> memref<4096xf32, #tpu.memory_space<hbm>>
      tpu.enqueue_dma source(%dma_start3A_32 : memref<4096xf32, #tpu.memory_space<hbm>>) target(%arg5 : memref<4096xf32, #tpu.memory_space<vmem>>) target_semaphore(%run_scoped3A : memref<!tpu.dma_semaphore, #tpu.memory_space<semaphore_mem>>)
      %dma_wait3A = tpu.memref_slice %arg2[%mul3A_21] : memref<262144xf32, #tpu.memory_space<hbm>> -> memref<4096xf32, #tpu.memory_space<hbm>>
      %dma_wait3A_33 = tpu.memref_slice %arg2[%mul3A_21] : memref<262144xf32, #tpu.memory_space<hbm>> -> memref<4096xf32, #tpu.memory_space<hbm>>
      tpu.wait_dma2 semaphore(%run_scoped3A : memref<!tpu.dma_semaphore, #tpu.memory_space<semaphore_mem>>) src(%dma_wait3A_33 : memref<4096xf32, #tpu.memory_space<hbm>>) dst(%arg5 : memref<4096xf32, #tpu.memory_space<vmem>>)
      tpu.yield
    }) : () -> ()
    %scan3A_22 = arith.constant 0 : i32
    %scan3A_23 = arith.constant 0 : i32
    %scan3A_24 = arith.constant 64 : i32
    %scan3A_25 = arith.addi %scan3A_23, %scan3A_24 : i32
    %scan3A_26 = arith.constant 1 : i32
    scf.for %scan3A_32 = %scan3A_23 to %scan3A_25 step %scan3A_26  : i32 {
      %mul3A_33 = arith.constant 64 : i32
      %mul3A_34 = arith.muli %scan3A_32, %mul3A_33 : i32
      %add3A_35 = arith.constant 0 : i32
      %add3A_36 = arith.addi %mul3A_34, %add3A_35 : i32
      %get3A = arith.index_cast %add3A_36 : i32 to index
      %get3A_37 = tpu.vector_load %arg5[%get3A] {strides = array<i32>} : memref<4096xf32, #tpu.memory_space<vmem>>, vector<16xf32>,
      %add3A_38 = arith.constant 0 : i32
      %add3A_39 = vector.broadcast %add3A_38 : i32 to vector<16xi32>
      %add3A_40 = arith.addi %iota3A, %add3A_39 : vector<16xi32>
      %masked_sort3A = arith.constant dense<true> : vector<16xi1>
      %masked_sort3A_41, %masked_sort3A_42, %masked_sort3A_43 = tpu.sort %get3A_37, %add3A_40 masked %masked_sort3A {descending = true} : (vector<16xf32>, vector<16xi32>, vector<16xi1>) -> (vector<16xi1>, vector<16xf32>, vector<16xi32>)
      %add3A_44 = arith.constant 16 : i32
      %add3A_45 = arith.addi %mul3A_34, %add3A_44 : i32
      %get3A_46 = arith.index_cast %add3A_45 : i32 to index
      %get3A_47 = tpu.vector_load %arg5[%get3A_46] {strides = array<i32>} : memref<4096xf32, #tpu.memory_space<vmem>>, vector<16xf32>,
      %add3A_48 = arith.constant 16 : i32
      %add3A_49 = vector.broadcast %add3A_48 : i32 to vector<16xi32>
      %add3A_50 = arith.addi %iota3A, %add3A_49 : vector<16xi32>
      %masked_sort3A_51 = arith.constant dense<true> : vector<16xi1>
      %masked_sort3A_52, %masked_sort3A_53, %masked_sort3A_54 = tpu.sort %get3A_47, %add3A_50 masked %masked_sort3A_51 {descending = true} : (vector<16xf32>, vector<16xi32>, vector<16xi1>) -> (vector<16xi1>, vector<16xf32>, vector<16xi32>)
      %add3A_55 = arith.constant 32 : i32
      %add3A_56 = arith.addi %mul3A_34, %add3A_55 : i32
      %get3A_57 = arith.index_cast %add3A_56 : i32 to index
      %get3A_58 = tpu.vector_load %arg5[%get3A_57] {strides = array<i32>} : memref<4096xf32, #tpu.memory_space<vmem>>, vector<16xf32>,
      %add3A_59 = arith.constant 32 : i32
      %add3A_60 = vector.broadcast %add3A_59 : i32 to vector<16xi32>
      %add3A_61 = arith.addi %iota3A, %add3A_60 : vector<16xi32>
      %masked_sort3A_62 = arith.constant dense<true> : vector<16xi1>
      %masked_sort3A_63, %masked_sort3A_64, %masked_sort3A_65 = tpu.sort %get3A_58, %add3A_61 masked %masked_sort3A_62 {descending = true} : (vector<16xf32>, vector<16xi32>, vector<16xi1>) -> (vector<16xi1>, vector<16xf32>, vector<16xi32>)
      %add3A_66 = arith.constant 48 : i32
      %add3A_67 = arith.addi %mul3A_34, %add3A_66 : i32
      %get3A_68 = arith.index_cast %add3A_67 : i32 to index
      %get3A_69 = tpu.vector_load %arg5[%get3A_68] {strides = array<i32>} : memref<4096xf32, #tpu.memory_space<vmem>>, vector<16xf32>,
      %add3A_70 = arith.constant 48 : i32
      %add3A_71 = vector.broadcast %add3A_70 : i32 to vector<16xi32>
      %add3A_72 = arith.addi %iota3A, %add3A_71 : vector<16xi32>
      %masked_sort3A_73 = arith.constant dense<true> : vector<16xi1>
      %masked_sort3A_74, %masked_sort3A_75, %masked_sort3A_76 = tpu.sort %get3A_69, %add3A_72 masked %masked_sort3A_73 {descending = true} : (vector<16xf32>, vector<16xi32>, vector<16xi1>) -> (vector<16xi1>, vector<16xf32>, vector<16xi32>)
      %rev3A = arith.constant 15 : i32
      %rev3A_77 = vector.broadcast %rev3A : i32 to vector<16xi32>
      %rev3A_78 = tpu.iota {dimensions = array<i32: 0>} : vector<16xi32>
      %rev3A_79 = arith.subi %rev3A_77, %rev3A_78 : vector<16xi32>
      %rev3A_80 = tpu.dynamic_gather %masked_sort3A_53[%rev3A_79] in [0] : vector<16xf32>, vector<16xi32> -> vector<16xf32>
      %rev3A_81 = arith.constant 15 : i32
      %rev3A_82 = vector.broadcast %rev3A_81 : i32 to vector<16xi32>
      %rev3A_83 = tpu.iota {dimensions = array<i32: 0>} : vector<16xi32>
      %rev3A_84 = arith.subi %rev3A_82, %rev3A_83 : vector<16xi32>
      %rev3A_85 = tpu.dynamic_gather %masked_sort3A_54[%rev3A_84] in [0] : vector<16xi32>, vector<16xi32> -> vector<16xi32>
      %ge3A = arith.cmpf oge, %masked_sort3A_42, %rev3A_80 : vector<16xf32>
      %select_n3A = arith.select %ge3A, %masked_sort3A_42, %rev3A_80 : vector<16xi1>, vector<16xf32>
      %select_n3A_86 = arith.select %ge3A, %masked_sort3A_43, %rev3A_85 : vector<16xi1>, vector<16xi32>
      %masked_sort3A_87 = arith.constant dense<true> : vector<16xi1>
      %masked_sort3A_88, %masked_sort3A_89, %masked_sort3A_90 = tpu.sort %select_n3A, %select_n3A_86 masked %masked_sort3A_87 {descending = true} : (vector<16xf32>, vector<16xi32>, vector<16xi1>) -> (vector<16xi1>, vector<16xf32>, vector<16xi32>)
      %rev3A_91 = arith.constant 15 : i32
      %rev3A_92 = vector.broadcast %rev3A_91 : i32 to vector<16xi32>
      %rev3A_93 = tpu.iota {dimensions = array<i32: 0>} : vector<16xi32>
      %rev3A_94 = arith.subi %rev3A_92, %rev3A_93 : vector<16xi32>
      %rev3A_95 = tpu.dynamic_gather %masked_sort3A_75[%rev3A_94] in [0] : vector<16xf32>, vector<16xi32> -> vector<16xf32>
      %rev3A_96 = arith.constant 15 : i32
      %rev3A_97 = vector.broadcast %rev3A_96 : i32 to vector<16xi32>
      %rev3A_98 = tpu.iota {dimensions = array<i32: 0>} : vector<16xi32>
      %rev3A_99 = arith.subi %rev3A_97, %rev3A_98 : vector<16xi32>
      %rev3A_100 = tpu.dynamic_gather %masked_sort3A_76[%rev3A_99] in [0] : vector<16xi32>, vector<16xi32> -> vector<16xi32>
      %ge3A_101 = arith.cmpf oge, %masked_sort3A_64, %rev3A_95 : vector<16xf32>
      %select_n3A_102 = arith.select %ge3A_101, %masked_sort3A_64, %rev3A_95 : vector<16xi1>, vector<16xf32>
      %select_n3A_103 = arith.select %ge3A_101, %masked_sort3A_65, %rev3A_100 : vector<16xi1>, vector<16xi32>
      %masked_sort3A_104 = arith.constant dense<true> : vector<16xi1>
      %masked_sort3A_105, %masked_sort3A_106, %masked_sort3A_107 = tpu.sort %select_n3A_102, %select_n3A_103 masked %masked_sort3A_104 {descending = true} : (vector<16xf32>, vector<16xi32>, vector<16xi1>) -> (vector<16xi1>, vector<16xf32>, vector<16xi32>)
      %rev3A_108 = arith.constant 15 : i32
      %rev3A_109 = vector.broadcast %rev3A_108 : i32 to vector<16xi32>
      %rev3A_110 = tpu.iota {dimensions = array<i32: 0>} : vector<16xi32>
      %rev3A_111 = arith.subi %rev3A_109, %rev3A_110 : vector<16xi32>
      %rev3A_112 = tpu.dynamic_gather %masked_sort3A_106[%rev3A_111] in [0] : vector<16xf32>, vector<16xi32> -> vector<16xf32>
      %rev3A_113 = arith.constant 15 : i32
      %rev3A_114 = vector.broadcast %rev3A_113 : i32 to vector<16xi32>
      %rev3A_115 = tpu.iota {dimensions = array<i32: 0>} : vector<16xi32>
      %rev3A_116 = arith.subi %rev3A_114, %rev3A_115 : vector<16xi32>
      %rev3A_117 = tpu.dynamic_gather %masked_sort3A_107[%rev3A_116] in [0] : vector<16xi32>, vector<16xi32> -> vector<16xi32>
      %ge3A_118 = arith.cmpf oge, %masked_sort3A_89, %rev3A_112 : vector<16xf32>
      %select_n3A_119 = arith.select %ge3A_118, %masked_sort3A_89, %rev3A_112 : vector<16xi1>, vector<16xf32>
      %select_n3A_120 = arith.select %ge3A_118, %masked_sort3A_90, %rev3A_117 : vector<16xi1>, vector<16xi32>
      %masked_sort3A_121 = arith.constant dense<true> : vector<16xi1>
      %masked_sort3A_122, %masked_sort3A_123, %masked_sort3A_124 = tpu.sort %select_n3A_119, %select_n3A_120 masked %masked_sort3A_121 {descending = true} : (vector<16xf32>, vector<16xi32>, vector<16xi1>) -> (vector<16xi1>, vector<16xf32>, vector<16xi32>)
      %reduce_max3A = arith.constant true
      %reduce_max3A_125 = vector.broadcast %reduce_max3A : i1 to vector<16xi1>
      %reduce_max3A_126 = tpu.scan <max>, %masked_sort3A_123 masked %reduce_max3A_125 : vector<16xf32>, vector<16xi1> -> vector<16xf32>
      %reduce_max3A_127 = vector.extract %reduce_max3A_126[15] : f32 from vector<16xf32>
      %sub3A = vector.broadcast %reduce_max3A_127 : f32 to vector<16xf32>
      %sub3A_128 = arith.subf %masked_sort3A_123, %sub3A : vector<16xf32>
      %exp3A = math.exp %sub3A_128 : vector<16xf32>
      %jit3A = arith.constant 0.000000e+00 : f32
      %broadcast_in_dim3A = vector.broadcast %jit3A : f32 to vector<16xf32>
      %select_n3A_129 = arith.select %lt3A_4, %exp3A, %broadcast_in_dim3A : vector<16xi1>, vector<16xf32>
      %reduce_sum3A = arith.constant true
      %reduce_sum3A_130 = vector.broadcast %reduce_sum3A : i1 to vector<16xi1>
      %reduce_sum3A_131 = tpu.scan <sum>, %select_n3A_129 masked %reduce_sum3A_130 : vector<16xf32>, vector<16xi1> -> vector<16xf32>
      %reduce_sum3A_132 = vector.extract %reduce_sum3A_131[15] : f32 from vector<16xf32>
      %div3A = vector.broadcast %reduce_sum3A_132 : f32 to vector<16xf32>
      %div3A_133 = arith.divf %select_n3A_129, %div3A : vector<16xf32>
      %mul3A_134 = arith.constant 8 : i32
      %mul3A_135 = arith.muli %scan3A_32, %mul3A_134 : i32
      %swap3A = arith.index_cast %mul3A_135 : i32 to index
      %swap3A_136 = tpu.vector_load %arg6[%swap3A] masked %lt3A_4 {strides = array<i32>} : memref<520xf32, #tpu.memory_space<vmem>>, vector<16xf32>, vector<16xi1>
      tpu.vector_store %arg6[%swap3A], %div3A_133 masked %lt3A_4 {strides = array<i32>} : memref<520xf32, #tpu.memory_space<vmem>>, vector<16xf32>, vector<16xi1>
      %mul3A_137 = arith.constant 8 : i32
      %mul3A_138 = arith.muli %scan3A_32, %mul3A_137 : i32
      %swap3A_139 = arith.index_cast %mul3A_138 : i32 to index
      %swap3A_140 = tpu.vector_load %arg7[%swap3A_139] masked %lt3A_4 {strides = array<i32>} : memref<520xi32, #tpu.memory_space<vmem>>, vector<16xi32>, vector<16xi1>
      tpu.vector_store %arg7[%swap3A_139], %masked_sort3A_124 masked %lt3A_4 {strides = array<i32>} : memref<520xi32, #tpu.memory_space<vmem>>, vector<16xi32>, vector<16xi1>
    }
    %scan3A_27 = arith.constant 64 : i32
    %mul3A_28 = arith.constant 8 : i32
    %mul3A_29 = arith.muli %add3A_19, %mul3A_28 : i32
    "tpu.region"() ({
      %run_scoped3A = tpu.sem_alloc : memref<!tpu.dma_semaphore, #tpu.memory_space<semaphore_mem>>
      %dma_start3A = arith.constant 0 : i32
      %dma_start3A_32 = tpu.memref_slice %arg6[%dma_start3A] : memref<520xf32, #tpu.memory_space<vmem>> -> memref<512xf32, #tpu.memory_space<vmem>>
      %dma_start3A_33 = tpu.memref_slice %arg3[%mul3A_29] : memref<32768xf32, #tpu.memory_space<hbm>> -> memref<512xf32, #tpu.memory_space<hbm>>
      %dma_start3A_34 = tpu.memref_slice %arg3[%mul3A_29] : memref<32768xf32, #tpu.memory_space<hbm>> -> memref<512xf32, #tpu.memory_space<hbm>>
      %dma_start3A_35 = arith.constant 0 : i32
      %dma_start3A_36 = tpu.memref_slice %arg6[%dma_start3A_35] : memref<520xf32, #tpu.memory_space<vmem>> -> memref<512xf32, #tpu.memory_space<vmem>>
      tpu.enqueue_dma source(%dma_start3A_36 : memref<512xf32, #tpu.memory_space<vmem>>) target(%dma_start3A_34 : memref<512xf32, #tpu.memory_space<hbm>>) target_semaphore(%run_scoped3A : memref<!tpu.dma_semaphore, #tpu.memory_space<semaphore_mem>>)
      %dma_wait3A = arith.constant 0 : i32
      %dma_wait3A_37 = tpu.memref_slice %arg6[%dma_wait3A] : memref<520xf32, #tpu.memory_space<vmem>> -> memref<512xf32, #tpu.memory_space<vmem>>
      %dma_wait3A_38 = tpu.memref_slice %arg3[%mul3A_29] : memref<32768xf32, #tpu.memory_space<hbm>> -> memref<512xf32, #tpu.memory_space<hbm>>
      %dma_wait3A_39 = tpu.memref_slice %arg3[%mul3A_29] : memref<32768xf32, #tpu.memory_space<hbm>> -> memref<512xf32, #tpu.memory_space<hbm>>
      %dma_wait3A_40 = arith.constant 0 : i32
      %dma_wait3A_41 = tpu.memref_slice %arg6[%dma_wait3A_40] : memref<520xf32, #tpu.memory_space<vmem>> -> memref<512xf32, #tpu.memory_space<vmem>>
      tpu.wait_dma2 semaphore(%run_scoped3A : memref<!tpu.dma_semaphore, #tpu.memory_space<semaphore_mem>>) src(%dma_wait3A_41 : memref<512xf32, #tpu.memory_space<vmem>>) dst(%dma_wait3A_39 : memref<512xf32, #tpu.memory_space<hbm>>)
      tpu.yield
    }) : () -> ()
    %mul3A_30 = arith.constant 8 : i32
    %mul3A_31 = arith.muli %add3A_19, %mul3A_30 : i32
    "tpu.region"() ({
      %run_scoped3A = tpu.sem_alloc : memref<!tpu.dma_semaphore, #tpu.memory_space<semaphore_mem>>
      %dma_start3A = arith.constant 0 : i32
      %dma_start3A_32 = tpu.memref_slice %arg7[%dma_start3A] : memref<520xi32, #tpu.memory_space<vmem>> -> memref<512xi32, #tpu.memory_space<vmem>>
      %dma_start3A_33 = tpu.memref_slice %arg4[%mul3A_31] : memref<32768xi32, #tpu.memory_space<hbm>> -> memref<512xi32, #tpu.memory_space<hbm>>
      %dma_start3A_34 = tpu.memref_slice %arg4[%mul3A_31] : memref<32768xi32, #tpu.memory_space<hbm>> -> memref<512xi32, #tpu.memory_space<hbm>>
      %dma_start3A_35 = arith.constant 0 : i32
      %dma_start3A_36 = tpu.memref_slice %arg7[%dma_start3A_35] : memref<520xi32, #tpu.memory_space<vmem>> -> memref<512xi32, #tpu.memory_space<vmem>>
      tpu.enqueue_dma source(%dma_start3A_36 : memref<512xi32, #tpu.memory_space<vmem>>) target(%dma_start3A_34 : memref<512xi32, #tpu.memory_space<hbm>>) target_semaphore(%run_scoped3A : memref<!tpu.dma_semaphore, #tpu.memory_space<semaphore_mem>>)
      %dma_wait3A = arith.constant 0 : i32
      %dma_wait3A_37 = tpu.memref_slice %arg7[%dma_wait3A] : memref<520xi32, #tpu.memory_space<vmem>> -> memref<512xi32, #tpu.memory_space<vmem>>
      %dma_wait3A_38 = tpu.memref_slice %arg4[%mul3A_31] : memref<32768xi32, #tpu.memory_space<hbm>> -> memref<512xi32, #tpu.memory_space<hbm>>
      %dma_wait3A_39 = tpu.memref_slice %arg4[%mul3A_31] : memref<32768xi32, #tpu.memory_space<hbm>> -> memref<512xi32, #tpu.memory_space<hbm>>
      %dma_wait3A_40 = arith.constant 0 : i32
      %dma_wait3A_41 = tpu.memref_slice %arg7[%dma_wait3A_40] : memref<520xi32, #tpu.memory_space<vmem>> -> memref<512xi32, #tpu.memory_space<vmem>>
      tpu.wait_dma2 semaphore(%run_scoped3A : memref<!tpu.dma_semaphore, #tpu.memory_space<semaphore_mem>>) src(%dma_wait3A_41 : memref<512xi32, #tpu.memory_space<vmem>>) dst(%dma_wait3A_39 : memref<512xi32, #tpu.memory_space<hbm>>)
      tpu.yield
    }) : () -> ()
    return
  }
}

#map = affine_map<(d0, d1) -> (0)>
module attributes {stable_mosaic.version = 14 : i64} {
  func.func @_sc_body(%arg0: i32, %arg1: i32, %arg2: memref<262144xf32, #tpu.memory_space<hbm>>, %arg3: memref<32768xf32, #tpu.memory_space<hbm>>, %arg4: memref<32768xi32, #tpu.memory_space<hbm>>, %arg5: memref<4096xf32, #tpu.memory_space<vmem>>, %arg6: memref<520xf32, #tpu.memory_space<vmem>>, %arg7: memref<520xi32, #tpu.memory_space<vmem>>) attributes {dimension_semantics = [#tpu.dimension_semantics<core_parallel>, #tpu.dimension_semantics<subcore_parallel>], iteration_bounds = array<i64: 2, 16>, scalar_prefetch = 0 : i64, scratch_operands = 3 : i64, tpu.core_type = #tpu.core_type<sc_vector_subcore>, window_params = [{transform_indices = #map}, {transform_indices = #map}, {transform_indices = #map}]} {
    %mul3A = arith.constant 2 : i32
    %mul3A_0 = arith.muli %arg1, %mul3A : i32
    %add3A = arith.addi %mul3A_0, %arg0 : i32
    %mul3A_1 = arith.constant 128 : i32
    %mul3A_2 = arith.muli %add3A, %mul3A_1 : i32
    %iota3A = tpu.iota {dimensions = array<i32: 0>} : vector<16xi32>
    %lt3A = arith.constant 8 : i32
    %lt3A_3 = vector.broadcast %lt3A : i32 to vector<16xi32>
    %lt3A_4 = arith.cmpi slt, %iota3A, %lt3A_3 : vector<16xi32>
    %add3A_5 = arith.constant 0 : i32
    %add3A_6 = arith.addi %mul3A_2, %add3A_5 : i32
    %mul3A_7 = arith.constant 64 : i32
    %mul3A_8 = arith.muli %add3A_6, %mul3A_7 : i32
    "tpu.region"() ({
      %run_scoped3A = tpu.sem_alloc : memref<!tpu.dma_semaphore, #tpu.memory_space<semaphore_mem>>
      %dma_start3A = tpu.memref_slice %arg2[%mul3A_8] : memref<262144xf32, #tpu.memory_space<hbm>> -> memref<4096xf32, #tpu.memory_space<hbm>>
      %dma_start3A_32 = tpu.memref_slice %arg2[%mul3A_8] : memref<262144xf32, #tpu.memory_space<hbm>> -> memref<4096xf32, #tpu.memory_space<hbm>>
      tpu.enqueue_dma source(%dma_start3A_32 : memref<4096xf32, #tpu.memory_space<hbm>>) target(%arg5 : memref<4096xf32, #tpu.memory_space<vmem>>) target_semaphore(%run_scoped3A : memref<!tpu.dma_semaphore, #tpu.memory_space<semaphore_mem>>)
      %dma_wait3A = tpu.memref_slice %arg2[%mul3A_8] : memref<262144xf32, #tpu.memory_space<hbm>> -> memref<4096xf32, #tpu.memory_space<hbm>>
      %dma_wait3A_33 = tpu.memref_slice %arg2[%mul3A_8] : memref<262144xf32, #tpu.memory_space<hbm>> -> memref<4096xf32, #tpu.memory_space<hbm>>
      tpu.wait_dma2 semaphore(%run_scoped3A : memref<!tpu.dma_semaphore, #tpu.memory_space<semaphore_mem>>) src(%dma_wait3A_33 : memref<4096xf32, #tpu.memory_space<hbm>>) dst(%arg5 : memref<4096xf32, #tpu.memory_space<vmem>>)
      tpu.yield
    }) : () -> ()
    %scan3A = arith.constant 0 : i32
    %scan3A_9 = arith.constant 0 : i32
    %scan3A_10 = arith.constant 64 : i32
    %scan3A_11 = arith.addi %scan3A_9, %scan3A_10 : i32
    %scan3A_12 = arith.constant 1 : i32
    scf.for %scan3A_32 = %scan3A_9 to %scan3A_11 step %scan3A_12  : i32 {
      %mul3A_33 = arith.constant 64 : i32
      %mul3A_34 = arith.muli %scan3A_32, %mul3A_33 : i32
      %add3A_35 = arith.constant 0 : i32
      %add3A_36 = arith.addi %mul3A_34, %add3A_35 : i32
      %get3A = arith.index_cast %add3A_36 : i32 to index
      %get3A_37 = tpu.vector_load %arg5[%get3A] {strides = array<i32>} : memref<4096xf32, #tpu.memory_space<vmem>>, vector<16xf32>,
      %add3A_38 = arith.constant 0 : i32
      %add3A_39 = vector.broadcast %add3A_38 : i32 to vector<16xi32>
      %add3A_40 = arith.addi %iota3A, %add3A_39 : vector<16xi32>
      %masked_sort3A = arith.constant dense<true> : vector<16xi1>
      %masked_sort3A_41, %masked_sort3A_42, %masked_sort3A_43 = tpu.sort %get3A_37, %add3A_40 masked %masked_sort3A {descending = true} : (vector<16xf32>, vector<16xi32>, vector<16xi1>) -> (vector<16xi1>, vector<16xf32>, vector<16xi32>)
      %add3A_44 = arith.constant 16 : i32
      %add3A_45 = arith.addi %mul3A_34, %add3A_44 : i32
      %get3A_46 = arith.index_cast %add3A_45 : i32 to index
      %get3A_47 = tpu.vector_load %arg5[%get3A_46] {strides = array<i32>} : memref<4096xf32, #tpu.memory_space<vmem>>, vector<16xf32>,
      %add3A_48 = arith.constant 16 : i32
      %add3A_49 = vector.broadcast %add3A_48 : i32 to vector<16xi32>
      %add3A_50 = arith.addi %iota3A, %add3A_49 : vector<16xi32>
      %masked_sort3A_51 = arith.constant dense<true> : vector<16xi1>
      %masked_sort3A_52, %masked_sort3A_53, %masked_sort3A_54 = tpu.sort %get3A_47, %add3A_50 masked %masked_sort3A_51 {descending = true} : (vector<16xf32>, vector<16xi32>, vector<16xi1>) -> (vector<16xi1>, vector<16xf32>, vector<16xi32>)
      %add3A_55 = arith.constant 32 : i32
      %add3A_56 = arith.addi %mul3A_34, %add3A_55 : i32
      %get3A_57 = arith.index_cast %add3A_56 : i32 to index
      %get3A_58 = tpu.vector_load %arg5[%get3A_57] {strides = array<i32>} : memref<4096xf32, #tpu.memory_space<vmem>>, vector<16xf32>,
      %add3A_59 = arith.constant 32 : i32
      %add3A_60 = vector.broadcast %add3A_59 : i32 to vector<16xi32>
      %add3A_61 = arith.addi %iota3A, %add3A_60 : vector<16xi32>
      %masked_sort3A_62 = arith.constant dense<true> : vector<16xi1>
      %masked_sort3A_63, %masked_sort3A_64, %masked_sort3A_65 = tpu.sort %get3A_58, %add3A_61 masked %masked_sort3A_62 {descending = true} : (vector<16xf32>, vector<16xi32>, vector<16xi1>) -> (vector<16xi1>, vector<16xf32>, vector<16xi32>)
      %add3A_66 = arith.constant 48 : i32
      %add3A_67 = arith.addi %mul3A_34, %add3A_66 : i32
      %get3A_68 = arith.index_cast %add3A_67 : i32 to index
      %get3A_69 = tpu.vector_load %arg5[%get3A_68] {strides = array<i32>} : memref<4096xf32, #tpu.memory_space<vmem>>, vector<16xf32>,
      %add3A_70 = arith.constant 48 : i32
      %add3A_71 = vector.broadcast %add3A_70 : i32 to vector<16xi32>
      %add3A_72 = arith.addi %iota3A, %add3A_71 : vector<16xi32>
      %masked_sort3A_73 = arith.constant dense<true> : vector<16xi1>
      %masked_sort3A_74, %masked_sort3A_75, %masked_sort3A_76 = tpu.sort %get3A_69, %add3A_72 masked %masked_sort3A_73 {descending = true} : (vector<16xf32>, vector<16xi32>, vector<16xi1>) -> (vector<16xi1>, vector<16xf32>, vector<16xi32>)
      %rev3A = arith.constant 15 : i32
      %rev3A_77 = vector.broadcast %rev3A : i32 to vector<16xi32>
      %rev3A_78 = tpu.iota {dimensions = array<i32: 0>} : vector<16xi32>
      %rev3A_79 = arith.subi %rev3A_77, %rev3A_78 : vector<16xi32>
      %rev3A_80 = tpu.dynamic_gather %masked_sort3A_53[%rev3A_79] in [0] : vector<16xf32>, vector<16xi32> -> vector<16xf32>
      %rev3A_81 = arith.constant 15 : i32
      %rev3A_82 = vector.broadcast %rev3A_81 : i32 to vector<16xi32>
      %rev3A_83 = tpu.iota {dimensions = array<i32: 0>} : vector<16xi32>
      %rev3A_84 = arith.subi %rev3A_82, %rev3A_83 : vector<16xi32>
      %rev3A_85 = tpu.dynamic_gather %masked_sort3A_54[%rev3A_84] in [0] : vector<16xi32>, vector<16xi32> -> vector<16xi32>
      %ge3A = arith.cmpf oge, %masked_sort3A_42, %rev3A_80 : vector<16xf32>
      %select_n3A = arith.select %ge3A, %masked_sort3A_42, %rev3A_80 : vector<16xi1>, vector<16xf32>
      %select_n3A_86 = arith.select %ge3A, %masked_sort3A_43, %rev3A_85 : vector<16xi1>, vector<16xi32>
      %masked_sort3A_87 = arith.constant dense<true> : vector<16xi1>
      %masked_sort3A_88, %masked_sort3A_89, %masked_sort3A_90 = tpu.sort %select_n3A, %select_n3A_86 masked %masked_sort3A_87 {descending = true} : (vector<16xf32>, vector<16xi32>, vector<16xi1>) -> (vector<16xi1>, vector<16xf32>, vector<16xi32>)
      %rev3A_91 = arith.constant 15 : i32
      %rev3A_92 = vector.broadcast %rev3A_91 : i32 to vector<16xi32>
      %rev3A_93 = tpu.iota {dimensions = array<i32: 0>} : vector<16xi32>
      %rev3A_94 = arith.subi %rev3A_92, %rev3A_93 : vector<16xi32>
      %rev3A_95 = tpu.dynamic_gather %masked_sort3A_75[%rev3A_94] in [0] : vector<16xf32>, vector<16xi32> -> vector<16xf32>
      %rev3A_96 = arith.constant 15 : i32
      %rev3A_97 = vector.broadcast %rev3A_96 : i32 to vector<16xi32>
      %rev3A_98 = tpu.iota {dimensions = array<i32: 0>} : vector<16xi32>
      %rev3A_99 = arith.subi %rev3A_97, %rev3A_98 : vector<16xi32>
      %rev3A_100 = tpu.dynamic_gather %masked_sort3A_76[%rev3A_99] in [0] : vector<16xi32>, vector<16xi32> -> vector<16xi32>
      %ge3A_101 = arith.cmpf oge, %masked_sort3A_64, %rev3A_95 : vector<16xf32>
      %select_n3A_102 = arith.select %ge3A_101, %masked_sort3A_64, %rev3A_95 : vector<16xi1>, vector<16xf32>
      %select_n3A_103 = arith.select %ge3A_101, %masked_sort3A_65, %rev3A_100 : vector<16xi1>, vector<16xi32>
      %masked_sort3A_104 = arith.constant dense<true> : vector<16xi1>
      %masked_sort3A_105, %masked_sort3A_106, %masked_sort3A_107 = tpu.sort %select_n3A_102, %select_n3A_103 masked %masked_sort3A_104 {descending = true} : (vector<16xf32>, vector<16xi32>, vector<16xi1>) -> (vector<16xi1>, vector<16xf32>, vector<16xi32>)
      %rev3A_108 = arith.constant 15 : i32
      %rev3A_109 = vector.broadcast %rev3A_108 : i32 to vector<16xi32>
      %rev3A_110 = tpu.iota {dimensions = array<i32: 0>} : vector<16xi32>
      %rev3A_111 = arith.subi %rev3A_109, %rev3A_110 : vector<16xi32>
      %rev3A_112 = tpu.dynamic_gather %masked_sort3A_106[%rev3A_111] in [0] : vector<16xf32>, vector<16xi32> -> vector<16xf32>
      %rev3A_113 = arith.constant 15 : i32
      %rev3A_114 = vector.broadcast %rev3A_113 : i32 to vector<16xi32>
      %rev3A_115 = tpu.iota {dimensions = array<i32: 0>} : vector<16xi32>
      %rev3A_116 = arith.subi %rev3A_114, %rev3A_115 : vector<16xi32>
      %rev3A_117 = tpu.dynamic_gather %masked_sort3A_107[%rev3A_116] in [0] : vector<16xi32>, vector<16xi32> -> vector<16xi32>
      %ge3A_118 = arith.cmpf oge, %masked_sort3A_89, %rev3A_112 : vector<16xf32>
      %select_n3A_119 = arith.select %ge3A_118, %masked_sort3A_89, %rev3A_112 : vector<16xi1>, vector<16xf32>
      %select_n3A_120 = arith.select %ge3A_118, %masked_sort3A_90, %rev3A_117 : vector<16xi1>, vector<16xi32>
      %masked_sort3A_121 = arith.constant dense<true> : vector<16xi1>
      %masked_sort3A_122, %masked_sort3A_123, %masked_sort3A_124 = tpu.sort %select_n3A_119, %select_n3A_120 masked %masked_sort3A_121 {descending = true} : (vector<16xf32>, vector<16xi32>, vector<16xi1>) -> (vector<16xi1>, vector<16xf32>, vector<16xi32>)
      %reduce_max3A = arith.constant true
      %reduce_max3A_125 = vector.broadcast %reduce_max3A : i1 to vector<16xi1>
      %reduce_max3A_126 = tpu.scan <max>, %masked_sort3A_123 masked %reduce_max3A_125 : vector<16xf32>, vector<16xi1> -> vector<16xf32>
      %reduce_max3A_127 = vector.extract %reduce_max3A_126[15] : f32 from vector<16xf32>
      %sub3A = vector.broadcast %reduce_max3A_127 : f32 to vector<16xf32>
      %sub3A_128 = arith.subf %masked_sort3A_123, %sub3A : vector<16xf32>
      %exp3A = math.exp %sub3A_128 : vector<16xf32>
      %jit3A = arith.constant 0.000000e+00 : f32
      %broadcast_in_dim3A = vector.broadcast %jit3A : f32 to vector<16xf32>
      %select_n3A_129 = arith.select %lt3A_4, %exp3A, %broadcast_in_dim3A : vector<16xi1>, vector<16xf32>
      %reduce_sum3A = arith.constant true
      %reduce_sum3A_130 = vector.broadcast %reduce_sum3A : i1 to vector<16xi1>
      %reduce_sum3A_131 = tpu.scan <sum>, %select_n3A_129 masked %reduce_sum3A_130 : vector<16xf32>, vector<16xi1> -> vector<16xf32>
      %reduce_sum3A_132 = vector.extract %reduce_sum3A_131[15] : f32 from vector<16xf32>
      %div3A = vector.broadcast %reduce_sum3A_132 : f32 to vector<16xf32>
      %div3A_133 = arith.divf %select_n3A_129, %div3A : vector<16xf32>
      %mul3A_134 = arith.constant 8 : i32
      %mul3A_135 = arith.muli %scan3A_32, %mul3A_134 : i32
      %swap3A = arith.index_cast %mul3A_135 : i32 to index
      %swap3A_136 = tpu.vector_load %arg6[%swap3A] masked %lt3A_4 {strides = array<i32>} : memref<520xf32, #tpu.memory_space<vmem>>, vector<16xf32>, vector<16xi1>
      tpu.vector_store %arg6[%swap3A], %div3A_133 masked %lt3A_4 {strides = array<i32>} : memref<520xf32, #tpu.memory_space<vmem>>, vector<16xf32>, vector<16xi1>
      %mul3A_137 = arith.constant 8 : i32
      %mul3A_138 = arith.muli %scan3A_32, %mul3A_137 : i32
      %swap3A_139 = arith.index_cast %mul3A_138 : i32 to index
      %swap3A_140 = tpu.vector_load %arg7[%swap3A_139] masked %lt3A_4 {strides = array<i32>} : memref<520xi32, #tpu.memory_space<vmem>>, vector<16xi32>, vector<16xi1>
      tpu.vector_store %arg7[%swap3A_139], %masked_sort3A_124 masked %lt3A_4 {strides = array<i32>} : memref<520xi32, #tpu.memory_space<vmem>>, vector<16xi32>, vector<16xi1>
    }
    %scan3A_13 = arith.constant 64 : i32
    %mul3A_14 = arith.constant 8 : i32
    %mul3A_15 = arith.muli %add3A_6, %mul3A_14 : i32
    "tpu.region"() ({
      %run_scoped3A = tpu.sem_alloc : memref<!tpu.dma_semaphore, #tpu.memory_space<semaphore_mem>>
      %dma_start3A = arith.constant 0 : i32
      %dma_start3A_32 = tpu.memref_slice %arg6[%dma_start3A] : memref<520xf32, #tpu.memory_space<vmem>> -> memref<512xf32, #tpu.memory_space<vmem>>
      %dma_start3A_33 = tpu.memref_slice %arg3[%mul3A_15] : memref<32768xf32, #tpu.memory_space<hbm>> -> memref<512xf32, #tpu.memory_space<hbm>>
      %dma_start3A_34 = tpu.memref_slice %arg3[%mul3A_15] : memref<32768xf32, #tpu.memory_space<hbm>> -> memref<512xf32, #tpu.memory_space<hbm>>
      %dma_start3A_35 = arith.constant 0 : i32
      %dma_start3A_36 = tpu.memref_slice %arg6[%dma_start3A_35] : memref<520xf32, #tpu.memory_space<vmem>> -> memref<512xf32, #tpu.memory_space<vmem>>
      tpu.enqueue_dma source(%dma_start3A_36 : memref<512xf32, #tpu.memory_space<vmem>>) target(%dma_start3A_34 : memref<512xf32, #tpu.memory_space<hbm>>) target_semaphore(%run_scoped3A : memref<!tpu.dma_semaphore, #tpu.memory_space<semaphore_mem>>)
      %dma_wait3A = arith.constant 0 : i32
      %dma_wait3A_37 = tpu.memref_slice %arg6[%dma_wait3A] : memref<520xf32, #tpu.memory_space<vmem>> -> memref<512xf32, #tpu.memory_space<vmem>>
      %dma_wait3A_38 = tpu.memref_slice %arg3[%mul3A_15] : memref<32768xf32, #tpu.memory_space<hbm>> -> memref<512xf32, #tpu.memory_space<hbm>>
      %dma_wait3A_39 = tpu.memref_slice %arg3[%mul3A_15] : memref<32768xf32, #tpu.memory_space<hbm>> -> memref<512xf32, #tpu.memory_space<hbm>>
      %dma_wait3A_40 = arith.constant 0 : i32
      %dma_wait3A_41 = tpu.memref_slice %arg6[%dma_wait3A_40] : memref<520xf32, #tpu.memory_space<vmem>> -> memref<512xf32, #tpu.memory_space<vmem>>
      tpu.wait_dma2 semaphore(%run_scoped3A : memref<!tpu.dma_semaphore, #tpu.memory_space<semaphore_mem>>) src(%dma_wait3A_41 : memref<512xf32, #tpu.memory_space<vmem>>) dst(%dma_wait3A_39 : memref<512xf32, #tpu.memory_space<hbm>>)
      tpu.yield
    }) : () -> ()
    %mul3A_16 = arith.constant 8 : i32
    %mul3A_17 = arith.muli %add3A_6, %mul3A_16 : i32
    "tpu.region"() ({
      %run_scoped3A = tpu.sem_alloc : memref<!tpu.dma_semaphore, #tpu.memory_space<semaphore_mem>>
      %dma_start3A = arith.constant 0 : i32
      %dma_start3A_32 = tpu.memref_slice %arg7[%dma_start3A] : memref<520xi32, #tpu.memory_space<vmem>> -> memref<512xi32, #tpu.memory_space<vmem>>
      %dma_start3A_33 = tpu.memref_slice %arg4[%mul3A_17] : memref<32768xi32, #tpu.memory_space<hbm>> -> memref<512xi32, #tpu.memory_space<hbm>>
      %dma_start3A_34 = tpu.memref_slice %arg4[%mul3A_17] : memref<32768xi32, #tpu.memory_space<hbm>> -> memref<512xi32, #tpu.memory_space<hbm>>
      %dma_start3A_35 = arith.constant 0 : i32
      %dma_start3A_36 = tpu.memref_slice %arg7[%dma_start3A_35] : memref<520xi32, #tpu.memory_space<vmem>> -> memref<512xi32, #tpu.memory_space<vmem>>
      tpu.enqueue_dma source(%dma_start3A_36 : memref<512xi32, #tpu.memory_space<vmem>>) target(%dma_start3A_34 : memref<512xi32, #tpu.memory_space<hbm>>) target_semaphore(%run_scoped3A : memref<!tpu.dma_semaphore, #tpu.memory_space<semaphore_mem>>)
      %dma_wait3A = arith.constant 0 : i32
      %dma_wait3A_37 = tpu.memref_slice %arg7[%dma_wait3A] : memref<520xi32, #tpu.memory_space<vmem>> -> memref<512xi32, #tpu.memory_space<vmem>>
      %dma_wait3A_38 = tpu.memref_slice %arg4[%mul3A_17] : memref<32768xi32, #tpu.memory_space<hbm>> -> memref<512xi32, #tpu.memory_space<hbm>>
      %dma_wait3A_39 = tpu.memref_slice %arg4[%mul3A_17] : memref<32768xi32, #tpu.memory_space<hbm>> -> memref<512xi32, #tpu.memory_space<hbm>>
      %dma_wait3A_40 = arith.constant 0 : i32
      %dma_wait3A_41 = tpu.memref_slice %arg7[%dma_wait3A_40] : memref<520xi32, #tpu.memory_space<vmem>> -> memref<512xi32, #tpu.memory_space<vmem>>
      tpu.wait_dma2 semaphore(%run_scoped3A : memref<!tpu.dma_semaphore, #tpu.memory_space<semaphore_mem>>) src(%dma_wait3A_41 : memref<512xi32, #tpu.memory_space<vmem>>) dst(%dma_wait3A_39 : memref<512xi32, #tpu.memory_space<hbm>>)
      tpu.yield
    }) : () -> ()
    %add3A_18 = arith.constant 64 : i32
    %add3A_19 = arith.addi %mul3A_2, %add3A_18 : i32
    %mul3A_20 = arith.constant 64 : i32
    %mul3A_21 = arith.muli %add3A_19, %mul3A_20 : i32
    "tpu.region"() ({
      %run_scoped3A = tpu.sem_alloc : memref<!tpu.dma_semaphore, #tpu.memory_space<semaphore_mem>>
      %dma_start3A = tpu.memref_slice %arg2[%mul3A_21] : memref<262144xf32, #tpu.memory_space<hbm>> -> memref<4096xf32, #tpu.memory_space<hbm>>
      %dma_start3A_32 = tpu.memref_slice %arg2[%mul3A_21] : memref<262144xf32, #tpu.memory_space<hbm>> -> memref<4096xf32, #tpu.memory_space<hbm>>
      tpu.enqueue_dma source(%dma_start3A_32 : memref<4096xf32, #tpu.memory_space<hbm>>) target(%arg5 : memref<4096xf32, #tpu.memory_space<vmem>>) target_semaphore(%run_scoped3A : memref<!tpu.dma_semaphore, #tpu.memory_space<semaphore_mem>>)
      %dma_wait3A = tpu.memref_slice %arg2[%mul3A_21] : memref<262144xf32, #tpu.memory_space<hbm>> -> memref<4096xf32, #tpu.memory_space<hbm>>
      %dma_wait3A_33 = tpu.memref_slice %arg2[%mul3A_21] : memref<262144xf32, #tpu.memory_space<hbm>> -> memref<4096xf32, #tpu.memory_space<hbm>>
      tpu.wait_dma2 semaphore(%run_scoped3A : memref<!tpu.dma_semaphore, #tpu.memory_space<semaphore_mem>>) src(%dma_wait3A_33 : memref<4096xf32, #tpu.memory_space<hbm>>) dst(%arg5 : memref<4096xf32, #tpu.memory_space<vmem>>)
      tpu.yield
    }) : () -> ()
    %scan3A_22 = arith.constant 0 : i32
    %scan3A_23 = arith.constant 0 : i32
    %scan3A_24 = arith.constant 64 : i32
    %scan3A_25 = arith.addi %scan3A_23, %scan3A_24 : i32
    %scan3A_26 = arith.constant 1 : i32
    scf.for %scan3A_32 = %scan3A_23 to %scan3A_25 step %scan3A_26  : i32 {
      %mul3A_33 = arith.constant 64 : i32
      %mul3A_34 = arith.muli %scan3A_32, %mul3A_33 : i32
      %add3A_35 = arith.constant 0 : i32
      %add3A_36 = arith.addi %mul3A_34, %add3A_35 : i32
      %get3A = arith.index_cast %add3A_36 : i32 to index
      %get3A_37 = tpu.vector_load %arg5[%get3A] {strides = array<i32>} : memref<4096xf32, #tpu.memory_space<vmem>>, vector<16xf32>,
      %add3A_38 = arith.constant 0 : i32
      %add3A_39 = vector.broadcast %add3A_38 : i32 to vector<16xi32>
      %add3A_40 = arith.addi %iota3A, %add3A_39 : vector<16xi32>
      %masked_sort3A = arith.constant dense<true> : vector<16xi1>
      %masked_sort3A_41, %masked_sort3A_42, %masked_sort3A_43 = tpu.sort %get3A_37, %add3A_40 masked %masked_sort3A {descending = true} : (vector<16xf32>, vector<16xi32>, vector<16xi1>) -> (vector<16xi1>, vector<16xf32>, vector<16xi32>)
      %add3A_44 = arith.constant 16 : i32
      %add3A_45 = arith.addi %mul3A_34, %add3A_44 : i32
      %get3A_46 = arith.index_cast %add3A_45 : i32 to index
      %get3A_47 = tpu.vector_load %arg5[%get3A_46] {strides = array<i32>} : memref<4096xf32, #tpu.memory_space<vmem>>, vector<16xf32>,
      %add3A_48 = arith.constant 16 : i32
      %add3A_49 = vector.broadcast %add3A_48 : i32 to vector<16xi32>
      %add3A_50 = arith.addi %iota3A, %add3A_49 : vector<16xi32>
      %masked_sort3A_51 = arith.constant dense<true> : vector<16xi1>
      %masked_sort3A_52, %masked_sort3A_53, %masked_sort3A_54 = tpu.sort %get3A_47, %add3A_50 masked %masked_sort3A_51 {descending = true} : (vector<16xf32>, vector<16xi32>, vector<16xi1>) -> (vector<16xi1>, vector<16xf32>, vector<16xi32>)
      %add3A_55 = arith.constant 32 : i32
      %add3A_56 = arith.addi %mul3A_34, %add3A_55 : i32
      %get3A_57 = arith.index_cast %add3A_56 : i32 to index
      %get3A_58 = tpu.vector_load %arg5[%get3A_57] {strides = array<i32>} : memref<4096xf32, #tpu.memory_space<vmem>>, vector<16xf32>,
      %add3A_59 = arith.constant 32 : i32
      %add3A_60 = vector.broadcast %add3A_59 : i32 to vector<16xi32>
      %add3A_61 = arith.addi %iota3A, %add3A_60 : vector<16xi32>
      %masked_sort3A_62 = arith.constant dense<true> : vector<16xi1>
      %masked_sort3A_63, %masked_sort3A_64, %masked_sort3A_65 = tpu.sort %get3A_58, %add3A_61 masked %masked_sort3A_62 {descending = true} : (vector<16xf32>, vector<16xi32>, vector<16xi1>) -> (vector<16xi1>, vector<16xf32>, vector<16xi32>)
      %add3A_66 = arith.constant 48 : i32
      %add3A_67 = arith.addi %mul3A_34, %add3A_66 : i32
      %get3A_68 = arith.index_cast %add3A_67 : i32 to index
      %get3A_69 = tpu.vector_load %arg5[%get3A_68] {strides = array<i32>} : memref<4096xf32, #tpu.memory_space<vmem>>, vector<16xf32>,
      %add3A_70 = arith.constant 48 : i32
      %add3A_71 = vector.broadcast %add3A_70 : i32 to vector<16xi32>
      %add3A_72 = arith.addi %iota3A, %add3A_71 : vector<16xi32>
      %masked_sort3A_73 = arith.constant dense<true> : vector<16xi1>
      %masked_sort3A_74, %masked_sort3A_75, %masked_sort3A_76 = tpu.sort %get3A_69, %add3A_72 masked %masked_sort3A_73 {descending = true} : (vector<16xf32>, vector<16xi32>, vector<16xi1>) -> (vector<16xi1>, vector<16xf32>, vector<16xi32>)
      %rev3A = arith.constant 15 : i32
      %rev3A_77 = vector.broadcast %rev3A : i32 to vector<16xi32>
      %rev3A_78 = tpu.iota {dimensions = array<i32: 0>} : vector<16xi32>
      %rev3A_79 = arith.subi %rev3A_77, %rev3A_78 : vector<16xi32>
      %rev3A_80 = tpu.dynamic_gather %masked_sort3A_53[%rev3A_79] in [0] : vector<16xf32>, vector<16xi32> -> vector<16xf32>
      %rev3A_81 = arith.constant 15 : i32
      %rev3A_82 = vector.broadcast %rev3A_81 : i32 to vector<16xi32>
      %rev3A_83 = tpu.iota {dimensions = array<i32: 0>} : vector<16xi32>
      %rev3A_84 = arith.subi %rev3A_82, %rev3A_83 : vector<16xi32>
      %rev3A_85 = tpu.dynamic_gather %masked_sort3A_54[%rev3A_84] in [0] : vector<16xi32>, vector<16xi32> -> vector<16xi32>
      %ge3A = arith.cmpf oge, %masked_sort3A_42, %rev3A_80 : vector<16xf32>
      %select_n3A = arith.select %ge3A, %masked_sort3A_42, %rev3A_80 : vector<16xi1>, vector<16xf32>
      %select_n3A_86 = arith.select %ge3A, %masked_sort3A_43, %rev3A_85 : vector<16xi1>, vector<16xi32>
      %masked_sort3A_87 = arith.constant dense<true> : vector<16xi1>
      %masked_sort3A_88, %masked_sort3A_89, %masked_sort3A_90 = tpu.sort %select_n3A, %select_n3A_86 masked %masked_sort3A_87 {descending = true} : (vector<16xf32>, vector<16xi32>, vector<16xi1>) -> (vector<16xi1>, vector<16xf32>, vector<16xi32>)
      %rev3A_91 = arith.constant 15 : i32
      %rev3A_92 = vector.broadcast %rev3A_91 : i32 to vector<16xi32>
      %rev3A_93 = tpu.iota {dimensions = array<i32: 0>} : vector<16xi32>
      %rev3A_94 = arith.subi %rev3A_92, %rev3A_93 : vector<16xi32>
      %rev3A_95 = tpu.dynamic_gather %masked_sort3A_75[%rev3A_94] in [0] : vector<16xf32>, vector<16xi32> -> vector<16xf32>
      %rev3A_96 = arith.constant 15 : i32
      %rev3A_97 = vector.broadcast %rev3A_96 : i32 to vector<16xi32>
      %rev3A_98 = tpu.iota {dimensions = array<i32: 0>} : vector<16xi32>
      %rev3A_99 = arith.subi %rev3A_97, %rev3A_98 : vector<16xi32>
      %rev3A_100 = tpu.dynamic_gather %masked_sort3A_76[%rev3A_99] in [0] : vector<16xi32>, vector<16xi32> -> vector<16xi32>
      %ge3A_101 = arith.cmpf oge, %masked_sort3A_64, %rev3A_95 : vector<16xf32>
      %select_n3A_102 = arith.select %ge3A_101, %masked_sort3A_64, %rev3A_95 : vector<16xi1>, vector<16xf32>
      %select_n3A_103 = arith.select %ge3A_101, %masked_sort3A_65, %rev3A_100 : vector<16xi1>, vector<16xi32>
      %masked_sort3A_104 = arith.constant dense<true> : vector<16xi1>
      %masked_sort3A_105, %masked_sort3A_106, %masked_sort3A_107 = tpu.sort %select_n3A_102, %select_n3A_103 masked %masked_sort3A_104 {descending = true} : (vector<16xf32>, vector<16xi32>, vector<16xi1>) -> (vector<16xi1>, vector<16xf32>, vector<16xi32>)
      %rev3A_108 = arith.constant 15 : i32
      %rev3A_109 = vector.broadcast %rev3A_108 : i32 to vector<16xi32>
      %rev3A_110 = tpu.iota {dimensions = array<i32: 0>} : vector<16xi32>
      %rev3A_111 = arith.subi %rev3A_109, %rev3A_110 : vector<16xi32>
      %rev3A_112 = tpu.dynamic_gather %masked_sort3A_106[%rev3A_111] in [0] : vector<16xf32>, vector<16xi32> -> vector<16xf32>
      %rev3A_113 = arith.constant 15 : i32
      %rev3A_114 = vector.broadcast %rev3A_113 : i32 to vector<16xi32>
      %rev3A_115 = tpu.iota {dimensions = array<i32: 0>} : vector<16xi32>
      %rev3A_116 = arith.subi %rev3A_114, %rev3A_115 : vector<16xi32>
      %rev3A_117 = tpu.dynamic_gather %masked_sort3A_107[%rev3A_116] in [0] : vector<16xi32>, vector<16xi32> -> vector<16xi32>
      %ge3A_118 = arith.cmpf oge, %masked_sort3A_89, %rev3A_112 : vector<16xf32>
      %select_n3A_119 = arith.select %ge3A_118, %masked_sort3A_89, %rev3A_112 : vector<16xi1>, vector<16xf32>
      %select_n3A_120 = arith.select %ge3A_118, %masked_sort3A_90, %rev3A_117 : vector<16xi1>, vector<16xi32>
      %masked_sort3A_121 = arith.constant dense<true> : vector<16xi1>
      %masked_sort3A_122, %masked_sort3A_123, %masked_sort3A_124 = tpu.sort %select_n3A_119, %select_n3A_120 masked %masked_sort3A_121 {descending = true} : (vector<16xf32>, vector<16xi32>, vector<16xi1>) -> (vector<16xi1>, vector<16xf32>, vector<16xi32>)
      %reduce_max3A = arith.constant true
      %reduce_max3A_125 = vector.broadcast %reduce_max3A : i1 to vector<16xi1>
      %reduce_max3A_126 = tpu.scan <max>, %masked_sort3A_123 masked %reduce_max3A_125 : vector<16xf32>, vector<16xi1> -> vector<16xf32>
      %reduce_max3A_127 = vector.extract %reduce_max3A_126[15] : f32 from vector<16xf32>
      %sub3A = vector.broadcast %reduce_max3A_127 : f32 to vector<16xf32>
      %sub3A_128 = arith.subf %masked_sort3A_123, %sub3A : vector<16xf32>
      %exp3A = math.exp %sub3A_128 : vector<16xf32>
      %jit3A = arith.constant 0.000000e+00 : f32
      %broadcast_in_dim3A = vector.broadcast %jit3A : f32 to vector<16xf32>
      %select_n3A_129 = arith.select %lt3A_4, %exp3A, %broadcast_in_dim3A : vector<16xi1>, vector<16xf32>
      %reduce_sum3A = arith.constant true
      %reduce_sum3A_130 = vector.broadcast %reduce_sum3A : i1 to vector<16xi1>
      %reduce_sum3A_131 = tpu.scan <sum>, %select_n3A_129 masked %reduce_sum3A_130 : vector<16xf32>, vector<16xi1> -> vector<16xf32>
      %reduce_sum3A_132 = vector.extract %reduce_sum3A_131[15] : f32 from vector<16xf32>
      %div3A = vector.broadcast %reduce_sum3A_132 : f32 to vector<16xf32>
      %div3A_133 = arith.divf %select_n3A_129, %div3A : vector<16xf32>
      %mul3A_134 = arith.constant 8 : i32
      %mul3A_135 = arith.muli %scan3A_32, %mul3A_134 : i32
      %swap3A = arith.index_cast %mul3A_135 : i32 to index
      %swap3A_136 = tpu.vector_load %arg6[%swap3A] masked %lt3A_4 {strides = array<i32>} : memref<520xf32, #tpu.memory_space<vmem>>, vector<16xf32>, vector<16xi1>
      tpu.vector_store %arg6[%swap3A], %div3A_133 masked %lt3A_4 {strides = array<i32>} : memref<520xf32, #tpu.memory_space<vmem>>, vector<16xf32>, vector<16xi1>
      %mul3A_137 = arith.constant 8 : i32
      %mul3A_138 = arith.muli %scan3A_32, %mul3A_137 : i32
      %swap3A_139 = arith.index_cast %mul3A_138 : i32 to index
      %swap3A_140 = tpu.vector_load %arg7[%swap3A_139] masked %lt3A_4 {strides = array<i32>} : memref<520xi32, #tpu.memory_space<vmem>>, vector<16xi32>, vector<16xi1>
      tpu.vector_store %arg7[%swap3A_139], %masked_sort3A_124 masked %lt3A_4 {strides = array<i32>} : memref<520xi32, #tpu.memory_space<vmem>>, vector<16xi32>, vector<16xi1>
    }
    %scan3A_27 = arith.constant 64 : i32
    %mul3A_28 = arith.constant 8 : i32
    %mul3A_29 = arith.muli %add3A_19, %mul3A_28 : i32
    "tpu.region"() ({
      %run_scoped3A = tpu.sem_alloc : memref<!tpu.dma_semaphore, #tpu.memory_space<semaphore_mem>>
      %dma_start3A = arith.constant 0 : i32
      %dma_start3A_32 = tpu.memref_slice %arg6[%dma_start3A] : memref<520xf32, #tpu.memory_space<vmem>> -> memref<512xf32, #tpu.memory_space<vmem>>
      %dma_start3A_33 = tpu.memref_slice %arg3[%mul3A_29] : memref<32768xf32, #tpu.memory_space<hbm>> -> memref<512xf32, #tpu.memory_space<hbm>>
      %dma_start3A_34 = tpu.memref_slice %arg3[%mul3A_29] : memref<32768xf32, #tpu.memory_space<hbm>> -> memref<512xf32, #tpu.memory_space<hbm>>
      %dma_start3A_35 = arith.constant 0 : i32
      %dma_start3A_36 = tpu.memref_slice %arg6[%dma_start3A_35] : memref<520xf32, #tpu.memory_space<vmem>> -> memref<512xf32, #tpu.memory_space<vmem>>
      tpu.enqueue_dma source(%dma_start3A_36 : memref<512xf32, #tpu.memory_space<vmem>>) target(%dma_start3A_34 : memref<512xf32, #tpu.memory_space<hbm>>) target_semaphore(%run_scoped3A : memref<!tpu.dma_semaphore, #tpu.memory_space<semaphore_mem>>)
      %dma_wait3A = arith.constant 0 : i32
      %dma_wait3A_37 = tpu.memref_slice %arg6[%dma_wait3A] : memref<520xf32, #tpu.memory_space<vmem>> -> memref<512xf32, #tpu.memory_space<vmem>>
      %dma_wait3A_38 = tpu.memref_slice %arg3[%mul3A_29] : memref<32768xf32, #tpu.memory_space<hbm>> -> memref<512xf32, #tpu.memory_space<hbm>>
      %dma_wait3A_39 = tpu.memref_slice %arg3[%mul3A_29] : memref<32768xf32, #tpu.memory_space<hbm>> -> memref<512xf32, #tpu.memory_space<hbm>>
      %dma_wait3A_40 = arith.constant 0 : i32
      %dma_wait3A_41 = tpu.memref_slice %arg6[%dma_wait3A_40] : memref<520xf32, #tpu.memory_space<vmem>> -> memref<512xf32, #tpu.memory_space<vmem>>
      tpu.wait_dma2 semaphore(%run_scoped3A : memref<!tpu.dma_semaphore, #tpu.memory_space<semaphore_mem>>) src(%dma_wait3A_41 : memref<512xf32, #tpu.memory_space<vmem>>) dst(%dma_wait3A_39 : memref<512xf32, #tpu.memory_space<hbm>>)
      tpu.yield
    }) : () -> ()
    %mul3A_30 = arith.constant 8 : i32
    %mul3A_31 = arith.muli %add3A_19, %mul3A_30 : i32
    "tpu.region"() ({
      %run_scoped3A = tpu.sem_alloc : memref<!tpu.dma_semaphore, #tpu.memory_space<semaphore_mem>>
      %dma_start3A = arith.constant 0 : i32
      %dma_start3A_32 = tpu.memref_slice %arg7[%dma_start3A] : memref<520xi32, #tpu.memory_space<vmem>> -> memref<512xi32, #tpu.memory_space<vmem>>
      %dma_start3A_33 = tpu.memref_slice %arg4[%mul3A_31] : memref<32768xi32, #tpu.memory_space<hbm>> -> memref<512xi32, #tpu.memory_space<hbm>>
      %dma_start3A_34 = tpu.memref_slice %arg4[%mul3A_31] : memref<32768xi32, #tpu.memory_space<hbm>> -> memref<512xi32, #tpu.memory_space<hbm>>
      %dma_start3A_35 = arith.constant 0 : i32
      %dma_start3A_36 = tpu.memref_slice %arg7[%dma_start3A_35] : memref<520xi32, #tpu.memory_space<vmem>> -> memref<512xi32, #tpu.memory_space<vmem>>
      tpu.enqueue_dma source(%dma_start3A_36 : memref<512xi32, #tpu.memory_space<vmem>>) target(%dma_start3A_34 : memref<512xi32, #tpu.memory_space<hbm>>) target_semaphore(%run_scoped3A : memref<!tpu.dma_semaphore, #tpu.memory_space<semaphore_mem>>)
      %dma_wait3A = arith.constant 0 : i32
      %dma_wait3A_37 = tpu.memref_slice %arg7[%dma_wait3A] : memref<520xi32, #tpu.memory_space<vmem>> -> memref<512xi32, #tpu.memory_space<vmem>>
      %dma_wait3A_38 = tpu.memref_slice %arg4[%mul3A_31] : memref<32768xi32, #tpu.memory_space<hbm>> -> memref<512xi32, #tpu.memory_space<hbm>>
      %dma_wait3A_39 = tpu.memref_slice %arg4[%mul3A_31] : memref<32768xi32, #tpu.memory_space<hbm>> -> memref<512xi32, #tpu.memory_space<hbm>>
      %dma_wait3A_40 = arith.constant 0 : i32
      %dma_wait3A_41 = tpu.memref_slice %arg7[%dma_wait3A_40] : memref<520xi32, #tpu.memory_space<vmem>> -> memref<512xi32, #tpu.memory_space<vmem>>
      tpu.wait_dma2 semaphore(%run_scoped3A : memref<!tpu.dma_semaphore, #tpu.memory_space<semaphore_mem>>) src(%dma_wait3A_41 : memref<512xi32, #tpu.memory_space<vmem>>) dst(%dma_wait3A_39 : memref<512xi32, #tpu.memory_space<hbm>>)
      tpu.yield
    }) : () -> ()
    return
  }
}

#map = affine_map<(d0, d1) -> (0)>
module attributes {stable_mosaic.version = 14 : i64} {
  func.func @_sc_body(%arg0: i32, %arg1: i32, %arg2: memref<262144xf32, #tpu.memory_space<hbm>>, %arg3: memref<32768xf32, #tpu.memory_space<hbm>>, %arg4: memref<32768xi32, #tpu.memory_space<hbm>>, %arg5: memref<4096xf32, #tpu.memory_space<vmem>>, %arg6: memref<520xf32, #tpu.memory_space<vmem>>, %arg7: memref<520xi32, #tpu.memory_space<vmem>>) attributes {dimension_semantics = [#tpu.dimension_semantics<core_parallel>, #tpu.dimension_semantics<subcore_parallel>], iteration_bounds = array<i64: 2, 16>, scalar_prefetch = 0 : i64, scratch_operands = 3 : i64, tpu.core_type = #tpu.core_type<sc_vector_subcore>, window_params = [{transform_indices = #map}, {transform_indices = #map}, {transform_indices = #map}]} {
    %mul3A = arith.constant 2 : i32
    %mul3A_0 = arith.muli %arg1, %mul3A : i32
    %add3A = arith.addi %mul3A_0, %arg0 : i32
    %mul3A_1 = arith.constant 128 : i32
    %mul3A_2 = arith.muli %add3A, %mul3A_1 : i32
    %iota3A = tpu.iota {dimensions = array<i32: 0>} : vector<16xi32>
    %lt3A = arith.constant 8 : i32
    %lt3A_3 = vector.broadcast %lt3A : i32 to vector<16xi32>
    %lt3A_4 = arith.cmpi slt, %iota3A, %lt3A_3 : vector<16xi32>
    %add3A_5 = arith.constant 0 : i32
    %add3A_6 = arith.addi %mul3A_2, %add3A_5 : i32
    %mul3A_7 = arith.constant 64 : i32
    %mul3A_8 = arith.muli %add3A_6, %mul3A_7 : i32
    "tpu.region"() ({
      %run_scoped3A = tpu.sem_alloc : memref<!tpu.dma_semaphore, #tpu.memory_space<semaphore_mem>>
      %dma_start3A = tpu.memref_slice %arg2[%mul3A_8] : memref<262144xf32, #tpu.memory_space<hbm>> -> memref<4096xf32, #tpu.memory_space<hbm>>
      %dma_start3A_32 = tpu.memref_slice %arg2[%mul3A_8] : memref<262144xf32, #tpu.memory_space<hbm>> -> memref<4096xf32, #tpu.memory_space<hbm>>
      tpu.enqueue_dma source(%dma_start3A_32 : memref<4096xf32, #tpu.memory_space<hbm>>) target(%arg5 : memref<4096xf32, #tpu.memory_space<vmem>>) target_semaphore(%run_scoped3A : memref<!tpu.dma_semaphore, #tpu.memory_space<semaphore_mem>>)
      %dma_wait3A = tpu.memref_slice %arg2[%mul3A_8] : memref<262144xf32, #tpu.memory_space<hbm>> -> memref<4096xf32, #tpu.memory_space<hbm>>
      %dma_wait3A_33 = tpu.memref_slice %arg2[%mul3A_8] : memref<262144xf32, #tpu.memory_space<hbm>> -> memref<4096xf32, #tpu.memory_space<hbm>>
      tpu.wait_dma2 semaphore(%run_scoped3A : memref<!tpu.dma_semaphore, #tpu.memory_space<semaphore_mem>>) src(%dma_wait3A_33 : memref<4096xf32, #tpu.memory_space<hbm>>) dst(%arg5 : memref<4096xf32, #tpu.memory_space<vmem>>)
      tpu.yield
    }) : () -> ()
    %scan3A = arith.constant 0 : i32
    %scan3A_9 = arith.constant 0 : i32
    %scan3A_10 = arith.constant 64 : i32
    %scan3A_11 = arith.addi %scan3A_9, %scan3A_10 : i32
    %scan3A_12 = arith.constant 1 : i32
    scf.for %scan3A_32 = %scan3A_9 to %scan3A_11 step %scan3A_12  : i32 {
      %mul3A_33 = arith.constant 64 : i32
      %mul3A_34 = arith.muli %scan3A_32, %mul3A_33 : i32
      %add3A_35 = arith.constant 0 : i32
      %add3A_36 = arith.addi %mul3A_34, %add3A_35 : i32
      %get3A = arith.index_cast %add3A_36 : i32 to index
      %get3A_37 = tpu.vector_load %arg5[%get3A] {strides = array<i32>} : memref<4096xf32, #tpu.memory_space<vmem>>, vector<16xf32>,
      %add3A_38 = arith.constant 0 : i32
      %add3A_39 = vector.broadcast %add3A_38 : i32 to vector<16xi32>
      %add3A_40 = arith.addi %iota3A, %add3A_39 : vector<16xi32>
      %masked_sort3A = arith.constant dense<true> : vector<16xi1>
      %masked_sort3A_41, %masked_sort3A_42, %masked_sort3A_43 = tpu.sort %get3A_37, %add3A_40 masked %masked_sort3A {descending = true} : (vector<16xf32>, vector<16xi32>, vector<16xi1>) -> (vector<16xi1>, vector<16xf32>, vector<16xi32>)
      %add3A_44 = arith.constant 16 : i32
      %add3A_45 = arith.addi %mul3A_34, %add3A_44 : i32
      %get3A_46 = arith.index_cast %add3A_45 : i32 to index
      %get3A_47 = tpu.vector_load %arg5[%get3A_46] {strides = array<i32>} : memref<4096xf32, #tpu.memory_space<vmem>>, vector<16xf32>,
      %add3A_48 = arith.constant 16 : i32
      %add3A_49 = vector.broadcast %add3A_48 : i32 to vector<16xi32>
      %add3A_50 = arith.addi %iota3A, %add3A_49 : vector<16xi32>
      %masked_sort3A_51 = arith.constant dense<true> : vector<16xi1>
      %masked_sort3A_52, %masked_sort3A_53, %masked_sort3A_54 = tpu.sort %get3A_47, %add3A_50 masked %masked_sort3A_51 {descending = true} : (vector<16xf32>, vector<16xi32>, vector<16xi1>) -> (vector<16xi1>, vector<16xf32>, vector<16xi32>)
      %add3A_55 = arith.constant 32 : i32
      %add3A_56 = arith.addi %mul3A_34, %add3A_55 : i32
      %get3A_57 = arith.index_cast %add3A_56 : i32 to index
      %get3A_58 = tpu.vector_load %arg5[%get3A_57] {strides = array<i32>} : memref<4096xf32, #tpu.memory_space<vmem>>, vector<16xf32>,
      %add3A_59 = arith.constant 32 : i32
      %add3A_60 = vector.broadcast %add3A_59 : i32 to vector<16xi32>
      %add3A_61 = arith.addi %iota3A, %add3A_60 : vector<16xi32>
      %masked_sort3A_62 = arith.constant dense<true> : vector<16xi1>
      %masked_sort3A_63, %masked_sort3A_64, %masked_sort3A_65 = tpu.sort %get3A_58, %add3A_61 masked %masked_sort3A_62 {descending = true} : (vector<16xf32>, vector<16xi32>, vector<16xi1>) -> (vector<16xi1>, vector<16xf32>, vector<16xi32>)
      %add3A_66 = arith.constant 48 : i32
      %add3A_67 = arith.addi %mul3A_34, %add3A_66 : i32
      %get3A_68 = arith.index_cast %add3A_67 : i32 to index
      %get3A_69 = tpu.vector_load %arg5[%get3A_68] {strides = array<i32>} : memref<4096xf32, #tpu.memory_space<vmem>>, vector<16xf32>,
      %add3A_70 = arith.constant 48 : i32
      %add3A_71 = vector.broadcast %add3A_70 : i32 to vector<16xi32>
      %add3A_72 = arith.addi %iota3A, %add3A_71 : vector<16xi32>
      %masked_sort3A_73 = arith.constant dense<true> : vector<16xi1>
      %masked_sort3A_74, %masked_sort3A_75, %masked_sort3A_76 = tpu.sort %get3A_69, %add3A_72 masked %masked_sort3A_73 {descending = true} : (vector<16xf32>, vector<16xi32>, vector<16xi1>) -> (vector<16xi1>, vector<16xf32>, vector<16xi32>)
      %rev3A = arith.constant 15 : i32
      %rev3A_77 = vector.broadcast %rev3A : i32 to vector<16xi32>
      %rev3A_78 = tpu.iota {dimensions = array<i32: 0>} : vector<16xi32>
      %rev3A_79 = arith.subi %rev3A_77, %rev3A_78 : vector<16xi32>
      %rev3A_80 = tpu.dynamic_gather %masked_sort3A_53[%rev3A_79] in [0] : vector<16xf32>, vector<16xi32> -> vector<16xf32>
      %rev3A_81 = arith.constant 15 : i32
      %rev3A_82 = vector.broadcast %rev3A_81 : i32 to vector<16xi32>
      %rev3A_83 = tpu.iota {dimensions = array<i32: 0>} : vector<16xi32>
      %rev3A_84 = arith.subi %rev3A_82, %rev3A_83 : vector<16xi32>
      %rev3A_85 = tpu.dynamic_gather %masked_sort3A_54[%rev3A_84] in [0] : vector<16xi32>, vector<16xi32> -> vector<16xi32>
      %ge3A = arith.cmpf oge, %masked_sort3A_42, %rev3A_80 : vector<16xf32>
      %select_n3A = arith.select %ge3A, %masked_sort3A_42, %rev3A_80 : vector<16xi1>, vector<16xf32>
      %select_n3A_86 = arith.select %ge3A, %masked_sort3A_43, %rev3A_85 : vector<16xi1>, vector<16xi32>
      %masked_sort3A_87 = arith.constant dense<true> : vector<16xi1>
      %masked_sort3A_88, %masked_sort3A_89, %masked_sort3A_90 = tpu.sort %select_n3A, %select_n3A_86 masked %masked_sort3A_87 {descending = true} : (vector<16xf32>, vector<16xi32>, vector<16xi1>) -> (vector<16xi1>, vector<16xf32>, vector<16xi32>)
      %rev3A_91 = arith.constant 15 : i32
      %rev3A_92 = vector.broadcast %rev3A_91 : i32 to vector<16xi32>
      %rev3A_93 = tpu.iota {dimensions = array<i32: 0>} : vector<16xi32>
      %rev3A_94 = arith.subi %rev3A_92, %rev3A_93 : vector<16xi32>
      %rev3A_95 = tpu.dynamic_gather %masked_sort3A_75[%rev3A_94] in [0] : vector<16xf32>, vector<16xi32> -> vector<16xf32>
      %rev3A_96 = arith.constant 15 : i32
      %rev3A_97 = vector.broadcast %rev3A_96 : i32 to vector<16xi32>
      %rev3A_98 = tpu.iota {dimensions = array<i32: 0>} : vector<16xi32>
      %rev3A_99 = arith.subi %rev3A_97, %rev3A_98 : vector<16xi32>
      %rev3A_100 = tpu.dynamic_gather %masked_sort3A_76[%rev3A_99] in [0] : vector<16xi32>, vector<16xi32> -> vector<16xi32>
      %ge3A_101 = arith.cmpf oge, %masked_sort3A_64, %rev3A_95 : vector<16xf32>
      %select_n3A_102 = arith.select %ge3A_101, %masked_sort3A_64, %rev3A_95 : vector<16xi1>, vector<16xf32>
      %select_n3A_103 = arith.select %ge3A_101, %masked_sort3A_65, %rev3A_100 : vector<16xi1>, vector<16xi32>
      %masked_sort3A_104 = arith.constant dense<true> : vector<16xi1>
      %masked_sort3A_105, %masked_sort3A_106, %masked_sort3A_107 = tpu.sort %select_n3A_102, %select_n3A_103 masked %masked_sort3A_104 {descending = true} : (vector<16xf32>, vector<16xi32>, vector<16xi1>) -> (vector<16xi1>, vector<16xf32>, vector<16xi32>)
      %rev3A_108 = arith.constant 15 : i32
      %rev3A_109 = vector.broadcast %rev3A_108 : i32 to vector<16xi32>
      %rev3A_110 = tpu.iota {dimensions = array<i32: 0>} : vector<16xi32>
      %rev3A_111 = arith.subi %rev3A_109, %rev3A_110 : vector<16xi32>
      %rev3A_112 = tpu.dynamic_gather %masked_sort3A_106[%rev3A_111] in [0] : vector<16xf32>, vector<16xi32> -> vector<16xf32>
      %rev3A_113 = arith.constant 15 : i32
      %rev3A_114 = vector.broadcast %rev3A_113 : i32 to vector<16xi32>
      %rev3A_115 = tpu.iota {dimensions = array<i32: 0>} : vector<16xi32>
      %rev3A_116 = arith.subi %rev3A_114, %rev3A_115 : vector<16xi32>
      %rev3A_117 = tpu.dynamic_gather %masked_sort3A_107[%rev3A_116] in [0] : vector<16xi32>, vector<16xi32> -> vector<16xi32>
      %ge3A_118 = arith.cmpf oge, %masked_sort3A_89, %rev3A_112 : vector<16xf32>
      %select_n3A_119 = arith.select %ge3A_118, %masked_sort3A_89, %rev3A_112 : vector<16xi1>, vector<16xf32>
      %select_n3A_120 = arith.select %ge3A_118, %masked_sort3A_90, %rev3A_117 : vector<16xi1>, vector<16xi32>
      %masked_sort3A_121 = arith.constant dense<true> : vector<16xi1>
      %masked_sort3A_122, %masked_sort3A_123, %masked_sort3A_124 = tpu.sort %select_n3A_119, %select_n3A_120 masked %masked_sort3A_121 {descending = true} : (vector<16xf32>, vector<16xi32>, vector<16xi1>) -> (vector<16xi1>, vector<16xf32>, vector<16xi32>)
      %reduce_max3A = arith.constant true
      %reduce_max3A_125 = vector.broadcast %reduce_max3A : i1 to vector<16xi1>
      %reduce_max3A_126 = tpu.scan <max>, %masked_sort3A_123 masked %reduce_max3A_125 : vector<16xf32>, vector<16xi1> -> vector<16xf32>
      %reduce_max3A_127 = vector.extract %reduce_max3A_126[15] : f32 from vector<16xf32>
      %sub3A = vector.broadcast %reduce_max3A_127 : f32 to vector<16xf32>
      %sub3A_128 = arith.subf %masked_sort3A_123, %sub3A : vector<16xf32>
      %exp3A = math.exp %sub3A_128 : vector<16xf32>
      %jit3A = arith.constant 0.000000e+00 : f32
      %broadcast_in_dim3A = vector.broadcast %jit3A : f32 to vector<16xf32>
      %select_n3A_129 = arith.select %lt3A_4, %exp3A, %broadcast_in_dim3A : vector<16xi1>, vector<16xf32>
      %reduce_sum3A = arith.constant true
      %reduce_sum3A_130 = vector.broadcast %reduce_sum3A : i1 to vector<16xi1>
      %reduce_sum3A_131 = tpu.scan <sum>, %select_n3A_129 masked %reduce_sum3A_130 : vector<16xf32>, vector<16xi1> -> vector<16xf32>
      %reduce_sum3A_132 = vector.extract %reduce_sum3A_131[15] : f32 from vector<16xf32>
      %div3A = vector.broadcast %reduce_sum3A_132 : f32 to vector<16xf32>
      %div3A_133 = arith.divf %select_n3A_129, %div3A : vector<16xf32>
      %mul3A_134 = arith.constant 8 : i32
      %mul3A_135 = arith.muli %scan3A_32, %mul3A_134 : i32
      %swap3A = arith.index_cast %mul3A_135 : i32 to index
      %swap3A_136 = tpu.vector_load %arg6[%swap3A] masked %lt3A_4 {strides = array<i32>} : memref<520xf32, #tpu.memory_space<vmem>>, vector<16xf32>, vector<16xi1>
      tpu.vector_store %arg6[%swap3A], %div3A_133 masked %lt3A_4 {strides = array<i32>} : memref<520xf32, #tpu.memory_space<vmem>>, vector<16xf32>, vector<16xi1>
      %mul3A_137 = arith.constant 8 : i32
      %mul3A_138 = arith.muli %scan3A_32, %mul3A_137 : i32
      %swap3A_139 = arith.index_cast %mul3A_138 : i32 to index
      %swap3A_140 = tpu.vector_load %arg7[%swap3A_139] masked %lt3A_4 {strides = array<i32>} : memref<520xi32, #tpu.memory_space<vmem>>, vector<16xi32>, vector<16xi1>
      tpu.vector_store %arg7[%swap3A_139], %masked_sort3A_124 masked %lt3A_4 {strides = array<i32>} : memref<520xi32, #tpu.memory_space<vmem>>, vector<16xi32>, vector<16xi1>
    }
    %scan3A_13 = arith.constant 64 : i32
    %mul3A_14 = arith.constant 8 : i32
    %mul3A_15 = arith.muli %add3A_6, %mul3A_14 : i32
    "tpu.region"() ({
      %run_scoped3A = tpu.sem_alloc : memref<!tpu.dma_semaphore, #tpu.memory_space<semaphore_mem>>
      %dma_start3A = arith.constant 0 : i32
      %dma_start3A_32 = tpu.memref_slice %arg6[%dma_start3A] : memref<520xf32, #tpu.memory_space<vmem>> -> memref<512xf32, #tpu.memory_space<vmem>>
      %dma_start3A_33 = tpu.memref_slice %arg3[%mul3A_15] : memref<32768xf32, #tpu.memory_space<hbm>> -> memref<512xf32, #tpu.memory_space<hbm>>
      %dma_start3A_34 = tpu.memref_slice %arg3[%mul3A_15] : memref<32768xf32, #tpu.memory_space<hbm>> -> memref<512xf32, #tpu.memory_space<hbm>>
      %dma_start3A_35 = arith.constant 0 : i32
      %dma_start3A_36 = tpu.memref_slice %arg6[%dma_start3A_35] : memref<520xf32, #tpu.memory_space<vmem>> -> memref<512xf32, #tpu.memory_space<vmem>>
      tpu.enqueue_dma source(%dma_start3A_36 : memref<512xf32, #tpu.memory_space<vmem>>) target(%dma_start3A_34 : memref<512xf32, #tpu.memory_space<hbm>>) target_semaphore(%run_scoped3A : memref<!tpu.dma_semaphore, #tpu.memory_space<semaphore_mem>>)
      %dma_wait3A = arith.constant 0 : i32
      %dma_wait3A_37 = tpu.memref_slice %arg6[%dma_wait3A] : memref<520xf32, #tpu.memory_space<vmem>> -> memref<512xf32, #tpu.memory_space<vmem>>
      %dma_wait3A_38 = tpu.memref_slice %arg3[%mul3A_15] : memref<32768xf32, #tpu.memory_space<hbm>> -> memref<512xf32, #tpu.memory_space<hbm>>
      %dma_wait3A_39 = tpu.memref_slice %arg3[%mul3A_15] : memref<32768xf32, #tpu.memory_space<hbm>> -> memref<512xf32, #tpu.memory_space<hbm>>
      %dma_wait3A_40 = arith.constant 0 : i32
      %dma_wait3A_41 = tpu.memref_slice %arg6[%dma_wait3A_40] : memref<520xf32, #tpu.memory_space<vmem>> -> memref<512xf32, #tpu.memory_space<vmem>>
      tpu.wait_dma2 semaphore(%run_scoped3A : memref<!tpu.dma_semaphore, #tpu.memory_space<semaphore_mem>>) src(%dma_wait3A_41 : memref<512xf32, #tpu.memory_space<vmem>>) dst(%dma_wait3A_39 : memref<512xf32, #tpu.memory_space<hbm>>)
      tpu.yield
    }) : () -> ()
    %mul3A_16 = arith.constant 8 : i32
    %mul3A_17 = arith.muli %add3A_6, %mul3A_16 : i32
    "tpu.region"() ({
      %run_scoped3A = tpu.sem_alloc : memref<!tpu.dma_semaphore, #tpu.memory_space<semaphore_mem>>
      %dma_start3A = arith.constant 0 : i32
      %dma_start3A_32 = tpu.memref_slice %arg7[%dma_start3A] : memref<520xi32, #tpu.memory_space<vmem>> -> memref<512xi32, #tpu.memory_space<vmem>>
      %dma_start3A_33 = tpu.memref_slice %arg4[%mul3A_17] : memref<32768xi32, #tpu.memory_space<hbm>> -> memref<512xi32, #tpu.memory_space<hbm>>
      %dma_start3A_34 = tpu.memref_slice %arg4[%mul3A_17] : memref<32768xi32, #tpu.memory_space<hbm>> -> memref<512xi32, #tpu.memory_space<hbm>>
      %dma_start3A_35 = arith.constant 0 : i32
      %dma_start3A_36 = tpu.memref_slice %arg7[%dma_start3A_35] : memref<520xi32, #tpu.memory_space<vmem>> -> memref<512xi32, #tpu.memory_space<vmem>>
      tpu.enqueue_dma source(%dma_start3A_36 : memref<512xi32, #tpu.memory_space<vmem>>) target(%dma_start3A_34 : memref<512xi32, #tpu.memory_space<hbm>>) target_semaphore(%run_scoped3A : memref<!tpu.dma_semaphore, #tpu.memory_space<semaphore_mem>>)
      %dma_wait3A = arith.constant 0 : i32
      %dma_wait3A_37 = tpu.memref_slice %arg7[%dma_wait3A] : memref<520xi32, #tpu.memory_space<vmem>> -> memref<512xi32, #tpu.memory_space<vmem>>
      %dma_wait3A_38 = tpu.memref_slice %arg4[%mul3A_17] : memref<32768xi32, #tpu.memory_space<hbm>> -> memref<512xi32, #tpu.memory_space<hbm>>
      %dma_wait3A_39 = tpu.memref_slice %arg4[%mul3A_17] : memref<32768xi32, #tpu.memory_space<hbm>> -> memref<512xi32, #tpu.memory_space<hbm>>
      %dma_wait3A_40 = arith.constant 0 : i32
      %dma_wait3A_41 = tpu.memref_slice %arg7[%dma_wait3A_40] : memref<520xi32, #tpu.memory_space<vmem>> -> memref<512xi32, #tpu.memory_space<vmem>>
      tpu.wait_dma2 semaphore(%run_scoped3A : memref<!tpu.dma_semaphore, #tpu.memory_space<semaphore_mem>>) src(%dma_wait3A_41 : memref<512xi32, #tpu.memory_space<vmem>>) dst(%dma_wait3A_39 : memref<512xi32, #tpu.memory_space<hbm>>)
      tpu.yield
    }) : () -> ()
    %add3A_18 = arith.constant 64 : i32
    %add3A_19 = arith.addi %mul3A_2, %add3A_18 : i32
    %mul3A_20 = arith.constant 64 : i32
    %mul3A_21 = arith.muli %add3A_19, %mul3A_20 : i32
    "tpu.region"() ({
      %run_scoped3A = tpu.sem_alloc : memref<!tpu.dma_semaphore, #tpu.memory_space<semaphore_mem>>
      %dma_start3A = tpu.memref_slice %arg2[%mul3A_21] : memref<262144xf32, #tpu.memory_space<hbm>> -> memref<4096xf32, #tpu.memory_space<hbm>>
      %dma_start3A_32 = tpu.memref_slice %arg2[%mul3A_21] : memref<262144xf32, #tpu.memory_space<hbm>> -> memref<4096xf32, #tpu.memory_space<hbm>>
      tpu.enqueue_dma source(%dma_start3A_32 : memref<4096xf32, #tpu.memory_space<hbm>>) target(%arg5 : memref<4096xf32, #tpu.memory_space<vmem>>) target_semaphore(%run_scoped3A : memref<!tpu.dma_semaphore, #tpu.memory_space<semaphore_mem>>)
      %dma_wait3A = tpu.memref_slice %arg2[%mul3A_21] : memref<262144xf32, #tpu.memory_space<hbm>> -> memref<4096xf32, #tpu.memory_space<hbm>>
      %dma_wait3A_33 = tpu.memref_slice %arg2[%mul3A_21] : memref<262144xf32, #tpu.memory_space<hbm>> -> memref<4096xf32, #tpu.memory_space<hbm>>
      tpu.wait_dma2 semaphore(%run_scoped3A : memref<!tpu.dma_semaphore, #tpu.memory_space<semaphore_mem>>) src(%dma_wait3A_33 : memref<4096xf32, #tpu.memory_space<hbm>>) dst(%arg5 : memref<4096xf32, #tpu.memory_space<vmem>>)
      tpu.yield
    }) : () -> ()
    %scan3A_22 = arith.constant 0 : i32
    %scan3A_23 = arith.constant 0 : i32
    %scan3A_24 = arith.constant 64 : i32
    %scan3A_25 = arith.addi %scan3A_23, %scan3A_24 : i32
    %scan3A_26 = arith.constant 1 : i32
    scf.for %scan3A_32 = %scan3A_23 to %scan3A_25 step %scan3A_26  : i32 {
      %mul3A_33 = arith.constant 64 : i32
      %mul3A_34 = arith.muli %scan3A_32, %mul3A_33 : i32
      %add3A_35 = arith.constant 0 : i32
      %add3A_36 = arith.addi %mul3A_34, %add3A_35 : i32
      %get3A = arith.index_cast %add3A_36 : i32 to index
      %get3A_37 = tpu.vector_load %arg5[%get3A] {strides = array<i32>} : memref<4096xf32, #tpu.memory_space<vmem>>, vector<16xf32>,
      %add3A_38 = arith.constant 0 : i32
      %add3A_39 = vector.broadcast %add3A_38 : i32 to vector<16xi32>
      %add3A_40 = arith.addi %iota3A, %add3A_39 : vector<16xi32>
      %masked_sort3A = arith.constant dense<true> : vector<16xi1>
      %masked_sort3A_41, %masked_sort3A_42, %masked_sort3A_43 = tpu.sort %get3A_37, %add3A_40 masked %masked_sort3A {descending = true} : (vector<16xf32>, vector<16xi32>, vector<16xi1>) -> (vector<16xi1>, vector<16xf32>, vector<16xi32>)
      %add3A_44 = arith.constant 16 : i32
      %add3A_45 = arith.addi %mul3A_34, %add3A_44 : i32
      %get3A_46 = arith.index_cast %add3A_45 : i32 to index
      %get3A_47 = tpu.vector_load %arg5[%get3A_46] {strides = array<i32>} : memref<4096xf32, #tpu.memory_space<vmem>>, vector<16xf32>,
      %add3A_48 = arith.constant 16 : i32
      %add3A_49 = vector.broadcast %add3A_48 : i32 to vector<16xi32>
      %add3A_50 = arith.addi %iota3A, %add3A_49 : vector<16xi32>
      %masked_sort3A_51 = arith.constant dense<true> : vector<16xi1>
      %masked_sort3A_52, %masked_sort3A_53, %masked_sort3A_54 = tpu.sort %get3A_47, %add3A_50 masked %masked_sort3A_51 {descending = true} : (vector<16xf32>, vector<16xi32>, vector<16xi1>) -> (vector<16xi1>, vector<16xf32>, vector<16xi32>)
      %add3A_55 = arith.constant 32 : i32
      %add3A_56 = arith.addi %mul3A_34, %add3A_55 : i32
      %get3A_57 = arith.index_cast %add3A_56 : i32 to index
      %get3A_58 = tpu.vector_load %arg5[%get3A_57] {strides = array<i32>} : memref<4096xf32, #tpu.memory_space<vmem>>, vector<16xf32>,
      %add3A_59 = arith.constant 32 : i32
      %add3A_60 = vector.broadcast %add3A_59 : i32 to vector<16xi32>
      %add3A_61 = arith.addi %iota3A, %add3A_60 : vector<16xi32>
      %masked_sort3A_62 = arith.constant dense<true> : vector<16xi1>
      %masked_sort3A_63, %masked_sort3A_64, %masked_sort3A_65 = tpu.sort %get3A_58, %add3A_61 masked %masked_sort3A_62 {descending = true} : (vector<16xf32>, vector<16xi32>, vector<16xi1>) -> (vector<16xi1>, vector<16xf32>, vector<16xi32>)
      %add3A_66 = arith.constant 48 : i32
      %add3A_67 = arith.addi %mul3A_34, %add3A_66 : i32
      %get3A_68 = arith.index_cast %add3A_67 : i32 to index
      %get3A_69 = tpu.vector_load %arg5[%get3A_68] {strides = array<i32>} : memref<4096xf32, #tpu.memory_space<vmem>>, vector<16xf32>,
      %add3A_70 = arith.constant 48 : i32
      %add3A_71 = vector.broadcast %add3A_70 : i32 to vector<16xi32>
      %add3A_72 = arith.addi %iota3A, %add3A_71 : vector<16xi32>
      %masked_sort3A_73 = arith.constant dense<true> : vector<16xi1>
      %masked_sort3A_74, %masked_sort3A_75, %masked_sort3A_76 = tpu.sort %get3A_69, %add3A_72 masked %masked_sort3A_73 {descending = true} : (vector<16xf32>, vector<16xi32>, vector<16xi1>) -> (vector<16xi1>, vector<16xf32>, vector<16xi32>)
      %rev3A = arith.constant 15 : i32
      %rev3A_77 = vector.broadcast %rev3A : i32 to vector<16xi32>
      %rev3A_78 = tpu.iota {dimensions = array<i32: 0>} : vector<16xi32>
      %rev3A_79 = arith.subi %rev3A_77, %rev3A_78 : vector<16xi32>
      %rev3A_80 = tpu.dynamic_gather %masked_sort3A_53[%rev3A_79] in [0] : vector<16xf32>, vector<16xi32> -> vector<16xf32>
      %rev3A_81 = arith.constant 15 : i32
      %rev3A_82 = vector.broadcast %rev3A_81 : i32 to vector<16xi32>
      %rev3A_83 = tpu.iota {dimensions = array<i32: 0>} : vector<16xi32>
      %rev3A_84 = arith.subi %rev3A_82, %rev3A_83 : vector<16xi32>
      %rev3A_85 = tpu.dynamic_gather %masked_sort3A_54[%rev3A_84] in [0] : vector<16xi32>, vector<16xi32> -> vector<16xi32>
      %ge3A = arith.cmpf oge, %masked_sort3A_42, %rev3A_80 : vector<16xf32>
      %select_n3A = arith.select %ge3A, %masked_sort3A_42, %rev3A_80 : vector<16xi1>, vector<16xf32>
      %select_n3A_86 = arith.select %ge3A, %masked_sort3A_43, %rev3A_85 : vector<16xi1>, vector<16xi32>
      %masked_sort3A_87 = arith.constant dense<true> : vector<16xi1>
      %masked_sort3A_88, %masked_sort3A_89, %masked_sort3A_90 = tpu.sort %select_n3A, %select_n3A_86 masked %masked_sort3A_87 {descending = true} : (vector<16xf32>, vector<16xi32>, vector<16xi1>) -> (vector<16xi1>, vector<16xf32>, vector<16xi32>)
      %rev3A_91 = arith.constant 15 : i32
      %rev3A_92 = vector.broadcast %rev3A_91 : i32 to vector<16xi32>
      %rev3A_93 = tpu.iota {dimensions = array<i32: 0>} : vector<16xi32>
      %rev3A_94 = arith.subi %rev3A_92, %rev3A_93 : vector<16xi32>
      %rev3A_95 = tpu.dynamic_gather %masked_sort3A_75[%rev3A_94] in [0] : vector<16xf32>, vector<16xi32> -> vector<16xf32>
      %rev3A_96 = arith.constant 15 : i32
      %rev3A_97 = vector.broadcast %rev3A_96 : i32 to vector<16xi32>
      %rev3A_98 = tpu.iota {dimensions = array<i32: 0>} : vector<16xi32>
      %rev3A_99 = arith.subi %rev3A_97, %rev3A_98 : vector<16xi32>
      %rev3A_100 = tpu.dynamic_gather %masked_sort3A_76[%rev3A_99] in [0] : vector<16xi32>, vector<16xi32> -> vector<16xi32>
      %ge3A_101 = arith.cmpf oge, %masked_sort3A_64, %rev3A_95 : vector<16xf32>
      %select_n3A_102 = arith.select %ge3A_101, %masked_sort3A_64, %rev3A_95 : vector<16xi1>, vector<16xf32>
      %select_n3A_103 = arith.select %ge3A_101, %masked_sort3A_65, %rev3A_100 : vector<16xi1>, vector<16xi32>
      %masked_sort3A_104 = arith.constant dense<true> : vector<16xi1>
      %masked_sort3A_105, %masked_sort3A_106, %masked_sort3A_107 = tpu.sort %select_n3A_102, %select_n3A_103 masked %masked_sort3A_104 {descending = true} : (vector<16xf32>, vector<16xi32>, vector<16xi1>) -> (vector<16xi1>, vector<16xf32>, vector<16xi32>)
      %rev3A_108 = arith.constant 15 : i32
      %rev3A_109 = vector.broadcast %rev3A_108 : i32 to vector<16xi32>
      %rev3A_110 = tpu.iota {dimensions = array<i32: 0>} : vector<16xi32>
      %rev3A_111 = arith.subi %rev3A_109, %rev3A_110 : vector<16xi32>
      %rev3A_112 = tpu.dynamic_gather %masked_sort3A_106[%rev3A_111] in [0] : vector<16xf32>, vector<16xi32> -> vector<16xf32>
      %rev3A_113 = arith.constant 15 : i32
      %rev3A_114 = vector.broadcast %rev3A_113 : i32 to vector<16xi32>
      %rev3A_115 = tpu.iota {dimensions = array<i32: 0>} : vector<16xi32>
      %rev3A_116 = arith.subi %rev3A_114, %rev3A_115 : vector<16xi32>
      %rev3A_117 = tpu.dynamic_gather %masked_sort3A_107[%rev3A_116] in [0] : vector<16xi32>, vector<16xi32> -> vector<16xi32>
      %ge3A_118 = arith.cmpf oge, %masked_sort3A_89, %rev3A_112 : vector<16xf32>
      %select_n3A_119 = arith.select %ge3A_118, %masked_sort3A_89, %rev3A_112 : vector<16xi1>, vector<16xf32>
      %select_n3A_120 = arith.select %ge3A_118, %masked_sort3A_90, %rev3A_117 : vector<16xi1>, vector<16xi32>
      %masked_sort3A_121 = arith.constant dense<true> : vector<16xi1>
      %masked_sort3A_122, %masked_sort3A_123, %masked_sort3A_124 = tpu.sort %select_n3A_119, %select_n3A_120 masked %masked_sort3A_121 {descending = true} : (vector<16xf32>, vector<16xi32>, vector<16xi1>) -> (vector<16xi1>, vector<16xf32>, vector<16xi32>)
      %reduce_max3A = arith.constant true
      %reduce_max3A_125 = vector.broadcast %reduce_max3A : i1 to vector<16xi1>
      %reduce_max3A_126 = tpu.scan <max>, %masked_sort3A_123 masked %reduce_max3A_125 : vector<16xf32>, vector<16xi1> -> vector<16xf32>
      %reduce_max3A_127 = vector.extract %reduce_max3A_126[15] : f32 from vector<16xf32>
      %sub3A = vector.broadcast %reduce_max3A_127 : f32 to vector<16xf32>
      %sub3A_128 = arith.subf %masked_sort3A_123, %sub3A : vector<16xf32>
      %exp3A = math.exp %sub3A_128 : vector<16xf32>
      %jit3A = arith.constant 0.000000e+00 : f32
      %broadcast_in_dim3A = vector.broadcast %jit3A : f32 to vector<16xf32>
      %select_n3A_129 = arith.select %lt3A_4, %exp3A, %broadcast_in_dim3A : vector<16xi1>, vector<16xf32>
      %reduce_sum3A = arith.constant true
      %reduce_sum3A_130 = vector.broadcast %reduce_sum3A : i1 to vector<16xi1>
      %reduce_sum3A_131 = tpu.scan <sum>, %select_n3A_129 masked %reduce_sum3A_130 : vector<16xf32>, vector<16xi1> -> vector<16xf32>
      %reduce_sum3A_132 = vector.extract %reduce_sum3A_131[15] : f32 from vector<16xf32>
      %div3A = vector.broadcast %reduce_sum3A_132 : f32 to vector<16xf32>
      %div3A_133 = arith.divf %select_n3A_129, %div3A : vector<16xf32>
      %mul3A_134 = arith.constant 8 : i32
      %mul3A_135 = arith.muli %scan3A_32, %mul3A_134 : i32
      %swap3A = arith.index_cast %mul3A_135 : i32 to index
      %swap3A_136 = tpu.vector_load %arg6[%swap3A] masked %lt3A_4 {strides = array<i32>} : memref<520xf32, #tpu.memory_space<vmem>>, vector<16xf32>, vector<16xi1>
      tpu.vector_store %arg6[%swap3A], %div3A_133 masked %lt3A_4 {strides = array<i32>} : memref<520xf32, #tpu.memory_space<vmem>>, vector<16xf32>, vector<16xi1>
      %mul3A_137 = arith.constant 8 : i32
      %mul3A_138 = arith.muli %scan3A_32, %mul3A_137 : i32
      %swap3A_139 = arith.index_cast %mul3A_138 : i32 to index
      %swap3A_140 = tpu.vector_load %arg7[%swap3A_139] masked %lt3A_4 {strides = array<i32>} : memref<520xi32, #tpu.memory_space<vmem>>, vector<16xi32>, vector<16xi1>
      tpu.vector_store %arg7[%swap3A_139], %masked_sort3A_124 masked %lt3A_4 {strides = array<i32>} : memref<520xi32, #tpu.memory_space<vmem>>, vector<16xi32>, vector<16xi1>
    }
    %scan3A_27 = arith.constant 64 : i32
    %mul3A_28 = arith.constant 8 : i32
    %mul3A_29 = arith.muli %add3A_19, %mul3A_28 : i32
    "tpu.region"() ({
      %run_scoped3A = tpu.sem_alloc : memref<!tpu.dma_semaphore, #tpu.memory_space<semaphore_mem>>
      %dma_start3A = arith.constant 0 : i32
      %dma_start3A_32 = tpu.memref_slice %arg6[%dma_start3A] : memref<520xf32, #tpu.memory_space<vmem>> -> memref<512xf32, #tpu.memory_space<vmem>>
      %dma_start3A_33 = tpu.memref_slice %arg3[%mul3A_29] : memref<32768xf32, #tpu.memory_space<hbm>> -> memref<512xf32, #tpu.memory_space<hbm>>
      %dma_start3A_34 = tpu.memref_slice %arg3[%mul3A_29] : memref<32768xf32, #tpu.memory_space<hbm>> -> memref<512xf32, #tpu.memory_space<hbm>>
      %dma_start3A_35 = arith.constant 0 : i32
      %dma_start3A_36 = tpu.memref_slice %arg6[%dma_start3A_35] : memref<520xf32, #tpu.memory_space<vmem>> -> memref<512xf32, #tpu.memory_space<vmem>>
      tpu.enqueue_dma source(%dma_start3A_36 : memref<512xf32, #tpu.memory_space<vmem>>) target(%dma_start3A_34 : memref<512xf32, #tpu.memory_space<hbm>>) target_semaphore(%run_scoped3A : memref<!tpu.dma_semaphore, #tpu.memory_space<semaphore_mem>>)
      %dma_wait3A = arith.constant 0 : i32
      %dma_wait3A_37 = tpu.memref_slice %arg6[%dma_wait3A] : memref<520xf32, #tpu.memory_space<vmem>> -> memref<512xf32, #tpu.memory_space<vmem>>
      %dma_wait3A_38 = tpu.memref_slice %arg3[%mul3A_29] : memref<32768xf32, #tpu.memory_space<hbm>> -> memref<512xf32, #tpu.memory_space<hbm>>
      %dma_wait3A_39 = tpu.memref_slice %arg3[%mul3A_29] : memref<32768xf32, #tpu.memory_space<hbm>> -> memref<512xf32, #tpu.memory_space<hbm>>
      %dma_wait3A_40 = arith.constant 0 : i32
      %dma_wait3A_41 = tpu.memref_slice %arg6[%dma_wait3A_40] : memref<520xf32, #tpu.memory_space<vmem>> -> memref<512xf32, #tpu.memory_space<vmem>>
      tpu.wait_dma2 semaphore(%run_scoped3A : memref<!tpu.dma_semaphore, #tpu.memory_space<semaphore_mem>>) src(%dma_wait3A_41 : memref<512xf32, #tpu.memory_space<vmem>>) dst(%dma_wait3A_39 : memref<512xf32, #tpu.memory_space<hbm>>)
      tpu.yield
    }) : () -> ()
    %mul3A_30 = arith.constant 8 : i32
    %mul3A_31 = arith.muli %add3A_19, %mul3A_30 : i32
    "tpu.region"() ({
      %run_scoped3A = tpu.sem_alloc : memref<!tpu.dma_semaphore, #tpu.memory_space<semaphore_mem>>
      %dma_start3A = arith.constant 0 : i32
      %dma_start3A_32 = tpu.memref_slice %arg7[%dma_start3A] : memref<520xi32, #tpu.memory_space<vmem>> -> memref<512xi32, #tpu.memory_space<vmem>>
      %dma_start3A_33 = tpu.memref_slice %arg4[%mul3A_31] : memref<32768xi32, #tpu.memory_space<hbm>> -> memref<512xi32, #tpu.memory_space<hbm>>
      %dma_start3A_34 = tpu.memref_slice %arg4[%mul3A_31] : memref<32768xi32, #tpu.memory_space<hbm>> -> memref<512xi32, #tpu.memory_space<hbm>>
      %dma_start3A_35 = arith.constant 0 : i32
      %dma_start3A_36 = tpu.memref_slice %arg7[%dma_start3A_35] : memref<520xi32, #tpu.memory_space<vmem>> -> memref<512xi32, #tpu.memory_space<vmem>>
      tpu.enqueue_dma source(%dma_start3A_36 : memref<512xi32, #tpu.memory_space<vmem>>) target(%dma_start3A_34 : memref<512xi32, #tpu.memory_space<hbm>>) target_semaphore(%run_scoped3A : memref<!tpu.dma_semaphore, #tpu.memory_space<semaphore_mem>>)
      %dma_wait3A = arith.constant 0 : i32
      %dma_wait3A_37 = tpu.memref_slice %arg7[%dma_wait3A] : memref<520xi32, #tpu.memory_space<vmem>> -> memref<512xi32, #tpu.memory_space<vmem>>
      %dma_wait3A_38 = tpu.memref_slice %arg4[%mul3A_31] : memref<32768xi32, #tpu.memory_space<hbm>> -> memref<512xi32, #tpu.memory_space<hbm>>
      %dma_wait3A_39 = tpu.memref_slice %arg4[%mul3A_31] : memref<32768xi32, #tpu.memory_space<hbm>> -> memref<512xi32, #tpu.memory_space<hbm>>
      %dma_wait3A_40 = arith.constant 0 : i32
      %dma_wait3A_41 = tpu.memref_slice %arg7[%dma_wait3A_40] : memref<520xi32, #tpu.memory_space<vmem>> -> memref<512xi32, #tpu.memory_space<vmem>>
      tpu.wait_dma2 semaphore(%run_scoped3A : memref<!tpu.dma_semaphore, #tpu.memory_space<semaphore_mem>>) src(%dma_wait3A_41 : memref<512xi32, #tpu.memory_space<vmem>>) dst(%dma_wait3A_39 : memref<512xi32, #tpu.memory_space<hbm>>)
      tpu.yield
    }) : () -> ()
    return
  }
}

module attributes {stable_mosaic.version = 14 : i64} {
  func.func @_matmul_block(%arg0: i32, %arg1: memref<1024x4096xf32, #tpu.memory_space<vmem>>, %arg2: memref<4096x64xf32, #tpu.memory_space<vmem>>, %arg3: memref<1024x64xf32, #tpu.memory_space<vmem>>) attributes {dimension_semantics = [#tpu.dimension_semantics<arbitrary>], iteration_bounds = array<i64: 4>, scalar_prefetch = 0 : i64, scratch_operands = 0 : i64, tpu.core_type = #tpu.core_type<tc>, window_params = [{transform_indices = @transform_0, window_bounds = array<i64: 1024, 4096>}, {pipeline_mode = #tpu.pipeline_mode<synchronous>, transform_indices = @transform_1, window_bounds = array<i64: 4096, 64>}, {transform_indices = @transform_2, window_bounds = array<i64: 1024, 64>}]} {
    %get3A = arith.constant 0 : index
    %get3A_0 = arith.constant 0 : index
    %get3A_1 = vector.load %arg1[%get3A, %get3A_0] : memref<1024x4096xf32, #tpu.memory_space<vmem>>, vector<1024x4096xf32>
    %get3A_2 = arith.constant 0 : index
    %get3A_3 = arith.constant 0 : index
    %get3A_4 = vector.load %arg2[%get3A_2, %get3A_3] : memref<4096x64xf32, #tpu.memory_space<vmem>>, vector<4096x64xf32>
    %dot_general3A = arith.constant dense<0.000000e+00> : vector<1024x64xf32>
    %dot_general3A_5 = tpu.matmul %get3A_1, %get3A_4, %dot_general3A {dimension_numbers = #tpu.dot_dimension_numbers<[1], [0], [0], [1], [0, 0, 1, 1], [], []>, transpose_lhs_hint = false} : vector<1024x4096xf32>, vector<4096x64xf32>, vector<1024x64xf32> -> vector<1024x64xf32>
    %swap3A = arith.constant 0 : index
    %swap3A_6 = arith.constant 0 : index
    %swap3A_7 = vector.load %arg3[%swap3A, %swap3A_6] : memref<1024x64xf32, #tpu.memory_space<vmem>>, vector<1024x64xf32>
    tpu.vector_store %arg3[%swap3A, %swap3A_6], %dot_general3A_5 {strides = array<i32>} : memref<1024x64xf32, #tpu.memory_space<vmem>>, vector<1024x64xf32>,
    return
  }
  func.func @transform_0(%arg0: i32) -> (i32, i32) {
    %add3A = arith.constant 12 : i32
    %add3A_0 = arith.addi %add3A, %arg0 : i32
    %c0_i32 = arith.constant 0 : i32
    %c0_i32_1 = arith.constant 0 : i32
    return %add3A_0, %c0_i32 : i32, i32
  }
  func.func @transform_1(%arg0: i32) -> (i32, i32) {
    %c0_i32 = arith.constant 0 : i32
    %c0_i32_0 = arith.constant 0 : i32
    %c0_i32_1 = arith.constant 0 : i32
    return %c0_i32, %c0_i32_0 : i32, i32
  }
  func.func @transform_2(%arg0: i32) -> (i32, i32) {
    %c0_i32 = arith.constant 0 : i32
    %c0_i32_0 = arith.constant 0 : i32
    return %arg0, %c0_i32 : i32, i32
  }
}

module attributes {stable_mosaic.version = 14 : i64} {
  func.func @_matmul_block(%arg0: i32, %arg1: memref<1024x4096xf32, #tpu.memory_space<vmem>>, %arg2: memref<4096x64xf32, #tpu.memory_space<vmem>>, %arg3: memref<1024x64xf32, #tpu.memory_space<vmem>>) attributes {dimension_semantics = [#tpu.dimension_semantics<arbitrary>], iteration_bounds = array<i64: 4>, scalar_prefetch = 0 : i64, scratch_operands = 0 : i64, tpu.core_type = #tpu.core_type<tc>, window_params = [{transform_indices = @transform_0, window_bounds = array<i64: 1024, 4096>}, {pipeline_mode = #tpu.pipeline_mode<synchronous>, transform_indices = @transform_1, window_bounds = array<i64: 4096, 64>}, {transform_indices = @transform_2, window_bounds = array<i64: 1024, 64>}]} {
    %get3A = arith.constant 0 : index
    %get3A_0 = arith.constant 0 : index
    %get3A_1 = vector.load %arg1[%get3A, %get3A_0] : memref<1024x4096xf32, #tpu.memory_space<vmem>>, vector<1024x4096xf32>
    %get3A_2 = arith.constant 0 : index
    %get3A_3 = arith.constant 0 : index
    %get3A_4 = vector.load %arg2[%get3A_2, %get3A_3] : memref<4096x64xf32, #tpu.memory_space<vmem>>, vector<4096x64xf32>
    %dot_general3A = arith.constant dense<0.000000e+00> : vector<1024x64xf32>
    %dot_general3A_5 = tpu.matmul %get3A_1, %get3A_4, %dot_general3A {dimension_numbers = #tpu.dot_dimension_numbers<[1], [0], [0], [1], [0, 0, 1, 1], [], []>, transpose_lhs_hint = false} : vector<1024x4096xf32>, vector<4096x64xf32>, vector<1024x64xf32> -> vector<1024x64xf32>
    %swap3A = arith.constant 0 : index
    %swap3A_6 = arith.constant 0 : index
    %swap3A_7 = vector.load %arg3[%swap3A, %swap3A_6] : memref<1024x64xf32, #tpu.memory_space<vmem>>, vector<1024x64xf32>
    tpu.vector_store %arg3[%swap3A, %swap3A_6], %dot_general3A_5 {strides = array<i32>} : memref<1024x64xf32, #tpu.memory_space<vmem>>, vector<1024x64xf32>,
    return
  }
  func.func @transform_0(%arg0: i32) -> (i32, i32) {
    %add3A = arith.constant 8 : i32
    %add3A_0 = arith.addi %add3A, %arg0 : i32
    %c0_i32 = arith.constant 0 : i32
    %c0_i32_1 = arith.constant 0 : i32
    return %add3A_0, %c0_i32 : i32, i32
  }
  func.func @transform_1(%arg0: i32) -> (i32, i32) {
    %c0_i32 = arith.constant 0 : i32
    %c0_i32_0 = arith.constant 0 : i32
    %c0_i32_1 = arith.constant 0 : i32
    return %c0_i32, %c0_i32_0 : i32, i32
  }
  func.func @transform_2(%arg0: i32) -> (i32, i32) {
    %c0_i32 = arith.constant 0 : i32
    %c0_i32_0 = arith.constant 0 : i32
    return %arg0, %c0_i32 : i32, i32
  }
}

module attributes {stable_mosaic.version = 14 : i64} {
  func.func @_matmul_block(%arg0: i32, %arg1: memref<1024x4096xf32, #tpu.memory_space<vmem>>, %arg2: memref<4096x64xf32, #tpu.memory_space<vmem>>, %arg3: memref<1024x64xf32, #tpu.memory_space<vmem>>) attributes {dimension_semantics = [#tpu.dimension_semantics<arbitrary>], iteration_bounds = array<i64: 4>, scalar_prefetch = 0 : i64, scratch_operands = 0 : i64, tpu.core_type = #tpu.core_type<tc>, window_params = [{transform_indices = @transform_0, window_bounds = array<i64: 1024, 4096>}, {pipeline_mode = #tpu.pipeline_mode<synchronous>, transform_indices = @transform_1, window_bounds = array<i64: 4096, 64>}, {transform_indices = @transform_2, window_bounds = array<i64: 1024, 64>}]} {
    %get3A = arith.constant 0 : index
    %get3A_0 = arith.constant 0 : index
    %get3A_1 = vector.load %arg1[%get3A, %get3A_0] : memref<1024x4096xf32, #tpu.memory_space<vmem>>, vector<1024x4096xf32>
    %get3A_2 = arith.constant 0 : index
    %get3A_3 = arith.constant 0 : index
    %get3A_4 = vector.load %arg2[%get3A_2, %get3A_3] : memref<4096x64xf32, #tpu.memory_space<vmem>>, vector<4096x64xf32>
    %dot_general3A = arith.constant dense<0.000000e+00> : vector<1024x64xf32>
    %dot_general3A_5 = tpu.matmul %get3A_1, %get3A_4, %dot_general3A {dimension_numbers = #tpu.dot_dimension_numbers<[1], [0], [0], [1], [0, 0, 1, 1], [], []>, transpose_lhs_hint = false} : vector<1024x4096xf32>, vector<4096x64xf32>, vector<1024x64xf32> -> vector<1024x64xf32>
    %swap3A = arith.constant 0 : index
    %swap3A_6 = arith.constant 0 : index
    %swap3A_7 = vector.load %arg3[%swap3A, %swap3A_6] : memref<1024x64xf32, #tpu.memory_space<vmem>>, vector<1024x64xf32>
    tpu.vector_store %arg3[%swap3A, %swap3A_6], %dot_general3A_5 {strides = array<i32>} : memref<1024x64xf32, #tpu.memory_space<vmem>>, vector<1024x64xf32>,
    return
  }
  func.func @transform_0(%arg0: i32) -> (i32, i32) {
    %add3A = arith.constant 4 : i32
    %add3A_0 = arith.addi %add3A, %arg0 : i32
    %c0_i32 = arith.constant 0 : i32
    %c0_i32_1 = arith.constant 0 : i32
    return %add3A_0, %c0_i32 : i32, i32
  }
  func.func @transform_1(%arg0: i32) -> (i32, i32) {
    %c0_i32 = arith.constant 0 : i32
    %c0_i32_0 = arith.constant 0 : i32
    %c0_i32_1 = arith.constant 0 : i32
    return %c0_i32, %c0_i32_0 : i32, i32
  }
  func.func @transform_2(%arg0: i32) -> (i32, i32) {
    %c0_i32 = arith.constant 0 : i32
    %c0_i32_0 = arith.constant 0 : i32
    return %arg0, %c0_i32 : i32, i32
  }
}

module attributes {stable_mosaic.version = 14 : i64} {
  func.func @_matmul_block(%arg0: i32, %arg1: memref<1024x4096xf32, #tpu.memory_space<vmem>>, %arg2: memref<4096x64xf32, #tpu.memory_space<vmem>>, %arg3: memref<1024x64xf32, #tpu.memory_space<vmem>>) attributes {dimension_semantics = [#tpu.dimension_semantics<arbitrary>], iteration_bounds = array<i64: 4>, scalar_prefetch = 0 : i64, scratch_operands = 0 : i64, tpu.core_type = #tpu.core_type<tc>, window_params = [{transform_indices = @transform_0, window_bounds = array<i64: 1024, 4096>}, {pipeline_mode = #tpu.pipeline_mode<synchronous>, transform_indices = @transform_1, window_bounds = array<i64: 4096, 64>}, {transform_indices = @transform_2, window_bounds = array<i64: 1024, 64>}]} {
    %get3A = arith.constant 0 : index
    %get3A_0 = arith.constant 0 : index
    %get3A_1 = vector.load %arg1[%get3A, %get3A_0] : memref<1024x4096xf32, #tpu.memory_space<vmem>>, vector<1024x4096xf32>
    %get3A_2 = arith.constant 0 : index
    %get3A_3 = arith.constant 0 : index
    %get3A_4 = vector.load %arg2[%get3A_2, %get3A_3] : memref<4096x64xf32, #tpu.memory_space<vmem>>, vector<4096x64xf32>
    %dot_general3A = arith.constant dense<0.000000e+00> : vector<1024x64xf32>
    %dot_general3A_5 = tpu.matmul %get3A_1, %get3A_4, %dot_general3A {dimension_numbers = #tpu.dot_dimension_numbers<[1], [0], [0], [1], [0, 0, 1, 1], [], []>, transpose_lhs_hint = false} : vector<1024x4096xf32>, vector<4096x64xf32>, vector<1024x64xf32> -> vector<1024x64xf32>
    %swap3A = arith.constant 0 : index
    %swap3A_6 = arith.constant 0 : index
    %swap3A_7 = vector.load %arg3[%swap3A, %swap3A_6] : memref<1024x64xf32, #tpu.memory_space<vmem>>, vector<1024x64xf32>
    tpu.vector_store %arg3[%swap3A, %swap3A_6], %dot_general3A_5 {strides = array<i32>} : memref<1024x64xf32, #tpu.memory_space<vmem>>, vector<1024x64xf32>,
    return
  }
  func.func @transform_0(%arg0: i32) -> (i32, i32) {
    %add3A = arith.constant 0 : i32
    %add3A_0 = arith.addi %add3A, %arg0 : i32
    %c0_i32 = arith.constant 0 : i32
    %c0_i32_1 = arith.constant 0 : i32
    return %add3A_0, %c0_i32 : i32, i32
  }
  func.func @transform_1(%arg0: i32) -> (i32, i32) {
    %c0_i32 = arith.constant 0 : i32
    %c0_i32_0 = arith.constant 0 : i32
    %c0_i32_1 = arith.constant 0 : i32
    return %c0_i32, %c0_i32_0 : i32, i32
  }
  func.func @transform_2(%arg0: i32) -> (i32, i32) {
    %c0_i32 = arith.constant 0 : i32
    %c0_i32_0 = arith.constant 0 : i32
    return %arg0, %c0_i32 : i32, i32
  }
}

</mosaic_0001>

<sc_bundles>
// kernel: kernel.10.cloned.1.call-start
scs
__scs_entry_jumppad:
0x0: {  	(pc) =	sbr.rel $0x88, $3  }
0x1: {  	(tag) =	ssettag $0x0;
	lr =	simm.s32 $0x1  }
0x2: {  	[smem:$0x3F9F] =	sst lr;
	_ =	strace $0xD0000000  }
0x3: {  	_ = 	snop  }
0x4: {  	_ = 	snop  }
0x5: {  	_ = 	snop  }
0x6: {  	_ = 	snop  }
0x7: {  	_ = 	snop  }
__scs_overlays_trampoline_lowered:
0x8: {  	[smem:$0x3FAE] =	sst s0  }
0x9: {  	[smem:$0x3FAF] =	sst s1  }
0xa: {  	[smem:$0x3FB0] =	sst s2  }
0xb: {  	[smem:$0x3FB1] =	sst s3  }
0xc: {  	[smem:$0x3FB2] =	sst s4  }
0xd: {  	[smem:$0x3FB3] =	sst s5  }
0xe: {  	[smem:$0x3FB4] =	sst s6  }
0xf: {  	[smem:$0x3FB5] =	sst s7  }
0x10: {  	[smem:$0x3FB6] =	sst s8  }
0x11: {  	[smem:$0x3FB7] =	sst s9;
	s0 =	simm.s32 @!p0 $0x0  }
0x12: {  	s1 =	sld [smem:$0x3F9D];
	s0 =	simm.s32 @p0 $0x1  }
0x13: {  	[smem:$0x3FB8] =	sst s0;
	s0 =	simm.s32 @!p1 $0x0  }
0x14: {  	s2 =	sld [smem:$0x3F9C];
	s0 =	simm.s32 @p1 $0x1  }
0x15: {  	[smem:$0x3FB9] =	sst s0;
	s0 =	simm.s32 @!p2 $0x0  }
0x16: {  	s3 =	sld [smem:$0x3FDB];
	s0 =	simm.s32 @p2 $0x1  }
0x17: {  	s4 =	simm.s32 $0x1BF5;
	[smem:$0x3FBB] =	sst s0  }
0x18: {  	s0 =	sld [smem:$0x3F9E];
	_ =	swait.ge [sflag:s4], $0x0  }
0x19: {  	s7 =	sld [smem:$0x3F9F]  }
0x1a: {  	s8 =	sadd.s32 $0xFFFFE003, lr  }
0x1b: {  	s9 =	sadd.s32 $0xFFFFFEF7, lr;
	s5 =	simm.s32 $0xFFFFFFFF;
	p2 =	slt.u32 s8, $0xFFFFF086  }
0x1c: {  	p1 =	slt.u32 s9, $0xF7A;
	s5 =	simm.s32 @!p2 $0x0  }
0x1d: {  	s5 =	simm.s32 @p1 $0x1;
	p0 =	seq.s32 s7, s2  }
0x1e: {  	s7 =	smul.u32 @!p0 $0xF7A, s2;
	p2 =	seq.s32 @!p0 s5, $0x0  }
0x1f: {  	s9 =	smul.u32 $0xF7A, s1;
	s8 =	simm.s32 @!p0 $0x1BF5;
	p2 =	por !p2, p0  }
0x20: {  	[sflag:s8] =	ssyncset.s32 @!p0 $0xFFFFF086;
	s6 =	sadd.s32 @!p0 s3, s7;
	s7 =	simm.s32 @!p0 $0x108  }
0x21: {  	s3 =	sadd.s32 s3, s9;
	s6 =	sadd.s32 @!p0 $0x88, s6;
	s7 =	simm.s32 @p2 $0x1082  }
0x22: {  	[simem:s7], [sflag:s8] =	dma.local @!p0 [hbm:s6], $0xF7A  }
0x23: {  	s9 =	sor.u32 $0xD0000000, s2;
	s6 =	simm.s32 $0x108;
	_ =	swait.ge @!p0 [sflag:s8], $0x0  }
0x24: {  	s3 =	sadd.s32 $0x88, s3;
	s6 =	simm.s32 @!p1 $0x1082;
	[sflag:s4] =	ssyncset.s32 $0xFFFFF086  }
0x25: {  	[simem:s6], [sflag:s4] =	dma.local [hbm:s3], $0xF7A  }
0x26: {  	[smem:$0x3F9F] =	sst s1;
	(tag) =	ssettag s2;
	_ =	strace s9  }
0x27: {  	s1 =	sld [smem:$0x3FAF]  }
0x28: {  	s2 =	sld [smem:$0x3FB0]  }
0x29: {  	s4 =	sld [smem:$0x3FB2]  }
0x2a: {  	p0 =	seq.s32 s5, $0x0;
	s5 =	sld [smem:$0x3FB3]  }
0x2b: {  	s6 =	sld [smem:$0x3FB4]  }
0x2c: {  	s7 =	sld [smem:$0x3FB5]  }
0x2d: {  	s3 =	simm.s32 $0x108;
	s8 =	sld [smem:$0x3FB6]  }
0x2e: {  	s3 =	simm.s32 @!p0 $0x1082;
	s9 =	sld [smem:$0x3FB7]  }
0x2f: {  	lr =	sadd.s32 s0, s3;
	s0 =	sld [smem:$0x3FAE]  }
0x30: {  	s3 =	sld [smem:$0x3FB1]  }
0x31: {  	[smem:$0x3FBA] =	sst s10  }
0x32: {  	s10 =	sld [smem:$0x3FB8];
	_ =	sdelay $0x3  }
0x33: {  	p0 =	seq.s32 s10, $0x1;
	s10 =	sld [smem:$0x3FBA];
	_ =	sdelay $0x3  }
0x34: {  	[smem:$0x3FBA] =	sst s10  }
0x35: {  	s10 =	sld [smem:$0x3FB9];
	_ =	sdelay $0x3  }
0x36: {  	p1 =	seq.s32 s10, $0x1;
	s10 =	sld [smem:$0x3FBA];
	_ =	sdelay $0x3  }
0x37: {  	[smem:$0x3FBA] =	sst s10  }
0x38: {  	s10 =	sld [smem:$0x3FBB]  }
0x39: {  	_ = 	snop;
	(pc) =	sbr.ind lr, $3  }
0x3a: {  	_ = 	snop  }
0x3b: {  	_ = 	snop  }
0x3c: {  	p2 =	seq.s32 s10, $0x1;
	s10 =	sld [smem:$0x3FBA]  }
0x3d: {  	_ =	shalt  }
0x3e: {  	_ =	shalt  }
0x3f: {  	_ =	shalt  }
0x40: {  	_ =	shalt  }
0x41: {  	_ =	shalt  }
0x42: {  	_ =	shalt  }
0x43: {  	_ =	shalt  }
0x44: {  	_ =	shalt  }
0x45: {  	_ =	shalt  }
0x46: {  	_ =	shalt  }
0x47: {  	_ =	shalt  }
0x48: {  	_ =	shalt  }
0x49: {  	_ =	shalt  }
0x4a: {  	_ =	shalt  }
0x4b: {  	_ =	shalt  }
0x4c: {  	_ =	shalt  }
0x4d: {  	_ =	shalt  }
0x4e: {  	_ =	shalt  }
0x4f: {  	_ =	shalt  }
0x50: {  	_ =	shalt  }
0x51: {  	_ =	shalt  }
0x52: {  	_ =	shalt  }
0x53: {  	_ =	shalt  }
0x54: {  	_ =	shalt  }
0x55: {  	_ =	shalt  }
0x56: {  	_ =	shalt  }
0x57: {  	_ =	shalt  }
0x58: {  	_ =	shalt  }
0x59: {  	_ =	shalt  }
0x5a: {  	_ =	shalt  }
0x5b: {  	_ =	shalt  }
0x5c: {  	_ =	shalt  }
0x5d: {  	_ =	shalt  }
0x5e: {  	_ =	shalt  }
0x5f: {  	_ =	shalt  }
0x60: {  	_ =	shalt  }
0x61: {  	_ =	shalt  }
0x62: {  	_ =	shalt  }
0x63: {  	_ =	shalt  }
0x64: {  	_ =	shalt  }
0x65: {  	_ =	shalt  }
0x66: {  	_ =	shalt  }
0x67: {  	_ =	shalt  }
0x68: {  	_ =	shalt  }
0x69: {  	_ =	shalt  }
0x6a: {  	_ =	shalt  }
0x6b: {  	_ =	shalt  }
0x6c: {  	_ =	shalt  }
0x6d: {  	_ =	shalt  }
0x6e: {  	_ =	shalt  }
0x6f: {  	_ =	shalt  }
0x70: {  	_ =	shalt  }
0x71: {  	_ =	shalt  }
0x72: {  	_ =	shalt  }
0x73: {  	_ =	shalt  }
0x74: {  	_ =	shalt  }
0x75: {  	_ =	shalt  }
0x76: {  	_ =	shalt  }
0x77: {  	_ =	shalt  }
0x78: {  	_ =	shalt  }
0x79: {  	_ =	shalt  }
0x7a: {  	_ =	shalt  }
0x7b: {  	_ =	shalt  }
0x7c: {  	_ =	shalt  }
0x7d: {  	_ =	shalt  }
0x7e: {  	_ =	shalt  }
0x7f: {  	_ =	shalt  }
0x80: {  	_ =	shalt  }
0x81: {  	_ =	shalt  }
0x82: {  	_ =	shalt  }
0x83: {  	_ =	shalt  }
0x84: {  	_ =	shalt  }
0x85: {  	_ =	shalt  }
0x86: {  	_ =	shalt  }
0x87: {  	_ =	shalt  }
.Lfunc_end0:
.L_simem_size_0:
called_computation_lowered:
.L_overlay_start_0:
0x88: {  	s2 =	sld [smem:$0x3FD9]  }
0x89: {  	s3 =	sld [smem:$0x3FFE];
	_ =	sdelay $0x1  }
0x8a: {  	s1 =	srdreg.scid  }
0x8b: {  	s0 =	sand.u32 $0x1, s1  }
0x8c: {  	s15 =	sshll.u32 s0, $0xA;
	s2 =	sadd.s32 s3, s2  }
0x8d: {  	s2 =	sadd.s32 s2, s15  }
0x8e: {  	[smem:$0x3FC6] =	sst s2  }
0x8f: {  	_ = 	snop  }
0x90: {  	s2 =	sld [smem:$0x3FD0];
	_ =	sdelay $0x2  }
0x91: {  	s4 =	simm.s32 $0xD;
	s16 =	simm.s32 $0x10  }
0x92: {  	[smem:s16], [sflag:s4] =	dma.local [hbm:s2], $0x1  }
0x93: {  	_ =	swait.eq [sflag:s4], $0x1  }
0x94: {  	[sflag:s4] =	ssyncset.done $0x0  }
0x95: {  	s17 =	sld [smem:$0x10];
	[sflag:s4] =	ssyncadd.s32 $0xFFFFFFFF  }
0x96: {  	s18 =	sld [smem:$0x11];
	(tm) =	ssettm $0x1  }
0x97: {  	s19 =	sld [smem:$0x3FFB];
	_ =	sdelay $0x3  }
0x98: {  	_ =	strace s19  }
0x99: {  	s2 =	sld [smem:$0x3FFC];
	_ =	sdelay $0x3  }
0x9a: {  	_ =	strace s2  }
0x9b: {  	s2 =	sld [smem:$0x3FFD];
	_ =	sdelay $0x3  }
0x9c: {  	_ =	strace s2  }
0x9d: {  	_ =	strace $0x8FFFFFFF  }
0x9e: {  	s20 =	sld [smem:$0x3FDB];
	_ =	sdelay $0x1  }
0x9f: {  	s5 =	simm.s32 $_scs_section_size  }
0xa0: {  	s6 =	simm.s32 $_size__tile_overlayer_lowered;
	s7 =	simm.s32 $_tile_overlayer_lowered  }
0xa1: {  	s8 =	simm.s32 $0x1BFF;
	s21 =	sshll.u32 s7, $0x1;
	s5 =	sadd.s32 s5, s20  }
0xa2: {  	s22 =	simm.s32 $0x0;
	s6 =	sshll.u32 s6, $0x1;
	s7 =	sadd.s32 s21, s5  }
0xa3: {  	[timem:s22], [sflag:s8] =	dma.local [hbm:s7], s6  }
0xa4: {  	_ =	swait.ge [sflag:s8], s6  }
0xa5: {  	s6 =	ssub.s32 $0x0, s6;
	[sflag:s8] =	ssyncset.done $0x0  }
0xa6: {  	[sflag:s8] =	ssyncadd.s32 s6;
	_ =	sdelay $0x1  }
0xa7: {  	s23 =	simm.s32 $0x1B8B  }
0xa8: {  	_ =	swait.ge [sflag:s23], $0x1  }
0xa9: {  	[sflag:s23] =	ssyncset.done $0x0  }
0xaa: {  	[sflag:s23] =	ssyncadd.s32 $0xFFFFFFFF  }
0xab: {  	s6 =	sld [smem:$0x0]  }
0xac: {  	s7 =	sand.u32 $0xFFFFFFFE, s1  }
0xad: {  	p0 =	sne.s32 s1, s7  }
0xae: {  	s7 =	sshll.u32 @p0 s7, $0xE  }
0xaf: {  	s7 =	sadd.s32 @p0 $0x11B8D, s7;
	s8 =	sshll.u32 @p0 s6, $0x11  }
0xb0: {  	s7 =	sor.u32 @p0 s8, s7  }
0xb1: {  	[sflag:s7] =	ssyncadd.remote.s32 @p0 $0x1;
	_ =	sdelay $0x1  }
0xb2: {  	s7 =	simm.s32 @p0 $0x1B8D  }
0xb3: {  	_ =	swait.eq @p0 [sflag:s7], $0x1  }
0xb4: {  	[sflag:s7] =	ssyncadd.s32 @p0 $0xFFFFFFFF  }
0xb5: {  	s8 =	sshll.u32 @!p0 s1, $0xE  }
0xb6: {  	s8 =	sor.u32 @!p0 $0x4000, s8;
	s7 =	simm.s32 @!p0 $0x1B8D  }
0xb7: {  	s6 =	sshll.u32 @!p0 s6, $0x11;
	s8 =	sadd.s32 @!p0 $0x11B8D, s8;
	_ =	swait.eq @!p0 [sflag:s7], $0x1  }
0xb8: {  	s6 =	sor.u32 @!p0 s6, s8;
	[sflag:s7] =	ssyncadd.s32 @!p0 $0xFFFFFFFF  }
0xb9: {  	s25 =	simm.s32 $0x1B8E;
	s24 =	sld [smem:$0x3FFE];
	[sflag:s6] =	ssyncadd.remote.s32 @!p0 $0x1  }
0xba: {  	s26 =	simm.s32 $execute0_lowered;
	[smem:$0x3FD2] =	sst s25  }
0xbb: {  	s7 =	sshll.u32 s26, $0x1;
	_ =	strace $0x8000004F;
	[dreg:$0x1] =	wrdreg $0xFFFFFFFF  }
0xbc: {  	s28 =	simm.s32 $_size_execute0_lowered;
	s5 =	sadd.s32 s5, s7;
	[dreg:$0x0] =	wrdreg $0x0  }
0xbd: {  	s7 =	sshll.u32 s28, $0x1;
	[dreg:$0x2] =	wrdreg s5  }
0xbe: {  	[dreg:$0x3] =	wrdreg s7  }
0xbf: {  	[dreg:$0x4] =	wrdreg $0xC0  }
0xc0: {  	_ =	task [dreg:s22], $0x5FFFF  }
0xc1: {  	[dreg:$0x1] =	wrdreg $0xFFFFFFFF  }
0xc2: {  	[dreg:$0x0] =	wrdreg $0x60  }
0xc3: {  	[dreg:$0x2] =	wrdreg s24  }
0xc4: {  	[dreg:$0x3] =	wrdreg s18  }
0xc5: {  	[dreg:$0x4] =	wrdreg s17  }
0xc6: {  	[dreg:$0x5] =	wrdreg $0x9  }
0xc7: {  	_ =	task.clear_ibuf [dreg:s22], $0x6FFFF;
	_ =	strace $0x9000004F  }
0xc8: {  	s29 =	simm.s32 $0x9;
	_ =	strace $0x80000051  }
0xc9: {  	_ =	swait.ge [sflag:s29], $0x1  }
0xca: {  	[sflag:s29] =	ssyncadd.s32 $0xFFFFFFFF  }
0xcb: {  	_ =	strace $0x90000051  }
0xcc: {  	_ =	sfence  }
0xcd: {  	s30 =	sld [smem:$0x0];
	_ =	sdelay $0x2  }
0xce: {  	s31 =	sshll.u32 s1, $0xD;
	s1 =	sshrl.u32 s1, $0x2  }
0xcf: {  	s4 =	sand.u32 $0x4000, s31;
	s1 =	sadd.s32 s1, s30  }
0xd0: {  	s0 =	sor.u32 s4, s0;
	s1 =	sshll.u32 s1, $0x11  }
0xd1: {  	s0 =	sor.u32 s1, s0  }
0xd2: {  	s0 =	sadd.s32 $0x8F2B, s0  }
0xd3: {  	[sflag:s0] =	ssyncadd.remote.s32 $0x1  }
0xd4: {  	_ =	sfence.sel $0xFFFF  }
0xd5: {  	[dreg:$0x0] =	wrdreg $0xFFFFFFFF;
	(pc) =	sbr.abs _section_cstart, $3  }
0xd6: {  	[dreg:$0x1] =	wrdreg $0xFFFFFFFF  }
0xd7: {  	_ =	task.clear_ibuf [dreg:s22], $0x2FFFF;
	_ =	strace $0x9FFFFFFF  }
0xd8: {  	(tm) =	ssettm $0x7FFFFFFF  }
0xd9: {  	_ =	shalt  }
tec
execute0_lowered:
.L_overlay_start_1:
0x0: {  	(tag) =	ssettag $0x1  }
0x1: {  	s3 =	rddreg [dreg:$0x0]  }
0x2: {  	s7 =	rddreg [dreg:$0x1]  }
0x3: {  	s8 =	rddreg [dreg:$0x2]  }
0x4: {  	s0 =	rddreg [dreg:$0x3]  }
0x5: {  	s2 =	simm.s32 $0x0;
	s4 =	srdreg.scid;
	s1 =	stileid.u32  }
0x6: {  	s12 =	simm.s32 $0x1280;
	s13 =	simm.s32 $0x0;
	[smem:$0x7FF] =	sst s2  }
0x7: {  	s4 =	sand.u32 $0x1, s4;
	s5 =	sshll.u32 s1, $0x1;
	s9 =	sadd.s32 $0x20800, s3  }
0x8: {  	_ =	strace $0x80000050;
	s6 =	ssub.s32 $0x2, s4;
	s4 =	sor.u32 s4, s5  }
0x9: {  	s29 =	sshrl.u32 s6, $0x1;
	s5 =	sshll.u32 s4, $0x7;
	s30 =	sshll.u32 s4, $0xA  }
0xa: {  	v0 =	vlaneseq.u32;
	s10 =	ssub.s32 s6, s29;
	s11 =	sor.u32 $0x40, s5;
	s3 =	sadd.s32 s9, s30  }
0xb: {  	v4 =	vmul.u32 $0xFFFFFFFF, v0;
	s4 =	sadd.s32 s7, s5;
	s5 =	sadd.s32 s8, s5;
	s31 =	sshll.u32 s11, $0x3  }
0xc: {  	vm0 =	vmmov $0xff;
	v1 =	vor.u32 $0x10, v0;
	s7 =	sadd.s32 s7, s11;
	s8 =	sadd.s32 s8, s11;
	s11 =	simm.s32 $0x1000  }
0xd: {  	v2 =	vor.u32 $0x20, v0;
	v3 =	vor.u32 $0x30, v0;
	v4 =	vadd.s32 $0xF, v4;
	s6 =	sadd.s32 s9, s31;
	s9 =	smax.u32 s10, $0x1;
	s10 =	simm.s32 $0x1  }
.LBB2_1:
0xe: {  	[tilespmem:s2], [sflag:$0x1] =	stream.linear.gather [hbm4b:s3+s2], $0x1000, $0x38;
	[tilespmem:$0x1500] =	vst v63  }
0xf: {  	_ =	swait.ge [sflag:s10], $0x1000  }
0x10: {  	[sflag:s10] =	ssyncset.done $0x0  }
0x11: {  	s15 =	simm.s32 $0x20;
	[sflag:s10] =	ssyncadd.s32 $0xFFFFF000  }
0x12: {  	s16 =	simm.s32 $0x20;
	s14 =	simm.s32 $0x0;
	v5 =	vld [tilespmem:s15+$0x10]  }
.LBB2_2:
0x13: {  	p0 =	sne.s32 s16, $0x7E0;
	v6 =	vld [tilespmem:s15+$0x0]  }
0x14: {  	v7 =	vld [tilespmem:s15+$0xFFFFFFF0];
	_ =	sdelay $0x1  }
0x15: {  	v8 =	vld [tilespmem:s15+$0xFFFFFFE0]  }
0x16: {  	(xrf1) =	vsort.dscd.msk.f32 $0xffff, v5, v3  }
0x17: {  	(xrf1) =	vsort.dscd.msk.f32 $0xffff, v6, v2  }
0x18: {  	(xrf1) =	vsort.dscd.msk.f32 $0xffff, v7, v1;
	_ =	sdelay $0x1  }
0x19: {  	(xrf1) =	vsort.dscd.msk.f32 $0xffff, v8, v0;
	_ =	sdelay $0x9  }
0x1a: {  	v5, v6, _ =	vpop (xrf1)  }
0x1b: {  	v5 =	vperm.xlane v5, v4;
	v7, v8, _ =	vpop (xrf1)  }
0x1c: {  	v6 =	vperm.xlane v6, v4;
	v9, v10, _ =	vpop (xrf1)  }
0x1d: {  	v9 =	vperm.xlane v9, v4;
	vm1 =	vge.f32 v7, v5  }
0x1e: {  	v10 =	vperm.xlane v10, v4;
	v5 =	vsel vm1, v7, v5;
	v6 =	vsel vm1, v8, v6;
	v7, v8, _ =	vpop (xrf1)  }
0x1f: {  	vm1 =	vge.f32 v7, v9;
	(xrf1) =	vsort.dscd.msk.f32 $0xffff, v5, v6  }
0x20: {  	v5 =	vsel vm1, v7, v9;
	v6 =	vsel vm1, v8, v10  }
0x21: {  	(xrf1) =	vsort.dscd.msk.f32 $0xffff, v5, v6;
	_ =	sdelay $0xb  }
0x22: {  	v5, v6, _ =	vpop (xrf1)  }
0x23: {  	v5 =	vperm.xlane v5, v4  }
0x24: {  	v6 =	vperm.xlane v6, v4;
	v7, v8, _ =	vpop (xrf1)  }
0x25: {  	vm1 =	vge.f32 v7, v5  }
0x26: {  	v5 =	vsel vm1, v7, v5;
	v6 =	vsel vm1, v8, v6  }
0x27: {  	(xrf1) =	vsort.dscd.msk.f32 $0xffff, v5, v6;
	_ =	sdelay $0xd  }
0x28: {  	s17 =	sshra.s32 s14, $0x2;
	s14 =	smov.u32 s16;
	v5, v6, _ =	vpop (xrf1)  }
0x29: {  	[tilespmem:s17+$0x1280] =	vst.msk $0xff, v6;
	(xrf0) =	vmax.scan.msk.f32 $0xffff, v5;
	_ =	sdelay $0x5  }
0x2a: {  	v6, _, _ =	vpop (xrf0)  }
0x2b: {  	v6 =	vbroadcast v6, $0xF;
	_ =	sdelay $0x1  }
0x2c: {  	v5 =	vsub.f32 v5, v6;
	_ =	sdelay $0x1  }
0x2d: {  	v5 =	vmul.f32 $1.442695020e+00, v5;
	_ =	sdelay $0x1  }
0x2e: {  	(erf) = vpow2.f32 v5;
	_ =	sdelay $0x8  }
0x2f: {  	v5 =	vpop (erf)  }
0x30: {  	v5 =	vnsel vm0, $0x0, v5  }
0x31: {  	(xrf2) =	vadd.scan.msk.f32 $0xffff, v5;
	_ =	sdelay $0x9  }
0x32: {  	v6, _, _ =	vpop (xrf2)  }
0x33: {  	v6 =	vbroadcast v6, $0xF;
	_ =	sdelay $0x1  }
0x34: {  	(erf) = vrcp.f32 v6;
	_ =	sdelay $0x8  }
.Ltmp0:
0x35: {  	v6 =	vpop (erf);
	(pc) =	sbr.rel @p0 .LBB2_2-.Ltmp0, $3  }
0x36: {  	v5 =	vmul.f32 v6, v5;
	_ =	sdelay $0x1  }
0x37: {  	s15 =	sadd.s32 $0x40, s15;
	[tilespmem:s17+$0x1000] =	vst.msk $0xff, v5  }
0x38: {  	s16 =	sadd.s32 $0x20, s16;
	v5 =	vld [tilespmem:s15+$0x10]  }
0x39: {  	v6 =	vld [tilespmem:s15+$0x0]  }
0x3a: {  	v7 =	vld [tilespmem:s15+$0xFFFFFFF0];
	_ =	sdelay $0x1  }
0x3b: {  	v8 =	vld [tilespmem:s15+$0xFFFFFFE0]  }
0x3c: {  	(xrf1) =	vsort.dscd.msk.f32 $0xffff, v5, v3  }
0x3d: {  	(xrf1) =	vsort.dscd.msk.f32 $0xffff, v6, v2  }
0x3e: {  	(xrf1) =	vsort.dscd.msk.f32 $0xffff, v7, v1;
	_ =	sdelay $0x1  }
0x3f: {  	(xrf1) =	vsort.dscd.msk.f32 $0xffff, v8, v0;
	_ =	sdelay $0x9  }
0x40: {  	v5, v6, _ =	vpop (xrf1)  }
0x41: {  	v5 =	vperm.xlane v5, v4;
	v7, v61, _ =	vpop (xrf1)  }
0x42: {  	v6 =	vperm.xlane v6, v4;
	v9, v10, _ =	vpop (xrf1)  }
0x43: {  	v9 =	vperm.xlane v9, v4;
	vm1 =	vge.f32 v7, v5  }
0x44: {  	v10 =	vperm.xlane v10, v4;
	v5 =	vsel vm1, v7, v5;
	v6 =	vsel vm1, v61, v6;
	v7, v62, _ =	vpop (xrf1)  }
0x45: {  	vm1 =	vge.f32 v7, v9;
	(xrf1) =	vsort.dscd.msk.f32 $0xffff, v5, v6  }
0x46: {  	v5 =	vsel vm1, v7, v9;
	v6 =	vsel vm1, v62, v10  }
0x47: {  	(xrf1) =	vsort.dscd.msk.f32 $0xffff, v5, v6;
	_ =	sdelay $0xb  }
0x48: {  	v5, v6, _ =	vpop (xrf1)  }
0x49: {  	v5 =	vperm.xlane v5, v4  }
0x4a: {  	v6 =	vperm.xlane v6, v4;
	v7, v63, _ =	vpop (xrf1)  }
0x4b: {  	vm1 =	vge.f32 v7, v5  }
0x4c: {  	v5 =	vsel vm1, v7, v5;
	v6 =	vsel vm1, v63, v6  }
0x4d: {  	(xrf1) =	vsort.dscd.msk.f32 $0xffff, v5, v6;
	_ =	sdelay $0xd  }
0x4e: {  	v5, v6, _ =	vpop (xrf1)  }
0x4f: {  	(xrf0) =	vmax.scan.msk.f32 $0xffff, v5;
	_ =	sdelay $0x5  }
0x50: {  	v7, _, _ =	vpop (xrf0)  }
0x51: {  	v7 =	vbroadcast v7, $0xF;
	_ =	sdelay $0x1  }
0x52: {  	v5 =	vsub.f32 v5, v7;
	_ =	sdelay $0x1  }
0x53: {  	v5 =	vmul.f32 $1.442695020e+00, v5;
	_ =	sdelay $0x1  }
0x54: {  	(erf) = vpow2.f32 v5;
	_ =	sdelay $0x8  }
0x55: {  	v5 =	vpop (erf)  }
0x56: {  	v5 =	vnsel vm0, $0x0, v5  }
0x57: {  	(xrf2) =	vadd.scan.msk.f32 $0xffff, v5;
	_ =	sdelay $0x9  }
0x58: {  	v7, _, _ =	vpop (xrf2)  }
0x59: {  	v7 =	vbroadcast v7, $0xF;
	_ =	sdelay $0x1  }
0x5a: {  	(erf) = vrcp.f32 v7;
	_ =	sdelay $0x8  }
0x5b: {  	v7 =	vpop (erf)  }
0x5c: {  	s14 =	sshra.s32 s14, $0x2;
	v5 =	vmul.f32 v7, v5  }
0x5d: {  	[tilespmem:s14+$0x1280] =	vst.msk $0xff, v6  }
0x5e: {  	[tilespmem:s14+$0x1000] =	vst.msk $0xff, v5;
	s14 =	simm.s32 $0x0  }
0x5f: {  	[hbm4b:s4+s14] =	stream.linear.scatter [tilespmem:s11], [sflag:$0x1], $0x200, $0x38;
	[tilespmem:$0x1500] =	vst v63  }
0x60: {  	_ =	swait.ge [sflag:s10], $0x200  }
0x61: {  	[sflag:s10] =	ssyncset.done $0x0  }
0x62: {  	[sflag:s10] =	ssyncadd.s32 $0xFFFFFE00  }
0x63: {  	[hbm4b:s5+s14] =	stream.linear.scatter [tilespmem:s12], [sflag:$0x1], $0x200, $0x38;
	[tilespmem:$0x1500] =	vst v63  }
0x64: {  	_ =	swait.ge [sflag:s10], $0x200  }
0x65: {  	[sflag:s10] =	ssyncset.done $0x0  }
0x66: {  	[sflag:s10] =	ssyncadd.s32 $0xFFFFFE00  }
0x67: {  	[tilespmem:s14], [sflag:$0x1] =	stream.linear.gather [hbm4b:s6+s14], $0x1000, $0x38;
	[tilespmem:$0x1500] =	vst v63  }
0x68: {  	_ =	swait.ge [sflag:s10], $0x1000  }
0x69: {  	[sflag:s10] =	ssyncset.done $0x0  }
0x6a: {  	s15 =	simm.s32 $0x20;
	[sflag:s10] =	ssyncadd.s32 $0xFFFFF000  }
0x6b: {  	s16 =	simm.s32 $0x20;
	v5 =	vld [tilespmem:s15+$0x10]  }
.LBB2_4:
0x6c: {  	p0 =	sne.s32 s16, $0x7E0;
	v6 =	vld [tilespmem:s15+$0x0]  }
0x6d: {  	v7 =	vld [tilespmem:s15+$0xFFFFFFF0];
	_ =	sdelay $0x1  }
0x6e: {  	v8 =	vld [tilespmem:s15+$0xFFFFFFE0]  }
0x6f: {  	(xrf1) =	vsort.dscd.msk.f32 $0xffff, v5, v3  }
0x70: {  	(xrf1) =	vsort.dscd.msk.f32 $0xffff, v6, v2  }
0x71: {  	(xrf1) =	vsort.dscd.msk.f32 $0xffff, v7, v1;
	_ =	sdelay $0x1  }
0x72: {  	(xrf1) =	vsort.dscd.msk.f32 $0xffff, v8, v0;
	_ =	sdelay $0x9  }
0x73: {  	v5, v6, _ =	vpop (xrf1)  }
0x74: {  	v5 =	vperm.xlane v5, v4;
	v7, v8, _ =	vpop (xrf1)  }
0x75: {  	v6 =	vperm.xlane v6, v4;
	v9, v10, _ =	vpop (xrf1)  }
0x76: {  	v9 =	vperm.xlane v9, v4;
	vm1 =	vge.f32 v7, v5  }
0x77: {  	v10 =	vperm.xlane v10, v4;
	v5 =	vsel vm1, v7, v5;
	v6 =	vsel vm1, v8, v6;
	v7, v8, _ =	vpop (xrf1)  }
0x78: {  	vm1 =	vge.f32 v7, v9;
	(xrf1) =	vsort.dscd.msk.f32 $0xffff, v5, v6  }
0x79: {  	v5 =	vsel vm1, v7, v9;
	v6 =	vsel vm1, v8, v10  }
0x7a: {  	(xrf1) =	vsort.dscd.msk.f32 $0xffff, v5, v6;
	_ =	sdelay $0xb  }
0x7b: {  	v5, v6, _ =	vpop (xrf1)  }
0x7c: {  	v5 =	vperm.xlane v5, v4  }
0x7d: {  	v6 =	vperm.xlane v6, v4;
	v7, v8, _ =	vpop (xrf1)  }
0x7e: {  	vm1 =	vge.f32 v7, v5  }
0x7f: {  	v5 =	vsel vm1, v7, v5;
	v6 =	vsel vm1, v8, v6  }
0x80: {  	(xrf1) =	vsort.dscd.msk.f32 $0xffff, v5, v6;
	_ =	sdelay $0xd  }
0x81: {  	s17 =	sshra.s32 s14, $0x2;
	s14 =	smov.u32 s16;
	v5, v6, _ =	vpop (xrf1)  }
0x82: {  	[tilespmem:s17+$0x1280] =	vst.msk $0xff, v6;
	(xrf0) =	vmax.scan.msk.f32 $0xffff, v5;
	_ =	sdelay $0x5  }
0x83: {  	v6, _, _ =	vpop (xrf0)  }
0x84: {  	v6 =	vbroadcast v6, $0xF;
	_ =	sdelay $0x1  }
0x85: {  	v5 =	vsub.f32 v5, v6;
	_ =	sdelay $0x1  }
0x86: {  	v5 =	vmul.f32 $1.442695020e+00, v5;
	_ =	sdelay $0x1  }
0x87: {  	(erf) = vpow2.f32 v5;
	_ =	sdelay $0x8  }
0x88: {  	v5 =	vpop (erf)  }
0x89: {  	v5 =	vnsel vm0, $0x0, v5  }
0x8a: {  	(xrf2) =	vadd.scan.msk.f32 $0xffff, v5;
	_ =	sdelay $0x9  }
0x8b: {  	v6, _, _ =	vpop (xrf2)  }
0x8c: {  	v6 =	vbroadcast v6, $0xF;
	_ =	sdelay $0x1  }
0x8d: {  	(erf) = vrcp.f32 v6;
	_ =	sdelay $0x8  }
.Ltmp1:
0x8e: {  	v6 =	vpop (erf);
	(pc) =	sbr.rel @p0 .LBB2_4-.Ltmp1, $3  }
0x8f: {  	v5 =	vmul.f32 v6, v5;
	_ =	sdelay $0x1  }
0x90: {  	s15 =	sadd.s32 $0x40, s15;
	[tilespmem:s17+$0x1000] =	vst.msk $0xff, v5  }
0x91: {  	s16 =	sadd.s32 $0x20, s16;
	v5 =	vld [tilespmem:s15+$0x10]  }
0x92: {  	v6 =	vld [tilespmem:s15+$0x0]  }
0x93: {  	v7 =	vld [tilespmem:s15+$0xFFFFFFF0];
	_ =	sdelay $0x1  }
0x94: {  	v8 =	vld [tilespmem:s15+$0xFFFFFFE0]  }
0x95: {  	(xrf1) =	vsort.dscd.msk.f32 $0xffff, v5, v3  }
0x96: {  	(xrf1) =	vsort.dscd.msk.f32 $0xffff, v6, v2  }
0x97: {  	(xrf1) =	vsort.dscd.msk.f32 $0xffff, v7, v1;
	_ =	sdelay $0x1  }
0x98: {  	(xrf1) =	vsort.dscd.msk.f32 $0xffff, v8, v0;
	_ =	sdelay $0x9  }
0x99: {  	v5, v6, _ =	vpop (xrf1)  }
0x9a: {  	v5 =	vperm.xlane v5, v4;
	v7, v61, _ =	vpop (xrf1)  }
0x9b: {  	v6 =	vperm.xlane v6, v4;
	v9, v10, _ =	vpop (xrf1)  }
0x9c: {  	v9 =	vperm.xlane v9, v4;
	vm1 =	vge.f32 v7, v5  }
0x9d: {  	v10 =	vperm.xlane v10, v4;
	v5 =	vsel vm1, v7, v5;
	v6 =	vsel vm1, v61, v6;
	v7, v62, _ =	vpop (xrf1)  }
0x9e: {  	vm1 =	vge.f32 v7, v9;
	(xrf1) =	vsort.dscd.msk.f32 $0xffff, v5, v6  }
0x9f: {  	v5 =	vsel vm1, v7, v9;
	v6 =	vsel vm1, v62, v10  }
0xa0: {  	(xrf1) =	vsort.dscd.msk.f32 $0xffff, v5, v6;
	_ =	sdelay $0xb  }
0xa1: {  	v5, v6, _ =	vpop (xrf1)  }
0xa2: {  	v5 =	vperm.xlane v5, v4  }
0xa3: {  	v6 =	vperm.xlane v6, v4;
	v7, v63, _ =	vpop (xrf1)  }
0xa4: {  	vm1 =	vge.f32 v7, v5  }
0xa5: {  	v5 =	vsel vm1, v7, v5;
	v6 =	vsel vm1, v63, v6  }
0xa6: {  	(xrf1) =	vsort.dscd.msk.f32 $0xffff, v5, v6;
	_ =	sdelay $0xd  }
0xa7: {  	v5, v6, _ =	vpop (xrf1)  }
0xa8: {  	(xrf0) =	vmax.scan.msk.f32 $0xffff, v5;
	_ =	sdelay $0x5  }
0xa9: {  	v7, _, _ =	vpop (xrf0)  }
0xaa: {  	v7 =	vbroadcast v7, $0xF;
	_ =	sdelay $0x1  }
0xab: {  	v5 =	vsub.f32 v5, v7;
	_ =	sdelay $0x1  }
0xac: {  	v5 =	vmul.f32 $1.442695020e+00, v5;
	_ =	sdelay $0x1  }
0xad: {  	(erf) = vpow2.f32 v5;
	_ =	sdelay $0x8  }
0xae: {  	v5 =	vpop (erf)  }
0xaf: {  	v5 =	vnsel vm0, $0x0, v5  }
0xb0: {  	(xrf2) =	vadd.scan.msk.f32 $0xffff, v5;
	_ =	sdelay $0x9  }
0xb1: {  	v7, _, _ =	vpop (xrf2)  }
0xb2: {  	v7 =	vbroadcast v7, $0xF;
	_ =	sdelay $0x1  }
0xb3: {  	(erf) = vrcp.f32 v7;
	_ =	sdelay $0x8  }
0xb4: {  	v7 =	vpop (erf)  }
0xb5: {  	s14 =	sshra.s32 s14, $0x2;
	v5 =	vmul.f32 v7, v5  }
0xb6: {  	[tilespmem:s14+$0x1280] =	vst.msk $0xff, v6  }
0xb7: {  	[tilespmem:s14+$0x1000] =	vst.msk $0xff, v5  }
0xb8: {  	[hbm4b:s7+s2] =	stream.linear.scatter [tilespmem:s11], [sflag:$0x1], $0x200, $0x38;
	[tilespmem:$0x1500] =	vst v63  }
0xb9: {  	s13 =	sadd.s32 $0x1, s13;
	_ =	swait.ge [sflag:s10], $0x200  }
0xba: {  	p0 =	sne.s32 s13, s9;
	[sflag:s10] =	ssyncset.done $0x0  }
.Ltmp2:
0xbb: {  	[sflag:s10] =	ssyncadd.s32 $0xFFFFFE00;
	(pc) =	sbr.rel @p0 .LBB2_1-.Ltmp2, $4  }
0xbc: {  	[hbm4b:s8+s2] =	stream.linear.scatter [tilespmem:s12], [sflag:$0x1], $0x200, $0x38;
	[tilespmem:$0x1500] =	vst v63  }
0xbd: {  	_ =	swait.ge [sflag:s10], $0x200  }
0xbe: {  	[sflag:s10] =	ssyncset.done $0x0  }
0xbf: {  	[sflag:s10] =	ssyncadd.s32 $0xFFFFFE00  }
0xc0: {  	_ =	sfence.sel $0x180000  }
0xc1: {  	[bflag:$0x0] =	sbarrier.arrive $0xFFFF  }
0xc2: {  	p0 =	sne.s32 s1, $0x0;
	_ =	strace $0x90000050  }
0xc3: {  	s0 =	sadd.s32 @!p0 $0x100000, s0;
	[bflag:$0x2] =	sbarrier.arrive $0xFFFF  }
0xc4: {  	[sflag:s0] =	ssyncadd.tile.s32 @!p0 $0x1;
	_ =	shalt  }
.Lfunc_end2:
_tile_overlayer_lowered:
.L_overlay_start_2:
0xc5: {  	(tag) =	ssettag $0x2  }
0xc6: {  	s0 =	rddreg [dreg:$0x0];
	s2 =	stileid.u32  }
0xc7: {  	s1 =	rddreg [dreg:$0x1];
	p0 =	sne.s32 s2, $0x0  }
0xc8: {  	s3 =	rddreg [dreg:$0x2];
	[bflag:$0x3] =	sbarrier.arrive $0xFFFF;
	s2 =	simm.s32 @!p0 $0x1C01  }
0xc9: {  	[timem:s3], [sflag:s2] =	dma.local @!p0 [hbm:s0], s1  }
0xca: {  	s0 =	simm.s32 @!p0 $0x1  }
0xcb: {  	_ =	swait.ge @!p0 [sflag:s0], s1  }
0xcc: {  	s1 =	ssub.s32 @!p0 $0x0, s1;
	[sflag:s0] =	ssyncset.done @!p0 $0x0  }
0xcd: {  	[sflag:s0] =	ssyncadd.s32 @!p0 s1  }
0xce: {  	[bflag:$0x3] =	sbarrier.arrive $0xFFFF  }
0xcf: {  	_ =	shalt  }

// kernel: kernel.13.cloned.1.call-start
scs
__scs_entry_jumppad:
0x0: {  	(pc) =	sbr.rel $0x88, $3  }
0x1: {  	(tag) =	ssettag $0x0;
	lr =	simm.s32 $0x1  }
0x2: {  	[smem:$0x3F9F] =	sst lr;
	_ =	strace $0xD0000000  }
0x3: {  	_ = 	snop  }
0x4: {  	_ = 	snop  }
0x5: {  	_ = 	snop  }
0x6: {  	_ = 	snop  }
0x7: {  	_ = 	snop  }
__scs_overlays_trampoline_lowered:
0x8: {  	[smem:$0x3FAE] =	sst s0  }
0x9: {  	[smem:$0x3FAF] =	sst s1  }
0xa: {  	[smem:$0x3FB0] =	sst s2  }
0xb: {  	[smem:$0x3FB1] =	sst s3  }
0xc: {  	[smem:$0x3FB2] =	sst s4  }
0xd: {  	[smem:$0x3FB3] =	sst s5  }
0xe: {  	[smem:$0x3FB4] =	sst s6  }
0xf: {  	[smem:$0x3FB5] =	sst s7  }
0x10: {  	[smem:$0x3FB6] =	sst s8  }
0x11: {  	[smem:$0x3FB7] =	sst s9;
	s0 =	simm.s32 @!p0 $0x0  }
0x12: {  	s1 =	sld [smem:$0x3F9D];
	s0 =	simm.s32 @p0 $0x1  }
0x13: {  	[smem:$0x3FB8] =	sst s0;
	s0 =	simm.s32 @!p1 $0x0  }
0x14: {  	s2 =	sld [smem:$0x3F9C];
	s0 =	simm.s32 @p1 $0x1  }
0x15: {  	[smem:$0x3FB9] =	sst s0;
	s0 =	simm.s32 @!p2 $0x0  }
0x16: {  	s3 =	sld [smem:$0x3FDB];
	s0 =	simm.s32 @p2 $0x1  }
0x17: {  	s4 =	simm.s32 $0x1BF5;
	[smem:$0x3FBB] =	sst s0  }
0x18: {  	s0 =	sld [smem:$0x3F9E];
	_ =	swait.ge [sflag:s4], $0x0  }
0x19: {  	s7 =	sld [smem:$0x3F9F]  }
0x1a: {  	s8 =	sadd.s32 $0xFFFFE003, lr  }
0x1b: {  	s9 =	sadd.s32 $0xFFFFFEF7, lr;
	s5 =	simm.s32 $0xFFFFFFFF;
	p2 =	slt.u32 s8, $0xFFFFF086  }
0x1c: {  	p1 =	slt.u32 s9, $0xF7A;
	s5 =	simm.s32 @!p2 $0x0  }
0x1d: {  	s5 =	simm.s32 @p1 $0x1;
	p0 =	seq.s32 s7, s2  }
0x1e: {  	s7 =	smul.u32 @!p0 $0xF7A, s2;
	p2 =	seq.s32 @!p0 s5, $0x0  }
0x1f: {  	s9 =	smul.u32 $0xF7A, s1;
	s8 =	simm.s32 @!p0 $0x1BF5;
	p2 =	por !p2, p0  }
0x20: {  	[sflag:s8] =	ssyncset.s32 @!p0 $0xFFFFF086;
	s6 =	sadd.s32 @!p0 s3, s7;
	s7 =	simm.s32 @!p0 $0x108  }
0x21: {  	s3 =	sadd.s32 s3, s9;
	s6 =	sadd.s32 @!p0 $0x88, s6;
	s7 =	simm.s32 @p2 $0x1082  }
0x22: {  	[simem:s7], [sflag:s8] =	dma.local @!p0 [hbm:s6], $0xF7A  }
0x23: {  	s9 =	sor.u32 $0xD0000000, s2;
	s6 =	simm.s32 $0x108;
	_ =	swait.ge @!p0 [sflag:s8], $0x0  }
0x24: {  	s3 =	sadd.s32 $0x88, s3;
	s6 =	simm.s32 @!p1 $0x1082;
	[sflag:s4] =	ssyncset.s32 $0xFFFFF086  }
0x25: {  	[simem:s6], [sflag:s4] =	dma.local [hbm:s3], $0xF7A  }
0x26: {  	[smem:$0x3F9F] =	sst s1;
	(tag) =	ssettag s2;
	_ =	strace s9  }
0x27: {  	s1 =	sld [smem:$0x3FAF]  }
0x28: {  	s2 =	sld [smem:$0x3FB0]  }
0x29: {  	s4 =	sld [smem:$0x3FB2]  }
0x2a: {  	p0 =	seq.s32 s5, $0x0;
	s5 =	sld [smem:$0x3FB3]  }
0x2b: {  	s6 =	sld [smem:$0x3FB4]  }
0x2c: {  	s7 =	sld [smem:$0x3FB5]  }
0x2d: {  	s3 =	simm.s32 $0x108;
	s8 =	sld [smem:$0x3FB6]  }
0x2e: {  	s3 =	simm.s32 @!p0 $0x1082;
	s9 =	sld [smem:$0x3FB7]  }
0x2f: {  	lr =	sadd.s32 s0, s3;
	s0 =	sld [smem:$0x3FAE]  }
0x30: {  	s3 =	sld [smem:$0x3FB1]  }
0x31: {  	[smem:$0x3FBA] =	sst s10  }
0x32: {  	s10 =	sld [smem:$0x3FB8];
	_ =	sdelay $0x3  }
0x33: {  	p0 =	seq.s32 s10, $0x1;
	s10 =	sld [smem:$0x3FBA];
	_ =	sdelay $0x3  }
0x34: {  	[smem:$0x3FBA] =	sst s10  }
0x35: {  	s10 =	sld [smem:$0x3FB9];
	_ =	sdelay $0x3  }
0x36: {  	p1 =	seq.s32 s10, $0x1;
	s10 =	sld [smem:$0x3FBA];
	_ =	sdelay $0x3  }
0x37: {  	[smem:$0x3FBA] =	sst s10  }
0x38: {  	s10 =	sld [smem:$0x3FBB]  }
0x39: {  	_ = 	snop;
	(pc) =	sbr.ind lr, $3  }
0x3a: {  	_ = 	snop  }
0x3b: {  	_ = 	snop  }
0x3c: {  	p2 =	seq.s32 s10, $0x1;
	s10 =	sld [smem:$0x3FBA]  }
0x3d: {  	_ =	shalt  }
0x3e: {  	_ =	shalt  }
0x3f: {  	_ =	shalt  }
0x40: {  	_ =	shalt  }
0x41: {  	_ =	shalt  }
0x42: {  	_ =	shalt  }
0x43: {  	_ =	shalt  }
0x44: {  	_ =	shalt  }
0x45: {  	_ =	shalt  }
0x46: {  	_ =	shalt  }
0x47: {  	_ =	shalt  }
0x48: {  	_ =	shalt  }
0x49: {  	_ =	shalt  }
0x4a: {  	_ =	shalt  }
0x4b: {  	_ =	shalt  }
0x4c: {  	_ =	shalt  }
0x4d: {  	_ =	shalt  }
0x4e: {  	_ =	shalt  }
0x4f: {  	_ =	shalt  }
0x50: {  	_ =	shalt  }
0x51: {  	_ =	shalt  }
0x52: {  	_ =	shalt  }
0x53: {  	_ =	shalt  }
0x54: {  	_ =	shalt  }
0x55: {  	_ =	shalt  }
0x56: {  	_ =	shalt  }
0x57: {  	_ =	shalt  }
0x58: {  	_ =	shalt  }
0x59: {  	_ =	shalt  }
0x5a: {  	_ =	shalt  }
0x5b: {  	_ =	shalt  }
0x5c: {  	_ =	shalt  }
0x5d: {  	_ =	shalt  }
0x5e: {  	_ =	shalt  }
0x5f: {  	_ =	shalt  }
0x60: {  	_ =	shalt  }
0x61: {  	_ =	shalt  }
0x62: {  	_ =	shalt  }
0x63: {  	_ =	shalt  }
0x64: {  	_ =	shalt  }
0x65: {  	_ =	shalt  }
0x66: {  	_ =	shalt  }
0x67: {  	_ =	shalt  }
0x68: {  	_ =	shalt  }
0x69: {  	_ =	shalt  }
0x6a: {  	_ =	shalt  }
0x6b: {  	_ =	shalt  }
0x6c: {  	_ =	shalt  }
0x6d: {  	_ =	shalt  }
0x6e: {  	_ =	shalt  }
0x6f: {  	_ =	shalt  }
0x70: {  	_ =	shalt  }
0x71: {  	_ =	shalt  }
0x72: {  	_ =	shalt  }
0x73: {  	_ =	shalt  }
0x74: {  	_ =	shalt  }
0x75: {  	_ =	shalt  }
0x76: {  	_ =	shalt  }
0x77: {  	_ =	shalt  }
0x78: {  	_ =	shalt  }
0x79: {  	_ =	shalt  }
0x7a: {  	_ =	shalt  }
0x7b: {  	_ =	shalt  }
0x7c: {  	_ =	shalt  }
0x7d: {  	_ =	shalt  }
0x7e: {  	_ =	shalt  }
0x7f: {  	_ =	shalt  }
0x80: {  	_ =	shalt  }
0x81: {  	_ =	shalt  }
0x82: {  	_ =	shalt  }
0x83: {  	_ =	shalt  }
0x84: {  	_ =	shalt  }
0x85: {  	_ =	shalt  }
0x86: {  	_ =	shalt  }
0x87: {  	_ =	shalt  }
.Lfunc_end0:
.L_simem_size_0:
called_computation.1_lowered:
.L_overlay_start_0:
0x88: {  	s2 =	sld [smem:$0x3FD9]  }
0x89: {  	s3 =	sld [smem:$0x3FFE];
	_ =	sdelay $0x1  }
0x8a: {  	s1 =	srdreg.scid  }
0x8b: {  	s0 =	sand.u32 $0x1, s1  }
0x8c: {  	s17 =	sshll.u32 s0, $0xA;
	s2 =	sadd.s32 s3, s2  }
0x8d: {  	s2 =	sadd.s32 s2, s17  }
0x8e: {  	[smem:$0x3FC6] =	sst s2  }
0x8f: {  	_ = 	snop  }
0x90: {  	(tm) =	ssettm $0x1  }
0x91: {  	s18 =	sld [smem:$0x3FFB];
	_ =	sdelay $0x3  }
0x92: {  	_ =	strace s18  }
0x93: {  	s2 =	sld [smem:$0x3FFC];
	_ =	sdelay $0x3  }
0x94: {  	_ =	strace s2  }
0x95: {  	s2 =	sld [smem:$0x3FFD];
	_ =	sdelay $0x3  }
0x96: {  	_ =	strace s2  }
0x97: {  	_ =	strace $0x8FFFFFFF  }
0x98: {  	s19 =	sld [smem:$0x3FDB];
	_ =	sdelay $0x1  }
0x99: {  	s20 =	simm.s32 $_scs_section_size  }
0x9a: {  	s4 =	simm.s32 $_size__tile_overlayer_lowered;
	s5 =	simm.s32 $_tile_overlayer_lowered  }
0x9b: {  	s6 =	simm.s32 $0x1BFF;
	s21 =	sshll.u32 s5, $0x1;
	s3 =	sadd.s32 s20, s19  }
0x9c: {  	s22 =	simm.s32 $0x0;
	s4 =	sshll.u32 s4, $0x1;
	s5 =	sadd.s32 s21, s3  }
0x9d: {  	[timem:s22], [sflag:s6] =	dma.local [hbm:s5], s4  }
0x9e: {  	_ =	swait.ge [sflag:s6], s4  }
0x9f: {  	s4 =	ssub.s32 $0x0, s4;
	[sflag:s6] =	ssyncset.done $0x0  }
0xa0: {  	[sflag:s6] =	ssyncadd.s32 s4;
	_ =	sdelay $0x1  }
0xa1: {  	s23 =	simm.s32 $0x1B8B  }
0xa2: {  	_ =	swait.ge [sflag:s23], $0x1  }
0xa3: {  	[sflag:s23] =	ssyncset.done $0x0  }
0xa4: {  	[sflag:s23] =	ssyncadd.s32 $0xFFFFFFFF  }
0xa5: {  	s4 =	sld [smem:$0x0]  }
0xa6: {  	s5 =	sand.u32 $0xFFFFFFFE, s1  }
0xa7: {  	p0 =	sne.s32 s1, s5  }
0xa8: {  	s5 =	sshll.u32 @p0 s5, $0xE  }
0xa9: {  	s5 =	sadd.s32 @p0 $0x11B8D, s5;
	s6 =	sshll.u32 @p0 s4, $0x11  }
0xaa: {  	s5 =	sor.u32 @p0 s6, s5  }
0xab: {  	[sflag:s5] =	ssyncadd.remote.s32 @p0 $0x1;
	_ =	sdelay $0x1  }
0xac: {  	s5 =	simm.s32 @p0 $0x1B8D  }
0xad: {  	_ =	swait.eq @p0 [sflag:s5], $0x1  }
0xae: {  	[sflag:s5] =	ssyncadd.s32 @p0 $0xFFFFFFFF  }
0xaf: {  	s6 =	sshll.u32 @!p0 s1, $0xE  }
0xb0: {  	s6 =	sor.u32 @!p0 $0x4000, s6;
	s5 =	simm.s32 @!p0 $0x1B8D  }
0xb1: {  	s4 =	sshll.u32 @!p0 s4, $0x11;
	s6 =	sadd.s32 @!p0 $0x11B8D, s6;
	_ =	swait.eq @!p0 [sflag:s5], $0x1  }
0xb2: {  	s4 =	sor.u32 @!p0 s4, s6;
	[sflag:s5] =	ssyncadd.s32 @!p0 $0xFFFFFFFF  }
0xb3: {  	s25 =	simm.s32 $0x1B8E;
	s24 =	sld [smem:$0x3FFE];
	[sflag:s4] =	ssyncadd.remote.s32 @!p0 $0x1  }
0xb4: {  	s26 =	simm.s32 $execute0_lowered;
	[smem:$0x3FD2] =	sst s25  }
0xb5: {  	s5 =	sshll.u32 s26, $0x1;
	_ =	strace $0x8000004C;
	[dreg:$0x1] =	wrdreg $0xFFFFFFFF  }
0xb6: {  	s28 =	simm.s32 $_size_execute0_lowered;
	s3 =	sadd.s32 s3, s5;
	[dreg:$0x0] =	wrdreg $0x0  }
0xb7: {  	s5 =	sshll.u32 s28, $0x1;
	[dreg:$0x2] =	wrdreg s3  }
0xb8: {  	[dreg:$0x3] =	wrdreg s5  }
0xb9: {  	[dreg:$0x4] =	wrdreg $0xC0  }
0xba: {  	_ =	task [dreg:s22], $0x5FFFF  }
0xbb: {  	[dreg:$0x1] =	wrdreg $0xFFFFFFFF  }
0xbc: {  	[dreg:$0x0] =	wrdreg $0x60  }
0xbd: {  	[dreg:$0x2] =	wrdreg s24  }
0xbe: {  	[dreg:$0x3] =	wrdreg $0xA  }
0xbf: {  	_ =	task.clear_ibuf [dreg:s22], $0x4FFFF;
	_ =	strace $0x9000004C  }
0xc0: {  	s29 =	simm.s32 $0xA;
	_ =	strace $0x8000004E  }
0xc1: {  	_ =	swait.ge [sflag:s29], $0x1  }
0xc2: {  	[sflag:s29] =	ssyncadd.s32 $0xFFFFFFFF  }
0xc3: {  	_ =	strace $0x9000004E  }
0xc4: {  	_ =	sfence  }
0xc5: {  	s30 =	sld [smem:$0x0];
	_ =	sdelay $0x2  }
0xc6: {  	s31 =	sshll.u32 s1, $0xD;
	s1 =	sshrl.u32 s1, $0x2  }
0xc7: {  	s4 =	sand.u32 $0x4000, s31;
	s1 =	sadd.s32 s1, s30  }
0xc8: {  	s0 =	sor.u32 s4, s0;
	s1 =	sshll.u32 s1, $0x11  }
0xc9: {  	s0 =	sor.u32 s1, s0  }
0xca: {  	s0 =	sadd.s32 $0x8F2B, s0  }
0xcb: {  	[sflag:s0] =	ssyncadd.remote.s32 $0x1  }
0xcc: {  	_ =	sfence.sel $0xFFFF  }
0xcd: {  	[dreg:$0x0] =	wrdreg $0xFFFFFFFF;
	(pc) =	sbr.abs _section_cstart, $3  }
0xce: {  	[dreg:$0x1] =	wrdreg $0xFFFFFFFF  }
0xcf: {  	_ =	task.clear_ibuf [dreg:s22], $0x2FFFF;
	_ =	strace $0x9FFFFFFF  }
0xd0: {  	(tm) =	ssettm $0x7FFFFFFF  }
0xd1: {  	_ =	shalt  }
tec
execute0_lowered:
.L_overlay_start_1:
0x0: {  	(tag) =	ssettag $0x1  }
0x1: {  	s3 =	rddreg [dreg:$0x0]  }
0x2: {  	s0 =	rddreg [dreg:$0x1];
	s2 =	simm.s32 $0x0;
	s4 =	srdreg.scid  }
0x3: {  	s1 =	stileid.u32;
	s12 =	simm.s32 $0x1280;
	s13 =	simm.s32 $0x0  }
0x4: {  	[smem:$0x7FF] =	sst s2;
	s6 =	sadd.s32 $0x16800, s3;
	s4 =	sand.u32 $0x1, s4  }
0x5: {  	s5 =	sshll.u32 s1, $0x1;
	s7 =	sadd.s32 $0x1E800, s3;
	s9 =	sadd.s32 $0x1F800, s3  }
0x6: {  	_ =	strace $0x8000004D;
	s8 =	ssub.s32 $0x2, s4;
	s4 =	sor.u32 s4, s5  }
0x7: {  	s29 =	sshrl.u32 s8, $0x1;
	s5 =	sshll.u32 s4, $0x7;
	s30 =	sshll.u32 s4, $0xA  }
0x8: {  	v0 =	vlaneseq.u32;
	s10 =	ssub.s32 s8, s29;
	s31 =	sor.u32 $0x40, s5;
	s3 =	sadd.s32 s6, s30  }
0x9: {  	v4 =	vmul.u32 $0xFFFFFFFF, v0;
	s4 =	sadd.s32 s7, s5;
	s5 =	sadd.s32 s9, s5;
	s11 =	sshll.u32 s31, $0x3  }
0xa: {  	vm0 =	vmmov $0xff;
	v1 =	vor.u32 $0x10, v0;
	s7 =	sadd.s32 s7, s31;
	s8 =	sadd.s32 s9, s31;
	s9 =	smax.u32 s10, $0x1  }
0xb: {  	v2 =	vor.u32 $0x20, v0;
	v3 =	vor.u32 $0x30, v0;
	v4 =	vadd.s32 $0xF, v4;
	s10 =	simm.s32 $0x1;
	s6 =	sadd.s32 s6, s11;
	s11 =	simm.s32 $0x1000  }
.LBB2_1:
0xc: {  	[tilespmem:s2], [sflag:$0x1] =	stream.linear.gather [hbm4b:s3+s2], $0x1000, $0x38;
	[tilespmem:$0x1500] =	vst v63  }
0xd: {  	_ =	swait.ge [sflag:s10], $0x1000  }
0xe: {  	[sflag:s10] =	ssyncset.done $0x0  }
0xf: {  	s15 =	simm.s32 $0x20;
	[sflag:s10] =	ssyncadd.s32 $0xFFFFF000  }
0x10: {  	s16 =	simm.s32 $0x20;
	s14 =	simm.s32 $0x0;
	v5 =	vld [tilespmem:s15+$0x10]  }
.LBB2_2:
0x11: {  	p0 =	sne.s32 s16, $0x7E0;
	v6 =	vld [tilespmem:s15+$0x0]  }
0x12: {  	v7 =	vld [tilespmem:s15+$0xFFFFFFF0];
	_ =	sdelay $0x1  }
0x13: {  	v8 =	vld [tilespmem:s15+$0xFFFFFFE0]  }
0x14: {  	(xrf1) =	vsort.dscd.msk.f32 $0xffff, v5, v3  }
0x15: {  	(xrf1) =	vsort.dscd.msk.f32 $0xffff, v6, v2  }
0x16: {  	(xrf1) =	vsort.dscd.msk.f32 $0xffff, v7, v1;
	_ =	sdelay $0x1  }
0x17: {  	(xrf1) =	vsort.dscd.msk.f32 $0xffff, v8, v0;
	_ =	sdelay $0x9  }
0x18: {  	v5, v6, _ =	vpop (xrf1)  }
0x19: {  	v5 =	vperm.xlane v5, v4;
	v7, v8, _ =	vpop (xrf1)  }
0x1a: {  	v6 =	vperm.xlane v6, v4;
	v9, v10, _ =	vpop (xrf1)  }
0x1b: {  	v9 =	vperm.xlane v9, v4;
	vm1 =	vge.f32 v7, v5  }
0x1c: {  	v10 =	vperm.xlane v10, v4;
	v5 =	vsel vm1, v7, v5;
	v6 =	vsel vm1, v8, v6;
	v7, v8, _ =	vpop (xrf1)  }
0x1d: {  	vm1 =	vge.f32 v7, v9;
	(xrf1) =	vsort.dscd.msk.f32 $0xffff, v5, v6  }
0x1e: {  	v5 =	vsel vm1, v7, v9;
	v6 =	vsel vm1, v8, v10  }
0x1f: {  	(xrf1) =	vsort.dscd.msk.f32 $0xffff, v5, v6;
	_ =	sdelay $0xb  }
0x20: {  	v5, v6, _ =	vpop (xrf1)  }
0x21: {  	v5 =	vperm.xlane v5, v4  }
0x22: {  	v6 =	vperm.xlane v6, v4;
	v7, v8, _ =	vpop (xrf1)  }
0x23: {  	vm1 =	vge.f32 v7, v5  }
0x24: {  	v5 =	vsel vm1, v7, v5;
	v6 =	vsel vm1, v8, v6  }
0x25: {  	(xrf1) =	vsort.dscd.msk.f32 $0xffff, v5, v6;
	_ =	sdelay $0xd  }
0x26: {  	s17 =	sshra.s32 s14, $0x2;
	s14 =	smov.u32 s16;
	v5, v6, _ =	vpop (xrf1)  }
0x27: {  	[tilespmem:s17+$0x1280] =	vst.msk $0xff, v6;
	(xrf0) =	vmax.scan.msk.f32 $0xffff, v5;
	_ =	sdelay $0x5  }
0x28: {  	v6, _, _ =	vpop (xrf0)  }
0x29: {  	v6 =	vbroadcast v6, $0xF;
	_ =	sdelay $0x1  }
0x2a: {  	v5 =	vsub.f32 v5, v6;
	_ =	sdelay $0x1  }
0x2b: {  	v5 =	vmul.f32 $1.442695020e+00, v5;
	_ =	sdelay $0x1  }
0x2c: {  	(erf) = vpow2.f32 v5;
	_ =	sdelay $0x8  }
0x2d: {  	v5 =	vpop (erf)  }
0x2e: {  	v5 =	vnsel vm0, $0x0, v5  }
0x2f: {  	(xrf2) =	vadd.scan.msk.f32 $0xffff, v5;
	_ =	sdelay $0x9  }
0x30: {  	v6, _, _ =	vpop (xrf2)  }
0x31: {  	v6 =	vbroadcast v6, $0xF;
	_ =	sdelay $0x1  }
0x32: {  	(erf) = vrcp.f32 v6;
	_ =	sdelay $0x8  }
.Ltmp0:
0x33: {  	v6 =	vpop (erf);
	(pc) =	sbr.rel @p0 .LBB2_2-.Ltmp0, $3  }
0x34: {  	v5 =	vmul.f32 v6, v5;
	_ =	sdelay $0x1  }
0x35: {  	s15 =	sadd.s32 $0x40, s15;
	[tilespmem:s17+$0x1000] =	vst.msk $0xff, v5  }
0x36: {  	s16 =	sadd.s32 $0x20, s16;
	v5 =	vld [tilespmem:s15+$0x10]  }
0x37: {  	v6 =	vld [tilespmem:s15+$0x0]  }
0x38: {  	v7 =	vld [tilespmem:s15+$0xFFFFFFF0];
	_ =	sdelay $0x1  }
0x39: {  	v8 =	vld [tilespmem:s15+$0xFFFFFFE0]  }
0x3a: {  	(xrf1) =	vsort.dscd.msk.f32 $0xffff, v5, v3  }
0x3b: {  	(xrf1) =	vsort.dscd.msk.f32 $0xffff, v6, v2  }
0x3c: {  	(xrf1) =	vsort.dscd.msk.f32 $0xffff, v7, v1;
	_ =	sdelay $0x1  }
0x3d: {  	(xrf1) =	vsort.dscd.msk.f32 $0xffff, v8, v0;
	_ =	sdelay $0x9  }
0x3e: {  	v5, v6, _ =	vpop (xrf1)  }
0x3f: {  	v5 =	vperm.xlane v5, v4;
	v7, v61, _ =	vpop (xrf1)  }
0x40: {  	v6 =	vperm.xlane v6, v4;
	v9, v10, _ =	vpop (xrf1)  }
0x41: {  	v9 =	vperm.xlane v9, v4;
	vm1 =	vge.f32 v7, v5  }
0x42: {  	v10 =	vperm.xlane v10, v4;
	v5 =	vsel vm1, v7, v5;
	v6 =	vsel vm1, v61, v6;
	v7, v62, _ =	vpop (xrf1)  }
0x43: {  	vm1 =	vge.f32 v7, v9;
	(xrf1) =	vsort.dscd.msk.f32 $0xffff, v5, v6  }
0x44: {  	v5 =	vsel vm1, v7, v9;
	v6 =	vsel vm1, v62, v10  }
0x45: {  	(xrf1) =	vsort.dscd.msk.f32 $0xffff, v5, v6;
	_ =	sdelay $0xb  }
0x46: {  	v5, v6, _ =	vpop (xrf1)  }
0x47: {  	v5 =	vperm.xlane v5, v4  }
0x48: {  	v6 =	vperm.xlane v6, v4;
	v7, v63, _ =	vpop (xrf1)  }
0x49: {  	vm1 =	vge.f32 v7, v5  }
0x4a: {  	v5 =	vsel vm1, v7, v5;
	v6 =	vsel vm1, v63, v6  }
0x4b: {  	(xrf1) =	vsort.dscd.msk.f32 $0xffff, v5, v6;
	_ =	sdelay $0xd  }
0x4c: {  	v5, v6, _ =	vpop (xrf1)  }
0x4d: {  	(xrf0) =	vmax.scan.msk.f32 $0xffff, v5;
	_ =	sdelay $0x5  }
0x4e: {  	v7, _, _ =	vpop (xrf0)  }
0x4f: {  	v7 =	vbroadcast v7, $0xF;
	_ =	sdelay $0x1  }
0x50: {  	v5 =	vsub.f32 v5, v7;
	_ =	sdelay $0x1  }
0x51: {  	v5 =	vmul.f32 $1.442695020e+00, v5;
	_ =	sdelay $0x1  }
0x52: {  	(erf) = vpow2.f32 v5;
	_ =	sdelay $0x8  }
0x53: {  	v5 =	vpop (erf)  }
0x54: {  	v5 =	vnsel vm0, $0x0, v5  }
0x55: {  	(xrf2) =	vadd.scan.msk.f32 $0xffff, v5;
	_ =	sdelay $0x9  }
0x56: {  	v7, _, _ =	vpop (xrf2)  }
0x57: {  	v7 =	vbroadcast v7, $0xF;
	_ =	sdelay $0x1  }
0x58: {  	(erf) = vrcp.f32 v7;
	_ =	sdelay $0x8  }
0x59: {  	v7 =	vpop (erf)  }
0x5a: {  	s14 =	sshra.s32 s14, $0x2;
	v5 =	vmul.f32 v7, v5  }
0x5b: {  	[tilespmem:s14+$0x1280] =	vst.msk $0xff, v6  }
0x5c: {  	[tilespmem:s14+$0x1000] =	vst.msk $0xff, v5;
	s14 =	simm.s32 $0x0  }
0x5d: {  	[hbm4b:s4+s14] =	stream.linear.scatter [tilespmem:s11], [sflag:$0x1], $0x200, $0x38;
	[tilespmem:$0x1500] =	vst v63  }
0x5e: {  	_ =	swait.ge [sflag:s10], $0x200  }
0x5f: {  	[sflag:s10] =	ssyncset.done $0x0  }
0x60: {  	[sflag:s10] =	ssyncadd.s32 $0xFFFFFE00  }
0x61: {  	[hbm4b:s5+s14] =	stream.linear.scatter [tilespmem:s12], [sflag:$0x1], $0x200, $0x38;
	[tilespmem:$0x1500] =	vst v63  }
0x62: {  	_ =	swait.ge [sflag:s10], $0x200  }
0x63: {  	[sflag:s10] =	ssyncset.done $0x0  }
0x64: {  	[sflag:s10] =	ssyncadd.s32 $0xFFFFFE00  }
0x65: {  	[tilespmem:s14], [sflag:$0x1] =	stream.linear.gather [hbm4b:s6+s14], $0x1000, $0x38;
	[tilespmem:$0x1500] =	vst v63  }
0x66: {  	_ =	swait.ge [sflag:s10], $0x1000  }
0x67: {  	[sflag:s10] =	ssyncset.done $0x0  }
0x68: {  	s15 =	simm.s32 $0x20;
	[sflag:s10] =	ssyncadd.s32 $0xFFFFF000  }
0x69: {  	s16 =	simm.s32 $0x20;
	v5 =	vld [tilespmem:s15+$0x10]  }
.LBB2_4:
0x6a: {  	p0 =	sne.s32 s16, $0x7E0;
	v6 =	vld [tilespmem:s15+$0x0]  }
0x6b: {  	v7 =	vld [tilespmem:s15+$0xFFFFFFF0];
	_ =	sdelay $0x1  }
0x6c: {  	v8 =	vld [tilespmem:s15+$0xFFFFFFE0]  }
0x6d: {  	(xrf1) =	vsort.dscd.msk.f32 $0xffff, v5, v3  }
0x6e: {  	(xrf1) =	vsort.dscd.msk.f32 $0xffff, v6, v2  }
0x6f: {  	(xrf1) =	vsort.dscd.msk.f32 $0xffff, v7, v1;
	_ =	sdelay $0x1  }
0x70: {  	(xrf1) =	vsort.dscd.msk.f32 $0xffff, v8, v0;
	_ =	sdelay $0x9  }
0x71: {  	v5, v6, _ =	vpop (xrf1)  }
0x72: {  	v5 =	vperm.xlane v5, v4;
	v7, v8, _ =	vpop (xrf1)  }
0x73: {  	v6 =	vperm.xlane v6, v4;
	v9, v10, _ =	vpop (xrf1)  }
0x74: {  	v9 =	vperm.xlane v9, v4;
	vm1 =	vge.f32 v7, v5  }
0x75: {  	v10 =	vperm.xlane v10, v4;
	v5 =	vsel vm1, v7, v5;
	v6 =	vsel vm1, v8, v6;
	v7, v8, _ =	vpop (xrf1)  }
0x76: {  	vm1 =	vge.f32 v7, v9;
	(xrf1) =	vsort.dscd.msk.f32 $0xffff, v5, v6  }
0x77: {  	v5 =	vsel vm1, v7, v9;
	v6 =	vsel vm1, v8, v10  }
0x78: {  	(xrf1) =	vsort.dscd.msk.f32 $0xffff, v5, v6;
	_ =	sdelay $0xb  }
0x79: {  	v5, v6, _ =	vpop (xrf1)  }
0x7a: {  	v5 =	vperm.xlane v5, v4  }
0x7b: {  	v6 =	vperm.xlane v6, v4;
	v7, v8, _ =	vpop (xrf1)  }
0x7c: {  	vm1 =	vge.f32 v7, v5  }
0x7d: {  	v5 =	vsel vm1, v7, v5;
	v6 =	vsel vm1, v8, v6  }
0x7e: {  	(xrf1) =	vsort.dscd.msk.f32 $0xffff, v5, v6;
	_ =	sdelay $0xd  }
0x7f: {  	s17 =	sshra.s32 s14, $0x2;
	s14 =	smov.u32 s16;
	v5, v6, _ =	vpop (xrf1)  }
0x80: {  	[tilespmem:s17+$0x1280] =	vst.msk $0xff, v6;
	(xrf0) =	vmax.scan.msk.f32 $0xffff, v5;
	_ =	sdelay $0x5  }
0x81: {  	v6, _, _ =	vpop (xrf0)  }
0x82: {  	v6 =	vbroadcast v6, $0xF;
	_ =	sdelay $0x1  }
0x83: {  	v5 =	vsub.f32 v5, v6;
	_ =	sdelay $0x1  }
0x84: {  	v5 =	vmul.f32 $1.442695020e+00, v5;
	_ =	sdelay $0x1  }
0x85: {  	(erf) = vpow2.f32 v5;
	_ =	sdelay $0x8  }
0x86: {  	v5 =	vpop (erf)  }
0x87: {  	v5 =	vnsel vm0, $0x0, v5  }
0x88: {  	(xrf2) =	vadd.scan.msk.f32 $0xffff, v5;
	_ =	sdelay $0x9  }
0x89: {  	v6, _, _ =	vpop (xrf2)  }
0x8a: {  	v6 =	vbroadcast v6, $0xF;
	_ =	sdelay $0x1  }
0x8b: {  	(erf) = vrcp.f32 v6;
	_ =	sdelay $0x8  }
.Ltmp1:
0x8c: {  	v6 =	vpop (erf);
	(pc) =	sbr.rel @p0 .LBB2_4-.Ltmp1, $3  }
0x8d: {  	v5 =	vmul.f32 v6, v5;
	_ =	sdelay $0x1  }
0x8e: {  	s15 =	sadd.s32 $0x40, s15;
	[tilespmem:s17+$0x1000] =	vst.msk $0xff, v5  }
0x8f: {  	s16 =	sadd.s32 $0x20, s16;
	v5 =	vld [tilespmem:s15+$0x10]  }
0x90: {  	v6 =	vld [tilespmem:s15+$0x0]  }
0x91: {  	v7 =	vld [tilespmem:s15+$0xFFFFFFF0];
	_ =	sdelay $0x1  }
0x92: {  	v8 =	vld [tilespmem:s15+$0xFFFFFFE0]  }
0x93: {  	(xrf1) =	vsort.dscd.msk.f32 $0xffff, v5, v3  }
0x94: {  	(xrf1) =	vsort.dscd.msk.f32 $0xffff, v6, v2  }
0x95: {  	(xrf1) =	vsort.dscd.msk.f32 $0xffff, v7, v1;
	_ =	sdelay $0x1  }
0x96: {  	(xrf1) =	vsort.dscd.msk.f32 $0xffff, v8, v0;
	_ =	sdelay $0x9  }
0x97: {  	v5, v6, _ =	vpop (xrf1)  }
0x98: {  	v5 =	vperm.xlane v5, v4;
	v7, v61, _ =	vpop (xrf1)  }
0x99: {  	v6 =	vperm.xlane v6, v4;
	v9, v10, _ =	vpop (xrf1)  }
0x9a: {  	v9 =	vperm.xlane v9, v4;
	vm1 =	vge.f32 v7, v5  }
0x9b: {  	v10 =	vperm.xlane v10, v4;
	v5 =	vsel vm1, v7, v5;
	v6 =	vsel vm1, v61, v6;
	v7, v62, _ =	vpop (xrf1)  }
0x9c: {  	vm1 =	vge.f32 v7, v9;
	(xrf1) =	vsort.dscd.msk.f32 $0xffff, v5, v6  }
0x9d: {  	v5 =	vsel vm1, v7, v9;
	v6 =	vsel vm1, v62, v10  }
0x9e: {  	(xrf1) =	vsort.dscd.msk.f32 $0xffff, v5, v6;
	_ =	sdelay $0xb  }
0x9f: {  	v5, v6, _ =	vpop (xrf1)  }
0xa0: {  	v5 =	vperm.xlane v5, v4  }
0xa1: {  	v6 =	vperm.xlane v6, v4;
	v7, v63, _ =	vpop (xrf1)  }
0xa2: {  	vm1 =	vge.f32 v7, v5  }
0xa3: {  	v5 =	vsel vm1, v7, v5;
	v6 =	vsel vm1, v63, v6  }
0xa4: {  	(xrf1) =	vsort.dscd.msk.f32 $0xffff, v5, v6;
	_ =	sdelay $0xd  }
0xa5: {  	v5, v6, _ =	vpop (xrf1)  }
0xa6: {  	(xrf0) =	vmax.scan.msk.f32 $0xffff, v5;
	_ =	sdelay $0x5  }
0xa7: {  	v7, _, _ =	vpop (xrf0)  }
0xa8: {  	v7 =	vbroadcast v7, $0xF;
	_ =	sdelay $0x1  }
0xa9: {  	v5 =	vsub.f32 v5, v7;
	_ =	sdelay $0x1  }
0xaa: {  	v5 =	vmul.f32 $1.442695020e+00, v5;
	_ =	sdelay $0x1  }
0xab: {  	(erf) = vpow2.f32 v5;
	_ =	sdelay $0x8  }
0xac: {  	v5 =	vpop (erf)  }
0xad: {  	v5 =	vnsel vm0, $0x0, v5  }
0xae: {  	(xrf2) =	vadd.scan.msk.f32 $0xffff, v5;
	_ =	sdelay $0x9  }
0xaf: {  	v7, _, _ =	vpop (xrf2)  }
0xb0: {  	v7 =	vbroadcast v7, $0xF;
	_ =	sdelay $0x1  }
0xb1: {  	(erf) = vrcp.f32 v7;
	_ =	sdelay $0x8  }
0xb2: {  	v7 =	vpop (erf)  }
0xb3: {  	s14 =	sshra.s32 s14, $0x2;
	v5 =	vmul.f32 v7, v5  }
0xb4: {  	[tilespmem:s14+$0x1280] =	vst.msk $0xff, v6  }
0xb5: {  	[tilespmem:s14+$0x1000] =	vst.msk $0xff, v5  }
0xb6: {  	[hbm4b:s7+s2] =	stream.linear.scatter [tilespmem:s11], [sflag:$0x1], $0x200, $0x38;
	[tilespmem:$0x1500] =	vst v63  }
0xb7: {  	s13 =	sadd.s32 $0x1, s13;
	_ =	swait.ge [sflag:s10], $0x200  }
0xb8: {  	p0 =	sne.s32 s13, s9;
	[sflag:s10] =	ssyncset.done $0x0  }
.Ltmp2:
0xb9: {  	[sflag:s10] =	ssyncadd.s32 $0xFFFFFE00;
	(pc) =	sbr.rel @p0 .LBB2_1-.Ltmp2, $4  }
0xba: {  	[hbm4b:s8+s2] =	stream.linear.scatter [tilespmem:s12], [sflag:$0x1], $0x200, $0x38;
	[tilespmem:$0x1500] =	vst v63  }
0xbb: {  	_ =	swait.ge [sflag:s10], $0x200  }
0xbc: {  	[sflag:s10] =	ssyncset.done $0x0  }
0xbd: {  	[sflag:s10] =	ssyncadd.s32 $0xFFFFFE00  }
0xbe: {  	_ =	sfence.sel $0x180000  }
0xbf: {  	[bflag:$0x0] =	sbarrier.arrive $0xFFFF  }
0xc0: {  	p0 =	sne.s32 s1, $0x0;
	_ =	strace $0x9000004D  }
0xc1: {  	s0 =	sadd.s32 @!p0 $0x100000, s0;
	[bflag:$0x2] =	sbarrier.arrive $0xFFFF  }
0xc2: {  	[sflag:s0] =	ssyncadd.tile.s32 @!p0 $0x1;
	_ =	shalt  }
.Lfunc_end2:
_tile_overlayer_lowered:
.L_overlay_start_2:
0xc3: {  	(tag) =	ssettag $0x2  }
0xc4: {  	s0 =	rddreg [dreg:$0x0];
	s2 =	stileid.u32  }
0xc5: {  	s1 =	rddreg [dreg:$0x1];
	p0 =	sne.s32 s2, $0x0  }
0xc6: {  	s3 =	rddreg [dreg:$0x2];
	[bflag:$0x3] =	sbarrier.arrive $0xFFFF;
	s2 =	simm.s32 @!p0 $0x1C01  }
0xc7: {  	[timem:s3], [sflag:s2] =	dma.local @!p0 [hbm:s0], s1  }
0xc8: {  	s0 =	simm.s32 @!p0 $0x1  }
0xc9: {  	_ =	swait.ge @!p0 [sflag:s0], s1  }
0xca: {  	s1 =	ssub.s32 @!p0 $0x0, s1;
	[sflag:s0] =	ssyncset.done @!p0 $0x0  }
0xcb: {  	[sflag:s0] =	ssyncadd.s32 @!p0 s1  }
0xcc: {  	[bflag:$0x3] =	sbarrier.arrive $0xFFFF  }
0xcd: {  	_ =	shalt  }

// kernel: kernel.16.cloned.1.call-start
scs
__scs_entry_jumppad:
0x0: {  	(pc) =	sbr.rel $0x88, $3  }
0x1: {  	(tag) =	ssettag $0x0;
	lr =	simm.s32 $0x1  }
0x2: {  	[smem:$0x3F9F] =	sst lr;
	_ =	strace $0xD0000000  }
0x3: {  	_ = 	snop  }
0x4: {  	_ = 	snop  }
0x5: {  	_ = 	snop  }
0x6: {  	_ = 	snop  }
0x7: {  	_ = 	snop  }
__scs_overlays_trampoline_lowered:
0x8: {  	[smem:$0x3FAE] =	sst s0  }
0x9: {  	[smem:$0x3FAF] =	sst s1  }
0xa: {  	[smem:$0x3FB0] =	sst s2  }
0xb: {  	[smem:$0x3FB1] =	sst s3  }
0xc: {  	[smem:$0x3FB2] =	sst s4  }
0xd: {  	[smem:$0x3FB3] =	sst s5  }
0xe: {  	[smem:$0x3FB4] =	sst s6  }
0xf: {  	[smem:$0x3FB5] =	sst s7  }
0x10: {  	[smem:$0x3FB6] =	sst s8  }
0x11: {  	[smem:$0x3FB7] =	sst s9;
	s0 =	simm.s32 @!p0 $0x0  }
0x12: {  	s1 =	sld [smem:$0x3F9D];
	s0 =	simm.s32 @p0 $0x1  }
0x13: {  	[smem:$0x3FB8] =	sst s0;
	s0 =	simm.s32 @!p1 $0x0  }
0x14: {  	s2 =	sld [smem:$0x3F9C];
	s0 =	simm.s32 @p1 $0x1  }
0x15: {  	[smem:$0x3FB9] =	sst s0;
	s0 =	simm.s32 @!p2 $0x0  }
0x16: {  	s3 =	sld [smem:$0x3FDB];
	s0 =	simm.s32 @p2 $0x1  }
0x17: {  	s4 =	simm.s32 $0x1BF5;
	[smem:$0x3FBB] =	sst s0  }
0x18: {  	s0 =	sld [smem:$0x3F9E];
	_ =	swait.ge [sflag:s4], $0x0  }
0x19: {  	s7 =	sld [smem:$0x3F9F]  }
0x1a: {  	s8 =	sadd.s32 $0xFFFFE003, lr  }
0x1b: {  	s9 =	sadd.s32 $0xFFFFFEF7, lr;
	s5 =	simm.s32 $0xFFFFFFFF;
	p2 =	slt.u32 s8, $0xFFFFF086  }
0x1c: {  	p1 =	slt.u32 s9, $0xF7A;
	s5 =	simm.s32 @!p2 $0x0  }
0x1d: {  	s5 =	simm.s32 @p1 $0x1;
	p0 =	seq.s32 s7, s2  }
0x1e: {  	s7 =	smul.u32 @!p0 $0xF7A, s2;
	p2 =	seq.s32 @!p0 s5, $0x0  }
0x1f: {  	s9 =	smul.u32 $0xF7A, s1;
	s8 =	simm.s32 @!p0 $0x1BF5;
	p2 =	por !p2, p0  }
0x20: {  	[sflag:s8] =	ssyncset.s32 @!p0 $0xFFFFF086;
	s6 =	sadd.s32 @!p0 s3, s7;
	s7 =	simm.s32 @!p0 $0x108  }
0x21: {  	s3 =	sadd.s32 s3, s9;
	s6 =	sadd.s32 @!p0 $0x88, s6;
	s7 =	simm.s32 @p2 $0x1082  }
0x22: {  	[simem:s7], [sflag:s8] =	dma.local @!p0 [hbm:s6], $0xF7A  }
0x23: {  	s9 =	sor.u32 $0xD0000000, s2;
	s6 =	simm.s32 $0x108;
	_ =	swait.ge @!p0 [sflag:s8], $0x0  }
0x24: {  	s3 =	sadd.s32 $0x88, s3;
	s6 =	simm.s32 @!p1 $0x1082;
	[sflag:s4] =	ssyncset.s32 $0xFFFFF086  }
0x25: {  	[simem:s6], [sflag:s4] =	dma.local [hbm:s3], $0xF7A  }
0x26: {  	[smem:$0x3F9F] =	sst s1;
	(tag) =	ssettag s2;
	_ =	strace s9  }
0x27: {  	s1 =	sld [smem:$0x3FAF]  }
0x28: {  	s2 =	sld [smem:$0x3FB0]  }
0x29: {  	s4 =	sld [smem:$0x3FB2]  }
0x2a: {  	p0 =	seq.s32 s5, $0x0;
	s5 =	sld [smem:$0x3FB3]  }
0x2b: {  	s6 =	sld [smem:$0x3FB4]  }
0x2c: {  	s7 =	sld [smem:$0x3FB5]  }
0x2d: {  	s3 =	simm.s32 $0x108;
	s8 =	sld [smem:$0x3FB6]  }
0x2e: {  	s3 =	simm.s32 @!p0 $0x1082;
	s9 =	sld [smem:$0x3FB7]  }
0x2f: {  	lr =	sadd.s32 s0, s3;
	s0 =	sld [smem:$0x3FAE]  }
0x30: {  	s3 =	sld [smem:$0x3FB1]  }
0x31: {  	[smem:$0x3FBA] =	sst s10  }
0x32: {  	s10 =	sld [smem:$0x3FB8];
	_ =	sdelay $0x3  }
0x33: {  	p0 =	seq.s32 s10, $0x1;
	s10 =	sld [smem:$0x3FBA];
	_ =	sdelay $0x3  }
0x34: {  	[smem:$0x3FBA] =	sst s10  }
0x35: {  	s10 =	sld [smem:$0x3FB9];
	_ =	sdelay $0x3  }
0x36: {  	p1 =	seq.s32 s10, $0x1;
	s10 =	sld [smem:$0x3FBA];
	_ =	sdelay $0x3  }
0x37: {  	[smem:$0x3FBA] =	sst s10  }
0x38: {  	s10 =	sld [smem:$0x3FBB]  }
0x39: {  	_ = 	snop;
	(pc) =	sbr.ind lr, $3  }
0x3a: {  	_ = 	snop  }
0x3b: {  	_ = 	snop  }
0x3c: {  	p2 =	seq.s32 s10, $0x1;
	s10 =	sld [smem:$0x3FBA]  }
0x3d: {  	_ =	shalt  }
0x3e: {  	_ =	shalt  }
0x3f: {  	_ =	shalt  }
0x40: {  	_ =	shalt  }
0x41: {  	_ =	shalt  }
0x42: {  	_ =	shalt  }
0x43: {  	_ =	shalt  }
0x44: {  	_ =	shalt  }
0x45: {  	_ =	shalt  }
0x46: {  	_ =	shalt  }
0x47: {  	_ =	shalt  }
0x48: {  	_ =	shalt  }
0x49: {  	_ =	shalt  }
0x4a: {  	_ =	shalt  }
0x4b: {  	_ =	shalt  }
0x4c: {  	_ =	shalt  }
0x4d: {  	_ =	shalt  }
0x4e: {  	_ =	shalt  }
0x4f: {  	_ =	shalt  }
0x50: {  	_ =	shalt  }
0x51: {  	_ =	shalt  }
0x52: {  	_ =	shalt  }
0x53: {  	_ =	shalt  }
0x54: {  	_ =	shalt  }
0x55: {  	_ =	shalt  }
0x56: {  	_ =	shalt  }
0x57: {  	_ =	shalt  }
0x58: {  	_ =	shalt  }
0x59: {  	_ =	shalt  }
0x5a: {  	_ =	shalt  }
0x5b: {  	_ =	shalt  }
0x5c: {  	_ =	shalt  }
0x5d: {  	_ =	shalt  }
0x5e: {  	_ =	shalt  }
0x5f: {  	_ =	shalt  }
0x60: {  	_ =	shalt  }
0x61: {  	_ =	shalt  }
0x62: {  	_ =	shalt  }
0x63: {  	_ =	shalt  }
0x64: {  	_ =	shalt  }
0x65: {  	_ =	shalt  }
0x66: {  	_ =	shalt  }
0x67: {  	_ =	shalt  }
0x68: {  	_ =	shalt  }
0x69: {  	_ =	shalt  }
0x6a: {  	_ =	shalt  }
0x6b: {  	_ =	shalt  }
0x6c: {  	_ =	shalt  }
0x6d: {  	_ =	shalt  }
0x6e: {  	_ =	shalt  }
0x6f: {  	_ =	shalt  }
0x70: {  	_ =	shalt  }
0x71: {  	_ =	shalt  }
0x72: {  	_ =	shalt  }
0x73: {  	_ =	shalt  }
0x74: {  	_ =	shalt  }
0x75: {  	_ =	shalt  }
0x76: {  	_ =	shalt  }
0x77: {  	_ =	shalt  }
0x78: {  	_ =	shalt  }
0x79: {  	_ =	shalt  }
0x7a: {  	_ =	shalt  }
0x7b: {  	_ =	shalt  }
0x7c: {  	_ =	shalt  }
0x7d: {  	_ =	shalt  }
0x7e: {  	_ =	shalt  }
0x7f: {  	_ =	shalt  }
0x80: {  	_ =	shalt  }
0x81: {  	_ =	shalt  }
0x82: {  	_ =	shalt  }
0x83: {  	_ =	shalt  }
0x84: {  	_ =	shalt  }
0x85: {  	_ =	shalt  }
0x86: {  	_ =	shalt  }
0x87: {  	_ =	shalt  }
.Lfunc_end0:
.L_simem_size_0:
called_computation.2_lowered:
.L_overlay_start_0:
0x88: {  	s2 =	sld [smem:$0x3FD9]  }
0x89: {  	s3 =	sld [smem:$0x3FFE];
	_ =	sdelay $0x1  }
0x8a: {  	s1 =	srdreg.scid  }
0x8b: {  	s0 =	sand.u32 $0x1, s1  }
0x8c: {  	s17 =	sshll.u32 s0, $0xA;
	s2 =	sadd.s32 s3, s2  }
0x8d: {  	s2 =	sadd.s32 s2, s17  }
0x8e: {  	[smem:$0x3FC6] =	sst s2  }
0x8f: {  	_ = 	snop  }
0x90: {  	(tm) =	ssettm $0x1  }
0x91: {  	s18 =	sld [smem:$0x3FFB];
	_ =	sdelay $0x3  }
0x92: {  	_ =	strace s18  }
0x93: {  	s2 =	sld [smem:$0x3FFC];
	_ =	sdelay $0x3  }
0x94: {  	_ =	strace s2  }
0x95: {  	s2 =	sld [smem:$0x3FFD];
	_ =	sdelay $0x3  }
0x96: {  	_ =	strace s2  }
0x97: {  	_ =	strace $0x8FFFFFFF  }
0x98: {  	s19 =	sld [smem:$0x3FDB];
	_ =	sdelay $0x1  }
0x99: {  	s20 =	simm.s32 $_scs_section_size  }
0x9a: {  	s4 =	simm.s32 $_size__tile_overlayer_lowered;
	s5 =	simm.s32 $_tile_overlayer_lowered  }
0x9b: {  	s6 =	simm.s32 $0x1BFF;
	s21 =	sshll.u32 s5, $0x1;
	s3 =	sadd.s32 s20, s19  }
0x9c: {  	s22 =	simm.s32 $0x0;
	s4 =	sshll.u32 s4, $0x1;
	s5 =	sadd.s32 s21, s3  }
0x9d: {  	[timem:s22], [sflag:s6] =	dma.local [hbm:s5], s4  }
0x9e: {  	_ =	swait.ge [sflag:s6], s4  }
0x9f: {  	s4 =	ssub.s32 $0x0, s4;
	[sflag:s6] =	ssyncset.done $0x0  }
0xa0: {  	[sflag:s6] =	ssyncadd.s32 s4;
	_ =	sdelay $0x1  }
0xa1: {  	s23 =	simm.s32 $0x1B8B  }
0xa2: {  	_ =	swait.ge [sflag:s23], $0x1  }
0xa3: {  	[sflag:s23] =	ssyncset.done $0x0  }
0xa4: {  	[sflag:s23] =	ssyncadd.s32 $0xFFFFFFFF  }
0xa5: {  	s4 =	sld [smem:$0x0]  }
0xa6: {  	s5 =	sand.u32 $0xFFFFFFFE, s1  }
0xa7: {  	p0 =	sne.s32 s1, s5  }
0xa8: {  	s5 =	sshll.u32 @p0 s5, $0xE  }
0xa9: {  	s5 =	sadd.s32 @p0 $0x11B8D, s5;
	s6 =	sshll.u32 @p0 s4, $0x11  }
0xaa: {  	s5 =	sor.u32 @p0 s6, s5  }
0xab: {  	[sflag:s5] =	ssyncadd.remote.s32 @p0 $0x1;
	_ =	sdelay $0x1  }
0xac: {  	s5 =	simm.s32 @p0 $0x1B8D  }
0xad: {  	_ =	swait.eq @p0 [sflag:s5], $0x1  }
0xae: {  	[sflag:s5] =	ssyncadd.s32 @p0 $0xFFFFFFFF  }
0xaf: {  	s6 =	sshll.u32 @!p0 s1, $0xE  }
0xb0: {  	s6 =	sor.u32 @!p0 $0x4000, s6;
	s5 =	simm.s32 @!p0 $0x1B8D  }
0xb1: {  	s4 =	sshll.u32 @!p0 s4, $0x11;
	s6 =	sadd.s32 @!p0 $0x11B8D, s6;
	_ =	swait.eq @!p0 [sflag:s5], $0x1  }
0xb2: {  	s4 =	sor.u32 @!p0 s4, s6;
	[sflag:s5] =	ssyncadd.s32 @!p0 $0xFFFFFFFF  }
0xb3: {  	s25 =	simm.s32 $0x1B8E;
	s24 =	sld [smem:$0x3FFE];
	[sflag:s4] =	ssyncadd.remote.s32 @!p0 $0x1  }
0xb4: {  	s26 =	simm.s32 $execute0_lowered;
	[smem:$0x3FD2] =	sst s25  }
0xb5: {  	s5 =	sshll.u32 s26, $0x1;
	_ =	strace $0x80000049;
	[dreg:$0x1] =	wrdreg $0xFFFFFFFF  }
0xb6: {  	s28 =	simm.s32 $_size_execute0_lowered;
	s3 =	sadd.s32 s3, s5;
	[dreg:$0x0] =	wrdreg $0x0  }
0xb7: {  	s5 =	sshll.u32 s28, $0x1;
	[dreg:$0x2] =	wrdreg s3  }
0xb8: {  	[dreg:$0x3] =	wrdreg s5  }
0xb9: {  	[dreg:$0x4] =	wrdreg $0xC0  }
0xba: {  	_ =	task [dreg:s22], $0x5FFFF  }
0xbb: {  	[dreg:$0x1] =	wrdreg $0xFFFFFFFF  }
0xbc: {  	[dreg:$0x0] =	wrdreg $0x60  }
0xbd: {  	[dreg:$0x2] =	wrdreg s24  }
0xbe: {  	[dreg:$0x3] =	wrdreg $0xB  }
0xbf: {  	_ =	task.clear_ibuf [dreg:s22], $0x4FFFF;
	_ =	strace $0x90000049  }
0xc0: {  	s29 =	simm.s32 $0xB;
	_ =	strace $0x8000004B  }
0xc1: {  	_ =	swait.ge [sflag:s29], $0x1  }
0xc2: {  	[sflag:s29] =	ssyncadd.s32 $0xFFFFFFFF  }
0xc3: {  	_ =	strace $0x9000004B  }
0xc4: {  	_ =	sfence  }
0xc5: {  	s30 =	sld [smem:$0x0];
	_ =	sdelay $0x2  }
0xc6: {  	s31 =	sshll.u32 s1, $0xD;
	s1 =	sshrl.u32 s1, $0x2  }
0xc7: {  	s4 =	sand.u32 $0x4000, s31;
	s1 =	sadd.s32 s1, s30  }
0xc8: {  	s0 =	sor.u32 s4, s0;
	s1 =	sshll.u32 s1, $0x11  }
0xc9: {  	s0 =	sor.u32 s1, s0  }
0xca: {  	s0 =	sadd.s32 $0x8F2B, s0  }
0xcb: {  	[sflag:s0] =	ssyncadd.remote.s32 $0x1  }
0xcc: {  	_ =	sfence.sel $0xFFFF  }
0xcd: {  	[dreg:$0x0] =	wrdreg $0xFFFFFFFF;
	(pc) =	sbr.abs _section_cstart, $3  }
0xce: {  	[dreg:$0x1] =	wrdreg $0xFFFFFFFF  }
0xcf: {  	_ =	task.clear_ibuf [dreg:s22], $0x2FFFF;
	_ =	strace $0x9FFFFFFF  }
0xd0: {  	(tm) =	ssettm $0x7FFFFFFF  }
0xd1: {  	_ =	shalt  }
tec
execute0_lowered:
.L_overlay_start_1:
0x0: {  	(tag) =	ssettag $0x1  }
0x1: {  	s3 =	rddreg [dreg:$0x0]  }
0x2: {  	s0 =	rddreg [dreg:$0x1];
	s2 =	simm.s32 $0x0;
	s4 =	srdreg.scid  }
0x3: {  	s1 =	stileid.u32;
	s12 =	simm.s32 $0x1280;
	s13 =	simm.s32 $0x0  }
0x4: {  	[smem:$0x7FF] =	sst s2;
	s6 =	sadd.s32 $0xC800, s3;
	s4 =	sand.u32 $0x1, s4  }
0x5: {  	s5 =	sshll.u32 s1, $0x1;
	s7 =	sadd.s32 $0x14800, s3;
	s9 =	sadd.s32 $0x15800, s3  }
0x6: {  	_ =	strace $0x8000004A;
	s8 =	ssub.s32 $0x2, s4;
	s4 =	sor.u32 s4, s5  }
0x7: {  	s29 =	sshrl.u32 s8, $0x1;
	s5 =	sshll.u32 s4, $0x7;
	s30 =	sshll.u32 s4, $0xA  }
0x8: {  	v0 =	vlaneseq.u32;
	s10 =	ssub.s32 s8, s29;
	s31 =	sor.u32 $0x40, s5;
	s3 =	sadd.s32 s6, s30  }
0x9: {  	v4 =	vmul.u32 $0xFFFFFFFF, v0;
	s4 =	sadd.s32 s7, s5;
	s5 =	sadd.s32 s9, s5;
	s11 =	sshll.u32 s31, $0x3  }
0xa: {  	vm0 =	vmmov $0xff;
	v1 =	vor.u32 $0x10, v0;
	s7 =	sadd.s32 s7, s31;
	s8 =	sadd.s32 s9, s31;
	s9 =	smax.u32 s10, $0x1  }
0xb: {  	v2 =	vor.u32 $0x20, v0;
	v3 =	vor.u32 $0x30, v0;
	v4 =	vadd.s32 $0xF, v4;
	s10 =	simm.s32 $0x1;
	s6 =	sadd.s32 s6, s11;
	s11 =	simm.s32 $0x1000  }
.LBB2_1:
0xc: {  	[tilespmem:s2], [sflag:$0x1] =	stream.linear.gather [hbm4b:s3+s2], $0x1000, $0x38;
	[tilespmem:$0x1500] =	vst v63  }
0xd: {  	_ =	swait.ge [sflag:s10], $0x1000  }
0xe: {  	[sflag:s10] =	ssyncset.done $0x0  }
0xf: {  	s15 =	simm.s32 $0x20;
	[sflag:s10] =	ssyncadd.s32 $0xFFFFF000  }
0x10: {  	s16 =	simm.s32 $0x20;
	s14 =	simm.s32 $0x0;
	v5 =	vld [tilespmem:s15+$0x10]  }
.LBB2_2:
0x11: {  	p0 =	sne.s32 s16, $0x7E0;
	v6 =	vld [tilespmem:s15+$0x0]  }
0x12: {  	v7 =	vld [tilespmem:s15+$0xFFFFFFF0];
	_ =	sdelay $0x1  }
0x13: {  	v8 =	vld [tilespmem:s15+$0xFFFFFFE0]  }
0x14: {  	(xrf1) =	vsort.dscd.msk.f32 $0xffff, v5, v3  }
0x15: {  	(xrf1) =	vsort.dscd.msk.f32 $0xffff, v6, v2  }
0x16: {  	(xrf1) =	vsort.dscd.msk.f32 $0xffff, v7, v1;
	_ =	sdelay $0x1  }
0x17: {  	(xrf1) =	vsort.dscd.msk.f32 $0xffff, v8, v0;
	_ =	sdelay $0x9  }
0x18: {  	v5, v6, _ =	vpop (xrf1)  }
0x19: {  	v5 =	vperm.xlane v5, v4;
	v7, v8, _ =	vpop (xrf1)  }
0x1a: {  	v6 =	vperm.xlane v6, v4;
	v9, v10, _ =	vpop (xrf1)  }
0x1b: {  	v9 =	vperm.xlane v9, v4;
	vm1 =	vge.f32 v7, v5  }
0x1c: {  	v10 =	vperm.xlane v10, v4;
	v5 =	vsel vm1, v7, v5;
	v6 =	vsel vm1, v8, v6;
	v7, v8, _ =	vpop (xrf1)  }
0x1d: {  	vm1 =	vge.f32 v7, v9;
	(xrf1) =	vsort.dscd.msk.f32 $0xffff, v5, v6  }
0x1e: {  	v5 =	vsel vm1, v7, v9;
	v6 =	vsel vm1, v8, v10  }
0x1f: {  	(xrf1) =	vsort.dscd.msk.f32 $0xffff, v5, v6;
	_ =	sdelay $0xb  }
0x20: {  	v5, v6, _ =	vpop (xrf1)  }
0x21: {  	v5 =	vperm.xlane v5, v4  }
0x22: {  	v6 =	vperm.xlane v6, v4;
	v7, v8, _ =	vpop (xrf1)  }
0x23: {  	vm1 =	vge.f32 v7, v5  }
0x24: {  	v5 =	vsel vm1, v7, v5;
	v6 =	vsel vm1, v8, v6  }
0x25: {  	(xrf1) =	vsort.dscd.msk.f32 $0xffff, v5, v6;
	_ =	sdelay $0xd  }
0x26: {  	s17 =	sshra.s32 s14, $0x2;
	s14 =	smov.u32 s16;
	v5, v6, _ =	vpop (xrf1)  }
0x27: {  	[tilespmem:s17+$0x1280] =	vst.msk $0xff, v6;
	(xrf0) =	vmax.scan.msk.f32 $0xffff, v5;
	_ =	sdelay $0x5  }
0x28: {  	v6, _, _ =	vpop (xrf0)  }
0x29: {  	v6 =	vbroadcast v6, $0xF;
	_ =	sdelay $0x1  }
0x2a: {  	v5 =	vsub.f32 v5, v6;
	_ =	sdelay $0x1  }
0x2b: {  	v5 =	vmul.f32 $1.442695020e+00, v5;
	_ =	sdelay $0x1  }
0x2c: {  	(erf) = vpow2.f32 v5;
	_ =	sdelay $0x8  }
0x2d: {  	v5 =	vpop (erf)  }
0x2e: {  	v5 =	vnsel vm0, $0x0, v5  }
0x2f: {  	(xrf2) =	vadd.scan.msk.f32 $0xffff, v5;
	_ =	sdelay $0x9  }
0x30: {  	v6, _, _ =	vpop (xrf2)  }
0x31: {  	v6 =	vbroadcast v6, $0xF;
	_ =	sdelay $0x1  }
0x32: {  	(erf) = vrcp.f32 v6;
	_ =	sdelay $0x8  }
.Ltmp0:
0x33: {  	v6 =	vpop (erf);
	(pc) =	sbr.rel @p0 .LBB2_2-.Ltmp0, $3  }
0x34: {  	v5 =	vmul.f32 v6, v5;
	_ =	sdelay $0x1  }
0x35: {  	s15 =	sadd.s32 $0x40, s15;
	[tilespmem:s17+$0x1000] =	vst.msk $0xff, v5  }
0x36: {  	s16 =	sadd.s32 $0x20, s16;
	v5 =	vld [tilespmem:s15+$0x10]  }
0x37: {  	v6 =	vld [tilespmem:s15+$0x0]  }
0x38: {  	v7 =	vld [tilespmem:s15+$0xFFFFFFF0];
	_ =	sdelay $0x1  }
0x39: {  	v8 =	vld [tilespmem:s15+$0xFFFFFFE0]  }
0x3a: {  	(xrf1) =	vsort.dscd.msk.f32 $0xffff, v5, v3  }
0x3b: {  	(xrf1) =	vsort.dscd.msk.f32 $0xffff, v6, v2  }
0x3c: {  	(xrf1) =	vsort.dscd.msk.f32 $0xffff, v7, v1;
	_ =	sdelay $0x1  }
0x3d: {  	(xrf1) =	vsort.dscd.msk.f32 $0xffff, v8, v0;
	_ =	sdelay $0x9  }
0x3e: {  	v5, v6, _ =	vpop (xrf1)  }
0x3f: {  	v5 =	vperm.xlane v5, v4;
	v7, v61, _ =	vpop (xrf1)  }
0x40: {  	v6 =	vperm.xlane v6, v4;
	v9, v10, _ =	vpop (xrf1)  }
0x41: {  	v9 =	vperm.xlane v9, v4;
	vm1 =	vge.f32 v7, v5  }
0x42: {  	v10 =	vperm.xlane v10, v4;
	v5 =	vsel vm1, v7, v5;
	v6 =	vsel vm1, v61, v6;
	v7, v62, _ =	vpop (xrf1)  }
0x43: {  	vm1 =	vge.f32 v7, v9;
	(xrf1) =	vsort.dscd.msk.f32 $0xffff, v5, v6  }
0x44: {  	v5 =	vsel vm1, v7, v9;
	v6 =	vsel vm1, v62, v10  }
0x45: {  	(xrf1) =	vsort.dscd.msk.f32 $0xffff, v5, v6;
	_ =	sdelay $0xb  }
0x46: {  	v5, v6, _ =	vpop (xrf1)  }
0x47: {  	v5 =	vperm.xlane v5, v4  }
0x48: {  	v6 =	vperm.xlane v6, v4;
	v7, v63, _ =	vpop (xrf1)  }
0x49: {  	vm1 =	vge.f32 v7, v5  }
0x4a: {  	v5 =	vsel vm1, v7, v5;
	v6 =	vsel vm1, v63, v6  }
0x4b: {  	(xrf1) =	vsort.dscd.msk.f32 $0xffff, v5, v6;
	_ =	sdelay $0xd  }
0x4c: {  	v5, v6, _ =	vpop (xrf1)  }
0x4d: {  	(xrf0) =	vmax.scan.msk.f32 $0xffff, v5;
	_ =	sdelay $0x5  }
0x4e: {  	v7, _, _ =	vpop (xrf0)  }
0x4f: {  	v7 =	vbroadcast v7, $0xF;
	_ =	sdelay $0x1  }
0x50: {  	v5 =	vsub.f32 v5, v7;
	_ =	sdelay $0x1  }
0x51: {  	v5 =	vmul.f32 $1.442695020e+00, v5;
	_ =	sdelay $0x1  }
0x52: {  	(erf) = vpow2.f32 v5;
	_ =	sdelay $0x8  }
0x53: {  	v5 =	vpop (erf)  }
0x54: {  	v5 =	vnsel vm0, $0x0, v5  }
0x55: {  	(xrf2) =	vadd.scan.msk.f32 $0xffff, v5;
	_ =	sdelay $0x9  }
0x56: {  	v7, _, _ =	vpop (xrf2)  }
0x57: {  	v7 =	vbroadcast v7, $0xF;
	_ =	sdelay $0x1  }
0x58: {  	(erf) = vrcp.f32 v7;
	_ =	sdelay $0x8  }
0x59: {  	v7 =	vpop (erf)  }
0x5a: {  	s14 =	sshra.s32 s14, $0x2;
	v5 =	vmul.f32 v7, v5  }
0x5b: {  	[tilespmem:s14+$0x1280] =	vst.msk $0xff, v6  }
0x5c: {  	[tilespmem:s14+$0x1000] =	vst.msk $0xff, v5;
	s14 =	simm.s32 $0x0  }
0x5d: {  	[hbm4b:s4+s14] =	stream.linear.scatter [tilespmem:s11], [sflag:$0x1], $0x200, $0x38;
	[tilespmem:$0x1500] =	vst v63  }
0x5e: {  	_ =	swait.ge [sflag:s10], $0x200  }
0x5f: {  	[sflag:s10] =	ssyncset.done $0x0  }
0x60: {  	[sflag:s10] =	ssyncadd.s32 $0xFFFFFE00  }
0x61: {  	[hbm4b:s5+s14] =	stream.linear.scatter [tilespmem:s12], [sflag:$0x1], $0x200, $0x38;
	[tilespmem:$0x1500] =	vst v63  }
0x62: {  	_ =	swait.ge [sflag:s10], $0x200  }
0x63: {  	[sflag:s10] =	ssyncset.done $0x0  }
0x64: {  	[sflag:s10] =	ssyncadd.s32 $0xFFFFFE00  }
0x65: {  	[tilespmem:s14], [sflag:$0x1] =	stream.linear.gather [hbm4b:s6+s14], $0x1000, $0x38;
	[tilespmem:$0x1500] =	vst v63  }
0x66: {  	_ =	swait.ge [sflag:s10], $0x1000  }
0x67: {  	[sflag:s10] =	ssyncset.done $0x0  }
0x68: {  	s15 =	simm.s32 $0x20;
	[sflag:s10] =	ssyncadd.s32 $0xFFFFF000  }
0x69: {  	s16 =	simm.s32 $0x20;
	v5 =	vld [tilespmem:s15+$0x10]  }
.LBB2_4:
0x6a: {  	p0 =	sne.s32 s16, $0x7E0;
	v6 =	vld [tilespmem:s15+$0x0]  }
0x6b: {  	v7 =	vld [tilespmem:s15+$0xFFFFFFF0];
	_ =	sdelay $0x1  }
0x6c: {  	v8 =	vld [tilespmem:s15+$0xFFFFFFE0]  }
0x6d: {  	(xrf1) =	vsort.dscd.msk.f32 $0xffff, v5, v3  }
0x6e: {  	(xrf1) =	vsort.dscd.msk.f32 $0xffff, v6, v2  }
0x6f: {  	(xrf1) =	vsort.dscd.msk.f32 $0xffff, v7, v1;
	_ =	sdelay $0x1  }
0x70: {  	(xrf1) =	vsort.dscd.msk.f32 $0xffff, v8, v0;
	_ =	sdelay $0x9  }
0x71: {  	v5, v6, _ =	vpop (xrf1)  }
0x72: {  	v5 =	vperm.xlane v5, v4;
	v7, v8, _ =	vpop (xrf1)  }
0x73: {  	v6 =	vperm.xlane v6, v4;
	v9, v10, _ =	vpop (xrf1)  }
0x74: {  	v9 =	vperm.xlane v9, v4;
	vm1 =	vge.f32 v7, v5  }
0x75: {  	v10 =	vperm.xlane v10, v4;
	v5 =	vsel vm1, v7, v5;
	v6 =	vsel vm1, v8, v6;
	v7, v8, _ =	vpop (xrf1)  }
0x76: {  	vm1 =	vge.f32 v7, v9;
	(xrf1) =	vsort.dscd.msk.f32 $0xffff, v5, v6  }
0x77: {  	v5 =	vsel vm1, v7, v9;
	v6 =	vsel vm1, v8, v10  }
0x78: {  	(xrf1) =	vsort.dscd.msk.f32 $0xffff, v5, v6;
	_ =	sdelay $0xb  }
0x79: {  	v5, v6, _ =	vpop (xrf1)  }
0x7a: {  	v5 =	vperm.xlane v5, v4  }
0x7b: {  	v6 =	vperm.xlane v6, v4;
	v7, v8, _ =	vpop (xrf1)  }
0x7c: {  	vm1 =	vge.f32 v7, v5  }
0x7d: {  	v5 =	vsel vm1, v7, v5;
	v6 =	vsel vm1, v8, v6  }
0x7e: {  	(xrf1) =	vsort.dscd.msk.f32 $0xffff, v5, v6;
	_ =	sdelay $0xd  }
0x7f: {  	s17 =	sshra.s32 s14, $0x2;
	s14 =	smov.u32 s16;
	v5, v6, _ =	vpop (xrf1)  }
0x80: {  	[tilespmem:s17+$0x1280] =	vst.msk $0xff, v6;
	(xrf0) =	vmax.scan.msk.f32 $0xffff, v5;
	_ =	sdelay $0x5  }
0x81: {  	v6, _, _ =	vpop (xrf0)  }
0x82: {  	v6 =	vbroadcast v6, $0xF;
	_ =	sdelay $0x1  }
0x83: {  	v5 =	vsub.f32 v5, v6;
	_ =	sdelay $0x1  }
0x84: {  	v5 =	vmul.f32 $1.442695020e+00, v5;
	_ =	sdelay $0x1  }
0x85: {  	(erf) = vpow2.f32 v5;
	_ =	sdelay $0x8  }
0x86: {  	v5 =	vpop (erf)  }
0x87: {  	v5 =	vnsel vm0, $0x0, v5  }
0x88: {  	(xrf2) =	vadd.scan.msk.f32 $0xffff, v5;
	_ =	sdelay $0x9  }
0x89: {  	v6, _, _ =	vpop (xrf2)  }
0x8a: {  	v6 =	vbroadcast v6, $0xF;
	_ =	sdelay $0x1  }
0x8b: {  	(erf) = vrcp.f32 v6;
	_ =	sdelay $0x8  }
.Ltmp1:
0x8c: {  	v6 =	vpop (erf);
	(pc) =	sbr.rel @p0 .LBB2_4-.Ltmp1, $3  }
0x8d: {  	v5 =	vmul.f32 v6, v5;
	_ =	sdelay $0x1  }
0x8e: {  	s15 =	sadd.s32 $0x40, s15;
	[tilespmem:s17+$0x1000] =	vst.msk $0xff, v5  }
0x8f: {  	s16 =	sadd.s32 $0x20, s16;
	v5 =	vld [tilespmem:s15+$0x10]  }
0x90: {  	v6 =	vld [tilespmem:s15+$0x0]  }
0x91: {  	v7 =	vld [tilespmem:s15+$0xFFFFFFF0];
	_ =	sdelay $0x1  }
0x92: {  	v8 =	vld [tilespmem:s15+$0xFFFFFFE0]  }
0x93: {  	(xrf1) =	vsort.dscd.msk.f32 $0xffff, v5, v3  }
0x94: {  	(xrf1) =	vsort.dscd.msk.f32 $0xffff, v6, v2  }
0x95: {  	(xrf1) =	vsort.dscd.msk.f32 $0xffff, v7, v1;
	_ =	sdelay $0x1  }
0x96: {  	(xrf1) =	vsort.dscd.msk.f32 $0xffff, v8, v0;
	_ =	sdelay $0x9  }
0x97: {  	v5, v6, _ =	vpop (xrf1)  }
0x98: {  	v5 =	vperm.xlane v5, v4;
	v7, v61, _ =	vpop (xrf1)  }
0x99: {  	v6 =	vperm.xlane v6, v4;
	v9, v10, _ =	vpop (xrf1)  }
0x9a: {  	v9 =	vperm.xlane v9, v4;
	vm1 =	vge.f32 v7, v5  }
0x9b: {  	v10 =	vperm.xlane v10, v4;
	v5 =	vsel vm1, v7, v5;
	v6 =	vsel vm1, v61, v6;
	v7, v62, _ =	vpop (xrf1)  }
0x9c: {  	vm1 =	vge.f32 v7, v9;
	(xrf1) =	vsort.dscd.msk.f32 $0xffff, v5, v6  }
0x9d: {  	v5 =	vsel vm1, v7, v9;
	v6 =	vsel vm1, v62, v10  }
0x9e: {  	(xrf1) =	vsort.dscd.msk.f32 $0xffff, v5, v6;
	_ =	sdelay $0xb  }
0x9f: {  	v5, v6, _ =	vpop (xrf1)  }
0xa0: {  	v5 =	vperm.xlane v5, v4  }
0xa1: {  	v6 =	vperm.xlane v6, v4;
	v7, v63, _ =	vpop (xrf1)  }
0xa2: {  	vm1 =	vge.f32 v7, v5  }
0xa3: {  	v5 =	vsel vm1, v7, v5;
	v6 =	vsel vm1, v63, v6  }
0xa4: {  	(xrf1) =	vsort.dscd.msk.f32 $0xffff, v5, v6;
	_ =	sdelay $0xd  }
0xa5: {  	v5, v6, _ =	vpop (xrf1)  }
0xa6: {  	(xrf0) =	vmax.scan.msk.f32 $0xffff, v5;
	_ =	sdelay $0x5  }
0xa7: {  	v7, _, _ =	vpop (xrf0)  }
0xa8: {  	v7 =	vbroadcast v7, $0xF;
	_ =	sdelay $0x1  }
0xa9: {  	v5 =	vsub.f32 v5, v7;
	_ =	sdelay $0x1  }
0xaa: {  	v5 =	vmul.f32 $1.442695020e+00, v5;
	_ =	sdelay $0x1  }
0xab: {  	(erf) = vpow2.f32 v5;
	_ =	sdelay $0x8  }
0xac: {  	v5 =	vpop (erf)  }
0xad: {  	v5 =	vnsel vm0, $0x0, v5  }
0xae: {  	(xrf2) =	vadd.scan.msk.f32 $0xffff, v5;
	_ =	sdelay $0x9  }
0xaf: {  	v7, _, _ =	vpop (xrf2)  }
0xb0: {  	v7 =	vbroadcast v7, $0xF;
	_ =	sdelay $0x1  }
0xb1: {  	(erf) = vrcp.f32 v7;
	_ =	sdelay $0x8  }
0xb2: {  	v7 =	vpop (erf)  }
0xb3: {  	s14 =	sshra.s32 s14, $0x2;
	v5 =	vmul.f32 v7, v5  }
0xb4: {  	[tilespmem:s14+$0x1280] =	vst.msk $0xff, v6  }
0xb5: {  	[tilespmem:s14+$0x1000] =	vst.msk $0xff, v5  }
0xb6: {  	[hbm4b:s7+s2] =	stream.linear.scatter [tilespmem:s11], [sflag:$0x1], $0x200, $0x38;
	[tilespmem:$0x1500] =	vst v63  }
0xb7: {  	s13 =	sadd.s32 $0x1, s13;
	_ =	swait.ge [sflag:s10], $0x200  }
0xb8: {  	p0 =	sne.s32 s13, s9;
	[sflag:s10] =	ssyncset.done $0x0  }
.Ltmp2:
0xb9: {  	[sflag:s10] =	ssyncadd.s32 $0xFFFFFE00;
	(pc) =	sbr.rel @p0 .LBB2_1-.Ltmp2, $4  }
0xba: {  	[hbm4b:s8+s2] =	stream.linear.scatter [tilespmem:s12], [sflag:$0x1], $0x200, $0x38;
	[tilespmem:$0x1500] =	vst v63  }
0xbb: {  	_ =	swait.ge [sflag:s10], $0x200  }
0xbc: {  	[sflag:s10] =	ssyncset.done $0x0  }
0xbd: {  	[sflag:s10] =	ssyncadd.s32 $0xFFFFFE00  }
0xbe: {  	_ =	sfence.sel $0x180000  }
0xbf: {  	[bflag:$0x0] =	sbarrier.arrive $0xFFFF  }
0xc0: {  	p0 =	sne.s32 s1, $0x0;
	_ =	strace $0x9000004A  }
0xc1: {  	s0 =	sadd.s32 @!p0 $0x100000, s0;
	[bflag:$0x2] =	sbarrier.arrive $0xFFFF  }
0xc2: {  	[sflag:s0] =	ssyncadd.tile.s32 @!p0 $0x1;
	_ =	shalt  }
.Lfunc_end2:
_tile_overlayer_lowered:
.L_overlay_start_2:
0xc3: {  	(tag) =	ssettag $0x2  }
0xc4: {  	s0 =	rddreg [dreg:$0x0];
	s2 =	stileid.u32  }
0xc5: {  	s1 =	rddreg [dreg:$0x1];
	p0 =	sne.s32 s2, $0x0  }
0xc6: {  	s3 =	rddreg [dreg:$0x2];
	[bflag:$0x3] =	sbarrier.arrive $0xFFFF;
	s2 =	simm.s32 @!p0 $0x1C01  }
0xc7: {  	[timem:s3], [sflag:s2] =	dma.local @!p0 [hbm:s0], s1  }
0xc8: {  	s0 =	simm.s32 @!p0 $0x1  }
0xc9: {  	_ =	swait.ge @!p0 [sflag:s0], s1  }
0xca: {  	s1 =	ssub.s32 @!p0 $0x0, s1;
	[sflag:s0] =	ssyncset.done @!p0 $0x0  }
0xcb: {  	[sflag:s0] =	ssyncadd.s32 @!p0 s1  }
0xcc: {  	[bflag:$0x3] =	sbarrier.arrive $0xFFFF  }
0xcd: {  	_ =	shalt  }

// kernel: kernel.19.cloned.1.call-start
scs
__scs_entry_jumppad:
0x0: {  	(pc) =	sbr.rel $0x88, $3  }
0x1: {  	(tag) =	ssettag $0x0;
	lr =	simm.s32 $0x1  }
0x2: {  	[smem:$0x3F9F] =	sst lr;
	_ =	strace $0xD0000000  }
0x3: {  	_ = 	snop  }
0x4: {  	_ = 	snop  }
0x5: {  	_ = 	snop  }
0x6: {  	_ = 	snop  }
0x7: {  	_ = 	snop  }
__scs_overlays_trampoline_lowered:
0x8: {  	[smem:$0x3FAE] =	sst s0  }
0x9: {  	[smem:$0x3FAF] =	sst s1  }
0xa: {  	[smem:$0x3FB0] =	sst s2  }
0xb: {  	[smem:$0x3FB1] =	sst s3  }
0xc: {  	[smem:$0x3FB2] =	sst s4  }
0xd: {  	[smem:$0x3FB3] =	sst s5  }
0xe: {  	[smem:$0x3FB4] =	sst s6  }
0xf: {  	[smem:$0x3FB5] =	sst s7  }
0x10: {  	[smem:$0x3FB6] =	sst s8  }
0x11: {  	[smem:$0x3FB7] =	sst s9;
	s0 =	simm.s32 @!p0 $0x0  }
0x12: {  	s1 =	sld [smem:$0x3F9D];
	s0 =	simm.s32 @p0 $0x1  }
0x13: {  	[smem:$0x3FB8] =	sst s0;
	s0 =	simm.s32 @!p1 $0x0  }
0x14: {  	s2 =	sld [smem:$0x3F9C];
	s0 =	simm.s32 @p1 $0x1  }
0x15: {  	[smem:$0x3FB9] =	sst s0;
	s0 =	simm.s32 @!p2 $0x0  }
0x16: {  	s3 =	sld [smem:$0x3FDB];
	s0 =	simm.s32 @p2 $0x1  }
0x17: {  	s4 =	simm.s32 $0x1BF5;
	[smem:$0x3FBB] =	sst s0  }
0x18: {  	s0 =	sld [smem:$0x3F9E];
	_ =	swait.ge [sflag:s4], $0x0  }
0x19: {  	s7 =	sld [smem:$0x3F9F]  }
0x1a: {  	s8 =	sadd.s32 $0xFFFFE003, lr  }
0x1b: {  	s9 =	sadd.s32 $0xFFFFFEF7, lr;
	s5 =	simm.s32 $0xFFFFFFFF;
	p2 =	slt.u32 s8, $0xFFFFF086  }
0x1c: {  	p1 =	slt.u32 s9, $0xF7A;
	s5 =	simm.s32 @!p2 $0x0  }
0x1d: {  	s5 =	simm.s32 @p1 $0x1;
	p0 =	seq.s32 s7, s2  }
0x1e: {  	s7 =	smul.u32 @!p0 $0xF7A, s2;
	p2 =	seq.s32 @!p0 s5, $0x0  }
0x1f: {  	s9 =	smul.u32 $0xF7A, s1;
	s8 =	simm.s32 @!p0 $0x1BF5;
	p2 =	por !p2, p0  }
0x20: {  	[sflag:s8] =	ssyncset.s32 @!p0 $0xFFFFF086;
	s6 =	sadd.s32 @!p0 s3, s7;
	s7 =	simm.s32 @!p0 $0x108  }
0x21: {  	s3 =	sadd.s32 s3, s9;
	s6 =	sadd.s32 @!p0 $0x88, s6;
	s7 =	simm.s32 @p2 $0x1082  }
0x22: {  	[simem:s7], [sflag:s8] =	dma.local @!p0 [hbm:s6], $0xF7A  }
0x23: {  	s9 =	sor.u32 $0xD0000000, s2;
	s6 =	simm.s32 $0x108;
	_ =	swait.ge @!p0 [sflag:s8], $0x0  }
0x24: {  	s3 =	sadd.s32 $0x88, s3;
	s6 =	simm.s32 @!p1 $0x1082;
	[sflag:s4] =	ssyncset.s32 $0xFFFFF086  }
0x25: {  	[simem:s6], [sflag:s4] =	dma.local [hbm:s3], $0xF7A  }
0x26: {  	[smem:$0x3F9F] =	sst s1;
	(tag) =	ssettag s2;
	_ =	strace s9  }
0x27: {  	s1 =	sld [smem:$0x3FAF]  }
0x28: {  	s2 =	sld [smem:$0x3FB0]  }
0x29: {  	s4 =	sld [smem:$0x3FB2]  }
0x2a: {  	p0 =	seq.s32 s5, $0x0;
	s5 =	sld [smem:$0x3FB3]  }
0x2b: {  	s6 =	sld [smem:$0x3FB4]  }
0x2c: {  	s7 =	sld [smem:$0x3FB5]  }
0x2d: {  	s3 =	simm.s32 $0x108;
	s8 =	sld [smem:$0x3FB6]  }
0x2e: {  	s3 =	simm.s32 @!p0 $0x1082;
	s9 =	sld [smem:$0x3FB7]  }
0x2f: {  	lr =	sadd.s32 s0, s3;
	s0 =	sld [smem:$0x3FAE]  }
0x30: {  	s3 =	sld [smem:$0x3FB1]  }
0x31: {  	[smem:$0x3FBA] =	sst s10  }
0x32: {  	s10 =	sld [smem:$0x3FB8];
	_ =	sdelay $0x3  }
0x33: {  	p0 =	seq.s32 s10, $0x1;
	s10 =	sld [smem:$0x3FBA];
	_ =	sdelay $0x3  }
0x34: {  	[smem:$0x3FBA] =	sst s10  }
0x35: {  	s10 =	sld [smem:$0x3FB9];
	_ =	sdelay $0x3  }
0x36: {  	p1 =	seq.s32 s10, $0x1;
	s10 =	sld [smem:$0x3FBA];
	_ =	sdelay $0x3  }
0x37: {  	[smem:$0x3FBA] =	sst s10  }
0x38: {  	s10 =	sld [smem:$0x3FBB]  }
0x39: {  	_ = 	snop;
	(pc) =	sbr.ind lr, $3  }
0x3a: {  	_ = 	snop  }
0x3b: {  	_ = 	snop  }
0x3c: {  	p2 =	seq.s32 s10, $0x1;
	s10 =	sld [smem:$0x3FBA]  }
0x3d: {  	_ =	shalt  }
0x3e: {  	_ =	shalt  }
0x3f: {  	_ =	shalt  }
0x40: {  	_ =	shalt  }
0x41: {  	_ =	shalt  }
0x42: {  	_ =	shalt  }
0x43: {  	_ =	shalt  }
0x44: {  	_ =	shalt  }
0x45: {  	_ =	shalt  }
0x46: {  	_ =	shalt  }
0x47: {  	_ =	shalt  }
0x48: {  	_ =	shalt  }
0x49: {  	_ =	shalt  }
0x4a: {  	_ =	shalt  }
0x4b: {  	_ =	shalt  }
0x4c: {  	_ =	shalt  }
0x4d: {  	_ =	shalt  }
0x4e: {  	_ =	shalt  }
0x4f: {  	_ =	shalt  }
0x50: {  	_ =	shalt  }
0x51: {  	_ =	shalt  }
0x52: {  	_ =	shalt  }
0x53: {  	_ =	shalt  }
0x54: {  	_ =	shalt  }
0x55: {  	_ =	shalt  }
0x56: {  	_ =	shalt  }
0x57: {  	_ =	shalt  }
0x58: {  	_ =	shalt  }
0x59: {  	_ =	shalt  }
0x5a: {  	_ =	shalt  }
0x5b: {  	_ =	shalt  }
0x5c: {  	_ =	shalt  }
0x5d: {  	_ =	shalt  }
0x5e: {  	_ =	shalt  }
0x5f: {  	_ =	shalt  }
0x60: {  	_ =	shalt  }
0x61: {  	_ =	shalt  }
0x62: {  	_ =	shalt  }
0x63: {  	_ =	shalt  }
0x64: {  	_ =	shalt  }
0x65: {  	_ =	shalt  }
0x66: {  	_ =	shalt  }
0x67: {  	_ =	shalt  }
0x68: {  	_ =	shalt  }
0x69: {  	_ =	shalt  }
0x6a: {  	_ =	shalt  }
0x6b: {  	_ =	shalt  }
0x6c: {  	_ =	shalt  }
0x6d: {  	_ =	shalt  }
0x6e: {  	_ =	shalt  }
0x6f: {  	_ =	shalt  }
0x70: {  	_ =	shalt  }
0x71: {  	_ =	shalt  }
0x72: {  	_ =	shalt  }
0x73: {  	_ =	shalt  }
0x74: {  	_ =	shalt  }
0x75: {  	_ =	shalt  }
0x76: {  	_ =	shalt  }
0x77: {  	_ =	shalt  }
0x78: {  	_ =	shalt  }
0x79: {  	_ =	shalt  }
0x7a: {  	_ =	shalt  }
0x7b: {  	_ =	shalt  }
0x7c: {  	_ =	shalt  }
0x7d: {  	_ =	shalt  }
0x7e: {  	_ =	shalt  }
0x7f: {  	_ =	shalt  }
0x80: {  	_ =	shalt  }
0x81: {  	_ =	shalt  }
0x82: {  	_ =	shalt  }
0x83: {  	_ =	shalt  }
0x84: {  	_ =	shalt  }
0x85: {  	_ =	shalt  }
0x86: {  	_ =	shalt  }
0x87: {  	_ =	shalt  }
.Lfunc_end0:
.L_simem_size_0:
called_computation.3_lowered:
.L_overlay_start_0:
0x88: {  	s2 =	sld [smem:$0x3FD9]  }
0x89: {  	s3 =	sld [smem:$0x3FFE];
	_ =	sdelay $0x1  }
0x8a: {  	s1 =	srdreg.scid  }
0x8b: {  	s0 =	sand.u32 $0x1, s1  }
0x8c: {  	s16 =	sshll.u32 s0, $0xA;
	s2 =	sadd.s32 s3, s2  }
0x8d: {  	s2 =	sadd.s32 s2, s16  }
0x8e: {  	[smem:$0x3FC6] =	sst s2  }
0x8f: {  	_ = 	snop  }
0x90: {  	(tm) =	ssettm $0x1  }
0x91: {  	s17 =	sld [smem:$0x3FFB];
	_ =	sdelay $0x3  }
0x92: {  	_ =	strace s17  }
0x93: {  	s2 =	sld [smem:$0x3FFC];
	_ =	sdelay $0x3  }
0x94: {  	_ =	strace s2  }
0x95: {  	s2 =	sld [smem:$0x3FFD];
	_ =	sdelay $0x3  }
0x96: {  	_ =	strace s2  }
0x97: {  	_ =	strace $0x8FFFFFFF  }
0x98: {  	s18 =	sld [smem:$0x3FDB];
	_ =	sdelay $0x1  }
0x99: {  	s19 =	simm.s32 $_scs_section_size  }
0x9a: {  	s4 =	simm.s32 $_size__tile_overlayer_lowered;
	s5 =	simm.s32 $_tile_overlayer_lowered  }
0x9b: {  	s22 =	simm.s32 $0x1BFF;
	s21 =	sshll.u32 s5, $0x1;
	s2 =	sadd.s32 s19, s18  }
0x9c: {  	s6 =	simm.s32 $0x0;
	s20 =	sshll.u32 s4, $0x1;
	s4 =	sadd.s32 s21, s2  }
0x9d: {  	[timem:s6], [sflag:s22] =	dma.local [hbm:s4], s20  }
0x9e: {  	_ =	swait.ge [sflag:s22], s20  }
0x9f: {  	s3 =	ssub.s32 $0x0, s20;
	[sflag:s22] =	ssyncset.done $0x0  }
0xa0: {  	[sflag:s22] =	ssyncadd.s32 s3;
	_ =	sdelay $0x1  }
0xa1: {  	s23 =	simm.s32 $0x1B8B  }
0xa2: {  	_ =	swait.ge [sflag:s23], $0x1  }
0xa3: {  	[sflag:s23] =	ssyncset.done $0x0  }
0xa4: {  	s25 =	simm.s32 $0x1B8E;
	s24 =	sld [smem:$0x3FFE];
	[sflag:s23] =	ssyncadd.s32 $0xFFFFFFFF  }
0xa5: {  	s26 =	simm.s32 $execute0_lowered;
	[smem:$0x3FD2] =	sst s25  }
0xa6: {  	s4 =	sshll.u32 s26, $0x1;
	_ =	strace $0x80000046;
	[dreg:$0x1] =	wrdreg $0xFFFFFFFF  }
0xa7: {  	s28 =	simm.s32 $_size_execute0_lowered;
	s2 =	sadd.s32 s2, s4;
	[dreg:$0x0] =	wrdreg $0x0  }
0xa8: {  	s4 =	sshll.u32 s28, $0x1;
	[dreg:$0x2] =	wrdreg s2  }
0xa9: {  	[dreg:$0x3] =	wrdreg s4  }
0xaa: {  	[dreg:$0x4] =	wrdreg $0xC0  }
0xab: {  	_ =	task [dreg:s6], $0x5FFFF  }
0xac: {  	[dreg:$0x1] =	wrdreg $0xFFFFFFFF  }
0xad: {  	[dreg:$0x0] =	wrdreg $0x60  }
0xae: {  	[dreg:$0x2] =	wrdreg s24  }
0xaf: {  	[dreg:$0x3] =	wrdreg $0xC  }
0xb0: {  	_ =	task.clear_ibuf [dreg:s6], $0x4FFFF;
	_ =	strace $0x90000046  }
0xb1: {  	s29 =	simm.s32 $0xC;
	_ =	strace $0x80000048  }
0xb2: {  	_ =	swait.ge [sflag:s29], $0x1  }
0xb3: {  	[sflag:s29] =	ssyncadd.s32 $0xFFFFFFFF  }
0xb4: {  	_ =	strace $0x90000048  }
0xb5: {  	_ =	sfence  }
0xb6: {  	s30 =	sld [smem:$0x0];
	_ =	sdelay $0x2  }
0xb7: {  	s31 =	sshll.u32 s1, $0xD;
	s1 =	sshrl.u32 s1, $0x2  }
0xb8: {  	s3 =	sand.u32 $0x4000, s31;
	s1 =	sadd.s32 s1, s30  }
0xb9: {  	s0 =	sor.u32 s3, s0;
	s1 =	sshll.u32 s1, $0x11  }
0xba: {  	s0 =	sor.u32 s1, s0  }
0xbb: {  	s0 =	sadd.s32 $0x8F2B, s0  }
0xbc: {  	[sflag:s0] =	ssyncadd.remote.s32 $0x1  }
0xbd: {  	_ =	sfence.sel $0xFFFF  }
0xbe: {  	[dreg:$0x0] =	wrdreg $0xFFFFFFFF;
	(pc) =	sbr.abs _section_cstart, $3  }
0xbf: {  	[dreg:$0x1] =	wrdreg $0xFFFFFFFF  }
0xc0: {  	_ =	task.clear_ibuf [dreg:s6], $0x2FFFF;
	_ =	strace $0x9FFFFFFF  }
0xc1: {  	(tm) =	ssettm $0x7FFFFFFF  }
tec
execute0_lowered:
.L_overlay_start_1:
0x0: {  	(tag) =	ssettag $0x1  }
0x1: {  	s3 =	rddreg [dreg:$0x0]  }
0x2: {  	s0 =	rddreg [dreg:$0x1];
	s2 =	simm.s32 $0x0;
	s4 =	srdreg.scid  }
0x3: {  	s1 =	stileid.u32;
	s12 =	simm.s32 $0x1280;
	s13 =	simm.s32 $0x0  }
0x4: {  	[smem:$0x7FF] =	sst s2;
	s6 =	sadd.s32 $0x2800, s3;
	s4 =	sand.u32 $0x1, s4  }
0x5: {  	s5 =	sshll.u32 s1, $0x1;
	s7 =	sadd.s32 $0xA800, s3;
	s9 =	sadd.s32 $0xB800, s3  }
0x6: {  	_ =	strace $0x80000047;
	s8 =	ssub.s32 $0x2, s4;
	s4 =	sor.u32 s4, s5  }
0x7: {  	s29 =	sshrl.u32 s8, $0x1;
	s5 =	sshll.u32 s4, $0x7;
	s30 =	sshll.u32 s4, $0xA  }
0x8: {  	v0 =	vlaneseq.u32;
	s10 =	ssub.s32 s8, s29;
	s31 =	sor.u32 $0x40, s5;
	s3 =	sadd.s32 s6, s30  }
0x9: {  	v4 =	vmul.u32 $0xFFFFFFFF, v0;
	s4 =	sadd.s32 s7, s5;
	s5 =	sadd.s32 s9, s5;
	s11 =	sshll.u32 s31, $0x3  }
0xa: {  	vm0 =	vmmov $0xff;
	v1 =	vor.u32 $0x10, v0;
	s7 =	sadd.s32 s7, s31;
	s8 =	sadd.s32 s9, s31;
	s9 =	smax.u32 s10, $0x1  }
0xb: {  	v2 =	vor.u32 $0x20, v0;
	v3 =	vor.u32 $0x30, v0;
	v4 =	vadd.s32 $0xF, v4;
	s10 =	simm.s32 $0x1;
	s6 =	sadd.s32 s6, s11;
	s11 =	simm.s32 $0x1000  }
.LBB2_1:
0xc: {  	[tilespmem:s2], [sflag:$0x1] =	stream.linear.gather [hbm4b:s3+s2], $0x1000, $0x38;
	[tilespmem:$0x1500] =	vst v63  }
0xd: {  	_ =	swait.ge [sflag:s10], $0x1000  }
0xe: {  	[sflag:s10] =	ssyncset.done $0x0  }
0xf: {  	s15 =	simm.s32 $0x20;
	[sflag:s10] =	ssyncadd.s32 $0xFFFFF000  }
0x10: {  	s16 =	simm.s32 $0x20;
	s14 =	simm.s32 $0x0;
	v5 =	vld [tilespmem:s15+$0x10]  }
.LBB2_2:
0x11: {  	p0 =	sne.s32 s16, $0x7E0;
	v6 =	vld [tilespmem:s15+$0x0]  }
0x12: {  	v7 =	vld [tilespmem:s15+$0xFFFFFFF0];
	_ =	sdelay $0x1  }
0x13: {  	v8 =	vld [tilespmem:s15+$0xFFFFFFE0]  }
0x14: {  	(xrf1) =	vsort.dscd.msk.f32 $0xffff, v5, v3  }
0x15: {  	(xrf1) =	vsort.dscd.msk.f32 $0xffff, v6, v2  }
0x16: {  	(xrf1) =	vsort.dscd.msk.f32 $0xffff, v7, v1;
	_ =	sdelay $0x1  }
0x17: {  	(xrf1) =	vsort.dscd.msk.f32 $0xffff, v8, v0;
	_ =	sdelay $0x9  }
0x18: {  	v5, v6, _ =	vpop (xrf1)  }
0x19: {  	v5 =	vperm.xlane v5, v4;
	v7, v8, _ =	vpop (xrf1)  }
0x1a: {  	v6 =	vperm.xlane v6, v4;
	v9, v10, _ =	vpop (xrf1)  }
0x1b: {  	v9 =	vperm.xlane v9, v4;
	vm1 =	vge.f32 v7, v5  }
0x1c: {  	v10 =	vperm.xlane v10, v4;
	v5 =	vsel vm1, v7, v5;
	v6 =	vsel vm1, v8, v6;
	v7, v8, _ =	vpop (xrf1)  }
0x1d: {  	vm1 =	vge.f32 v7, v9;
	(xrf1) =	vsort.dscd.msk.f32 $0xffff, v5, v6  }
0x1e: {  	v5 =	vsel vm1, v7, v9;
	v6 =	vsel vm1, v8, v10  }
0x1f: {  	(xrf1) =	vsort.dscd.msk.f32 $0xffff, v5, v6;
	_ =	sdelay $0xb  }
0x20: {  	v5, v6, _ =	vpop (xrf1)  }
0x21: {  	v5 =	vperm.xlane v5, v4  }
0x22: {  	v6 =	vperm.xlane v6, v4;
	v7, v8, _ =	vpop (xrf1)  }
0x23: {  	vm1 =	vge.f32 v7, v5  }
0x24: {  	v5 =	vsel vm1, v7, v5;
	v6 =	vsel vm1, v8, v6  }
0x25: {  	(xrf1) =	vsort.dscd.msk.f32 $0xffff, v5, v6;
	_ =	sdelay $0xd  }
0x26: {  	s17 =	sshra.s32 s14, $0x2;
	s14 =	smov.u32 s16;
	v5, v6, _ =	vpop (xrf1)  }
0x27: {  	[tilespmem:s17+$0x1280] =	vst.msk $0xff, v6;
	(xrf0) =	vmax.scan.msk.f32 $0xffff, v5;
	_ =	sdelay $0x5  }
0x28: {  	v6, _, _ =	vpop (xrf0)  }
0x29: {  	v6 =	vbroadcast v6, $0xF;
	_ =	sdelay $0x1  }
0x2a: {  	v5 =	vsub.f32 v5, v6;
	_ =	sdelay $0x1  }
0x2b: {  	v5 =	vmul.f32 $1.442695020e+00, v5;
	_ =	sdelay $0x1  }
0x2c: {  	(erf) = vpow2.f32 v5;
	_ =	sdelay $0x8  }
0x2d: {  	v5 =	vpop (erf)  }
0x2e: {  	v5 =	vnsel vm0, $0x0, v5  }
0x2f: {  	(xrf2) =	vadd.scan.msk.f32 $0xffff, v5;
	_ =	sdelay $0x9  }
0x30: {  	v6, _, _ =	vpop (xrf2)  }
0x31: {  	v6 =	vbroadcast v6, $0xF;
	_ =	sdelay $0x1  }
0x32: {  	(erf) = vrcp.f32 v6;
	_ =	sdelay $0x8  }
.Ltmp0:
0x33: {  	v6 =	vpop (erf);
	(pc) =	sbr.rel @p0 .LBB2_2-.Ltmp0, $3  }
0x34: {  	v5 =	vmul.f32 v6, v5;
	_ =	sdelay $0x1  }
0x35: {  	s15 =	sadd.s32 $0x40, s15;
	[tilespmem:s17+$0x1000] =	vst.msk $0xff, v5  }
0x36: {  	s16 =	sadd.s32 $0x20, s16;
	v5 =	vld [tilespmem:s15+$0x10]  }
0x37: {  	v6 =	vld [tilespmem:s15+$0x0]  }
0x38: {  	v7 =	vld [tilespmem:s15+$0xFFFFFFF0];
	_ =	sdelay $0x1  }
0x39: {  	v8 =	vld [tilespmem:s15+$0xFFFFFFE0]  }
0x3a: {  	(xrf1) =	vsort.dscd.msk.f32 $0xffff, v5, v3  }
0x3b: {  	(xrf1) =	vsort.dscd.msk.f32 $0xffff, v6, v2  }
0x3c: {  	(xrf1) =	vsort.dscd.msk.f32 $0xffff, v7, v1;
	_ =	sdelay $0x1  }
0x3d: {  	(xrf1) =	vsort.dscd.msk.f32 $0xffff, v8, v0;
	_ =	sdelay $0x9  }
0x3e: {  	v5, v6, _ =	vpop (xrf1)  }
0x3f: {  	v5 =	vperm.xlane v5, v4;
	v7, v61, _ =	vpop (xrf1)  }
0x40: {  	v6 =	vperm.xlane v6, v4;
	v9, v10, _ =	vpop (xrf1)  }
0x41: {  	v9 =	vperm.xlane v9, v4;
	vm1 =	vge.f32 v7, v5  }
0x42: {  	v10 =	vperm.xlane v10, v4;
	v5 =	vsel vm1, v7, v5;
	v6 =	vsel vm1, v61, v6;
	v7, v62, _ =	vpop (xrf1)  }
0x43: {  	vm1 =	vge.f32 v7, v9;
	(xrf1) =	vsort.dscd.msk.f32 $0xffff, v5, v6  }
0x44: {  	v5 =	vsel vm1, v7, v9;
	v6 =	vsel vm1, v62, v10  }
0x45: {  	(xrf1) =	vsort.dscd.msk.f32 $0xffff, v5, v6;
	_ =	sdelay $0xb  }
0x46: {  	v5, v6, _ =	vpop (xrf1)  }
0x47: {  	v5 =	vperm.xlane v5, v4  }
0x48: {  	v6 =	vperm.xlane v6, v4;
	v7, v63, _ =	vpop (xrf1)  }
0x49: {  	vm1 =	vge.f32 v7, v5  }
0x4a: {  	v5 =	vsel vm1, v7, v5;
	v6 =	vsel vm1, v63, v6  }
0x4b: {  	(xrf1) =	vsort.dscd.msk.f32 $0xffff, v5, v6;
	_ =	sdelay $0xd  }
0x4c: {  	v5, v6, _ =	vpop (xrf1)  }
0x4d: {  	(xrf0) =	vmax.scan.msk.f32 $0xffff, v5;
	_ =	sdelay $0x5  }
0x4e: {  	v7, _, _ =	vpop (xrf0)  }
0x4f: {  	v7 =	vbroadcast v7, $0xF;
	_ =	sdelay $0x1  }
0x50: {  	v5 =	vsub.f32 v5, v7;
	_ =	sdelay $0x1  }
0x51: {  	v5 =	vmul.f32 $1.442695020e+00, v5;
	_ =	sdelay $0x1  }
0x52: {  	(erf) = vpow2.f32 v5;
	_ =	sdelay $0x8  }
0x53: {  	v5 =	vpop (erf)  }
0x54: {  	v5 =	vnsel vm0, $0x0, v5  }
0x55: {  	(xrf2) =	vadd.scan.msk.f32 $0xffff, v5;
	_ =	sdelay $0x9  }
0x56: {  	v7, _, _ =	vpop (xrf2)  }
0x57: {  	v7 =	vbroadcast v7, $0xF;
	_ =	sdelay $0x1  }
0x58: {  	(erf) = vrcp.f32 v7;
	_ =	sdelay $0x8  }
0x59: {  	v7 =	vpop (erf)  }
0x5a: {  	s14 =	sshra.s32 s14, $0x2;
	v5 =	vmul.f32 v7, v5  }
0x5b: {  	[tilespmem:s14+$0x1280] =	vst.msk $0xff, v6  }
0x5c: {  	[tilespmem:s14+$0x1000] =	vst.msk $0xff, v5;
	s14 =	simm.s32 $0x0  }
0x5d: {  	[hbm4b:s4+s14] =	stream.linear.scatter [tilespmem:s11], [sflag:$0x1], $0x200, $0x38;
	[tilespmem:$0x1500] =	vst v63  }
0x5e: {  	_ =	swait.ge [sflag:s10], $0x200  }
0x5f: {  	[sflag:s10] =	ssyncset.done $0x0  }
0x60: {  	[sflag:s10] =	ssyncadd.s32 $0xFFFFFE00  }
0x61: {  	[hbm4b:s5+s14] =	stream.linear.scatter [tilespmem:s12], [sflag:$0x1], $0x200, $0x38;
	[tilespmem:$0x1500] =	vst v63  }
0x62: {  	_ =	swait.ge [sflag:s10], $0x200  }
0x63: {  	[sflag:s10] =	ssyncset.done $0x0  }
0x64: {  	[sflag:s10] =	ssyncadd.s32 $0xFFFFFE00  }
0x65: {  	[tilespmem:s14], [sflag:$0x1] =	stream.linear.gather [hbm4b:s6+s14], $0x1000, $0x38;
	[tilespmem:$0x1500] =	vst v63  }
0x66: {  	_ =	swait.ge [sflag:s10], $0x1000  }
0x67: {  	[sflag:s10] =	ssyncset.done $0x0  }
0x68: {  	s15 =	simm.s32 $0x20;
	[sflag:s10] =	ssyncadd.s32 $0xFFFFF000  }
0x69: {  	s16 =	simm.s32 $0x20;
	v5 =	vld [tilespmem:s15+$0x10]  }
.LBB2_4:
0x6a: {  	p0 =	sne.s32 s16, $0x7E0;
	v6 =	vld [tilespmem:s15+$0x0]  }
0x6b: {  	v7 =	vld [tilespmem:s15+$0xFFFFFFF0];
	_ =	sdelay $0x1  }
0x6c: {  	v8 =	vld [tilespmem:s15+$0xFFFFFFE0]  }
0x6d: {  	(xrf1) =	vsort.dscd.msk.f32 $0xffff, v5, v3  }
0x6e: {  	(xrf1) =	vsort.dscd.msk.f32 $0xffff, v6, v2  }
0x6f: {  	(xrf1) =	vsort.dscd.msk.f32 $0xffff, v7, v1;
	_ =	sdelay $0x1  }
0x70: {  	(xrf1) =	vsort.dscd.msk.f32 $0xffff, v8, v0;
	_ =	sdelay $0x9  }
0x71: {  	v5, v6, _ =	vpop (xrf1)  }
0x72: {  	v5 =	vperm.xlane v5, v4;
	v7, v8, _ =	vpop (xrf1)  }
0x73: {  	v6 =	vperm.xlane v6, v4;
	v9, v10, _ =	vpop (xrf1)  }
0x74: {  	v9 =	vperm.xlane v9, v4;
	vm1 =	vge.f32 v7, v5  }
0x75: {  	v10 =	vperm.xlane v10, v4;
	v5 =	vsel vm1, v7, v5;
	v6 =	vsel vm1, v8, v6;
	v7, v8, _ =	vpop (xrf1)  }
0x76: {  	vm1 =	vge.f32 v7, v9;
	(xrf1) =	vsort.dscd.msk.f32 $0xffff, v5, v6  }
0x77: {  	v5 =	vsel vm1, v7, v9;
	v6 =	vsel vm1, v8, v10  }
0x78: {  	(xrf1) =	vsort.dscd.msk.f32 $0xffff, v5, v6;
	_ =	sdelay $0xb  }
0x79: {  	v5, v6, _ =	vpop (xrf1)  }
0x7a: {  	v5 =	vperm.xlane v5, v4  }
0x7b: {  	v6 =	vperm.xlane v6, v4;
	v7, v8, _ =	vpop (xrf1)  }
0x7c: {  	vm1 =	vge.f32 v7, v5  }
0x7d: {  	v5 =	vsel vm1, v7, v5;
	v6 =	vsel vm1, v8, v6  }
0x7e: {  	(xrf1) =	vsort.dscd.msk.f32 $0xffff, v5, v6;
	_ =	sdelay $0xd  }
0x7f: {  	s17 =	sshra.s32 s14, $0x2;
	s14 =	smov.u32 s16;
	v5, v6, _ =	vpop (xrf1)  }
0x80: {  	[tilespmem:s17+$0x1280] =	vst.msk $0xff, v6;
	(xrf0) =	vmax.scan.msk.f32 $0xffff, v5;
	_ =	sdelay $0x5  }
0x81: {  	v6, _, _ =	vpop (xrf0)  }
0x82: {  	v6 =	vbroadcast v6, $0xF;
	_ =	sdelay $0x1  }
0x83: {  	v5 =	vsub.f32 v5, v6;
	_ =	sdelay $0x1  }
0x84: {  	v5 =	vmul.f32 $1.442695020e+00, v5;
	_ =	sdelay $0x1  }
0x85: {  	(erf) = vpow2.f32 v5;
	_ =	sdelay $0x8  }
0x86: {  	v5 =	vpop (erf)  }
0x87: {  	v5 =	vnsel vm0, $0x0, v5  }
0x88: {  	(xrf2) =	vadd.scan.msk.f32 $0xffff, v5;
	_ =	sdelay $0x9  }
0x89: {  	v6, _, _ =	vpop (xrf2)  }
0x8a: {  	v6 =	vbroadcast v6, $0xF;
	_ =	sdelay $0x1  }
0x8b: {  	(erf) = vrcp.f32 v6;
	_ =	sdelay $0x8  }
.Ltmp1:
0x8c: {  	v6 =	vpop (erf);
	(pc) =	sbr.rel @p0 .LBB2_4-.Ltmp1, $3  }
0x8d: {  	v5 =	vmul.f32 v6, v5;
	_ =	sdelay $0x1  }
0x8e: {  	s15 =	sadd.s32 $0x40, s15;
	[tilespmem:s17+$0x1000] =	vst.msk $0xff, v5  }
0x8f: {  	s16 =	sadd.s32 $0x20, s16;
	v5 =	vld [tilespmem:s15+$0x10]  }
0x90: {  	v6 =	vld [tilespmem:s15+$0x0]  }
0x91: {  	v7 =	vld [tilespmem:s15+$0xFFFFFFF0];
	_ =	sdelay $0x1  }
0x92: {  	v8 =	vld [tilespmem:s15+$0xFFFFFFE0]  }
0x93: {  	(xrf1) =	vsort.dscd.msk.f32 $0xffff, v5, v3  }
0x94: {  	(xrf1) =	vsort.dscd.msk.f32 $0xffff, v6, v2  }
0x95: {  	(xrf1) =	vsort.dscd.msk.f32 $0xffff, v7, v1;
	_ =	sdelay $0x1  }
0x96: {  	(xrf1) =	vsort.dscd.msk.f32 $0xffff, v8, v0;
	_ =	sdelay $0x9  }
0x97: {  	v5, v6, _ =	vpop (xrf1)  }
0x98: {  	v5 =	vperm.xlane v5, v4;
	v7, v61, _ =	vpop (xrf1)  }
0x99: {  	v6 =	vperm.xlane v6, v4;
	v9, v10, _ =	vpop (xrf1)  }
0x9a: {  	v9 =	vperm.xlane v9, v4;
	vm1 =	vge.f32 v7, v5  }
0x9b: {  	v10 =	vperm.xlane v10, v4;
	v5 =	vsel vm1, v7, v5;
	v6 =	vsel vm1, v61, v6;
	v7, v62, _ =	vpop (xrf1)  }
0x9c: {  	vm1 =	vge.f32 v7, v9;
	(xrf1) =	vsort.dscd.msk.f32 $0xffff, v5, v6  }
0x9d: {  	v5 =	vsel vm1, v7, v9;
	v6 =	vsel vm1, v62, v10  }
0x9e: {  	(xrf1) =	vsort.dscd.msk.f32 $0xffff, v5, v6;
	_ =	sdelay $0xb  }
0x9f: {  	v5, v6, _ =	vpop (xrf1)  }
0xa0: {  	v5 =	vperm.xlane v5, v4  }
0xa1: {  	v6 =	vperm.xlane v6, v4;
	v7, v63, _ =	vpop (xrf1)  }
0xa2: {  	vm1 =	vge.f32 v7, v5  }
0xa3: {  	v5 =	vsel vm1, v7, v5;
	v6 =	vsel vm1, v63, v6  }
0xa4: {  	(xrf1) =	vsort.dscd.msk.f32 $0xffff, v5, v6;
	_ =	sdelay $0xd  }
0xa5: {  	v5, v6, _ =	vpop (xrf1)  }
0xa6: {  	(xrf0) =	vmax.scan.msk.f32 $0xffff, v5;
	_ =	sdelay $0x5  }
0xa7: {  	v7, _, _ =	vpop (xrf0)  }
0xa8: {  	v7 =	vbroadcast v7, $0xF;
	_ =	sdelay $0x1  }
0xa9: {  	v5 =	vsub.f32 v5, v7;
	_ =	sdelay $0x1  }
0xaa: {  	v5 =	vmul.f32 $1.442695020e+00, v5;
	_ =	sdelay $0x1  }
0xab: {  	(erf) = vpow2.f32 v5;
	_ =	sdelay $0x8  }
0xac: {  	v5 =	vpop (erf)  }
0xad: {  	v5 =	vnsel vm0, $0x0, v5  }
0xae: {  	(xrf2) =	vadd.scan.msk.f32 $0xffff, v5;
	_ =	sdelay $0x9  }
0xaf: {  	v7, _, _ =	vpop (xrf2)  }
0xb0: {  	v7 =	vbroadcast v7, $0xF;
	_ =	sdelay $0x1  }
0xb1: {  	(erf) = vrcp.f32 v7;
	_ =	sdelay $0x8  }
0xb2: {  	v7 =	vpop (erf)  }
0xb3: {  	s14 =	sshra.s32 s14, $0x2;
	v5 =	vmul.f32 v7, v5  }
0xb4: {  	[tilespmem:s14+$0x1280] =	vst.msk $0xff, v6  }
0xb5: {  	[tilespmem:s14+$0x1000] =	vst.msk $0xff, v5  }
0xb6: {  	[hbm4b:s7+s2] =	stream.linear.scatter [tilespmem:s11], [sflag:$0x1], $0x200, $0x38;
	[tilespmem:$0x1500] =	vst v63  }
0xb7: {  	s13 =	sadd.s32 $0x1, s13;
	_ =	swait.ge [sflag:s10], $0x200  }
0xb8: {  	p0 =	sne.s32 s13, s9;
	[sflag:s10] =	ssyncset.done $0x0  }
.Ltmp2:
0xb9: {  	[sflag:s10] =	ssyncadd.s32 $0xFFFFFE00;
	(pc) =	sbr.rel @p0 .LBB2_1-.Ltmp2, $4  }
0xba: {  	[hbm4b:s8+s2] =	stream.linear.scatter [tilespmem:s12], [sflag:$0x1], $0x200, $0x38;
	[tilespmem:$0x1500] =	vst v63  }
0xbb: {  	_ =	swait.ge [sflag:s10], $0x200  }
0xbc: {  	[sflag:s10] =	ssyncset.done $0x0  }
0xbd: {  	[sflag:s10] =	ssyncadd.s32 $0xFFFFFE00  }
0xbe: {  	_ =	sfence.sel $0x180000  }
0xbf: {  	[bflag:$0x0] =	sbarrier.arrive $0xFFFF  }
0xc0: {  	p0 =	sne.s32 s1, $0x0;
	_ =	strace $0x90000047  }
0xc1: {  	s0 =	sadd.s32 @!p0 $0x100000, s0;
	[bflag:$0x2] =	sbarrier.arrive $0xFFFF  }
0xc2: {  	[sflag:s0] =	ssyncadd.tile.s32 @!p0 $0x1;
	_ =	shalt  }
.Lfunc_end2:
_tile_overlayer_lowered:
.L_overlay_start_2:
0xc3: {  	(tag) =	ssettag $0x2  }
0xc4: {  	s0 =	rddreg [dreg:$0x0];
	s2 =	stileid.u32  }
0xc5: {  	s1 =	rddreg [dreg:$0x1];
	p0 =	sne.s32 s2, $0x0  }
0xc6: {  	s3 =	rddreg [dreg:$0x2];
	[bflag:$0x3] =	sbarrier.arrive $0xFFFF;
	s2 =	simm.s32 @!p0 $0x1C01  }
0xc7: {  	[timem:s3], [sflag:s2] =	dma.local @!p0 [hbm:s0], s1  }
0xc8: {  	s0 =	simm.s32 @!p0 $0x1  }
0xc9: {  	_ =	swait.ge @!p0 [sflag:s0], s1  }
0xca: {  	s1 =	ssub.s32 @!p0 $0x0, s1;
	[sflag:s0] =	ssyncset.done @!p0 $0x0  }
0xcb: {  	[sflag:s0] =	ssyncadd.s32 @!p0 s1  }
0xcc: {  	[bflag:$0x3] =	sbarrier.arrive $0xFFFF  }
0xcd: {  	_ =	shalt  }

</sc_bundles>
